<compile_context>
chip_gen: v7x
topology: tpu7x:2x2x1
jax: 0.10.2.dev20260603
libtpu: 0.0.44.dev20260713+nightly
codegen_flags: <defaults>
</compile_context>

<pallas_src>
import functools

import jax
import jax.numpy as jnp
from jax import lax
from jax.experimental import pallas as pl
from jax.experimental.pallas import tpu as pltpu, tpu_sc as plsc

B, H, W, C = 2, 512, 512, 96
N = B * H * W
HW = H * W
NC, NS = 2, 16
NW = NC * NS
PW = N // NW
CHUNK = 64
NCH = PW // CHUNK
CG = C // 16
CP = 128


def _warp_body(table_hbm, fy_hbm, fx_hbm, out_hbm,
               fy_v, fx_v, ax_v, ay_v, idx_v, gbuf, out_v,
               sg0, sg1, so0, so1, sf0, sf1):
    wid = lax.axis_index("s") * NC + lax.axis_index("c")
    base = wid * PW
    gsems = (sg0, sg1)
    osems = (so0, so1)
    fsems = (sf0, sf1)

    def flow_fetch(ci, b):
        pbase = base + ci * CHUNK
        pltpu.async_copy(fy_hbm.at[pl.ds(pbase, CHUNK)], fy_v.at[b],
                         fsems[b])
        pltpu.async_copy(fx_hbm.at[pl.ds(pbase, CHUNK)], fx_v.at[b],
                         fsems[b])

    def stage(ci, b):
        pbase = base + ci * CHUNK
        row = lax.shift_right_logical(pbase, 9)
        y0 = jnp.bitwise_and(row, H - 1)
        bofs = lax.shift_left(lax.shift_right_logical(row, 9), 18)
        xb = jnp.bitwise_and(pbase, W - 1)

        pltpu.make_async_copy(fy_hbm.at[pl.ds(pbase, CHUNK)], fy_v.at[b],
                              fsems[b]).wait()
        pltpu.make_async_copy(fx_hbm.at[pl.ds(pbase, CHUNK)], fx_v.at[b],
                              fsems[b]).wait()

        y0f = y0.astype(jnp.float32)
        for g in range(CHUNK // 16):
            sl = pl.ds(g * 16, 16)
            qy = jnp.clip(y0f - fy_v[b, sl], 0.0, float(H - 1))
            iy = jnp.minimum(qy.astype(jnp.int32), H - 2)
            ay = qy - iy.astype(jnp.float32)
            xf = (xb + g * 16).astype(jnp.float32) + \
                lax.iota(jnp.int32, 16).astype(jnp.float32)
            qx = jnp.clip(xf - fx_v[b, sl], 0.0, float(W - 1))
            ix = jnp.minimum(qx.astype(jnp.int32), W - 2)
            ax = qx - ix.astype(jnp.float32)
            itl = bofs + lax.shift_left(iy, 9) + ix
            ay_v[b, sl] = ay
            ax_v[b, sl] = ax
            idx_v[b, 0, sl] = itl
            idx_v[b, 1, sl] = itl + 1
            idx_v[b, 2, sl] = itl + W
            idx_v[b, 3, sl] = itl + W + 1

        for q in range(4):
            pltpu.async_copy(table_hbm.at[idx_v.at[b, q]], gbuf.at[b, q],
                             gsems[b])

    def drain_gathers(b):
        for q in range(4):
            pltpu.make_async_copy(table_hbm.at[idx_v.at[b, q]],
                                  gbuf.at[b, q], gsems[b]).wait()

    def blend(ci, b):
        pbase = base + ci * CHUNK

        def p_body(p, c2):
            axb = ax_v[b, pl.ds(p, 16)][0]
            ayb = ay_v[b, pl.ds(p, 16)][0]
            for c in range(CG):
                csl = pl.ds(c * 16, 16)
                tl = gbuf[b, 0, p, csl]
                tr = gbuf[b, 1, p, csl]
                bl = gbuf[b, 2, p, csl]
                br = gbuf[b, 3, p, csl]
                top = tl + axb * (tr - tl)
                bot = bl + axb * (br - bl)
                out_v[b, p, csl] = top + ayb * (bot - top)
            return c2

        lax.fori_loop(0, CHUNK, p_body, 0)
        pltpu.async_copy(out_v.at[b], out_hbm.at[pl.ds(pbase, CHUNK)],
                         osems[b])

    def drain_out(b):
        pltpu.make_async_copy(out_v.at[b], out_hbm.at[pl.ds(base, CHUNK)],
                              osems[b]).wait()

    flow_fetch(0, 0)
    flow_fetch(1, 1)
    stage(0, 0)

    def pair_body(cp_i, carry):
        for b in range(2):
            ci = cp_i * 2 + b

            @pl.when(ci + 2 < NCH)
            def _():
                flow_fetch(ci + 2, b)

            @pl.when(ci + 1 < NCH)
            def _():
                stage(ci + 1, 1 - b)

            drain_gathers(b)

            @pl.when(ci >= 2)
            def _():
                drain_out(b)

            blend(ci, b)
        return carry

    lax.fori_loop(0, NCH // 2, pair_body, 0)
    drain_out(0)
    drain_out(1)


@jax.jit
def kernel(image, flow):
    table = jnp.pad(image.reshape(N, C), ((0, 0), (0, CP - C)))
    fy = flow[..., 0].reshape(N)
    fx = flow[..., 1].reshape(N)

    mesh = plsc.VectorSubcoreMesh(core_axis_name="c", subcore_axis_name="s")
    out = pl.kernel(
        _warp_body,
        out_type=jax.ShapeDtypeStruct((N, C), jnp.float32),
        mesh=mesh,
        scratch_types=[
            pltpu.VMEM((2, CHUNK), jnp.float32),
            pltpu.VMEM((2, CHUNK), jnp.float32),
            pltpu.VMEM((2, CHUNK + 16), jnp.float32),
            pltpu.VMEM((2, CHUNK + 16), jnp.float32),
            pltpu.VMEM((2, 4, CHUNK), jnp.int32),
            pltpu.VMEM((2, 4, CHUNK, CP), jnp.float32),
            pltpu.VMEM((2, CHUNK, C), jnp.float32),
            pltpu.SemaphoreType.DMA,
            pltpu.SemaphoreType.DMA,
            pltpu.SemaphoreType.DMA,
            pltpu.SemaphoreType.DMA,
            pltpu.SemaphoreType.DMA,
            pltpu.SemaphoreType.DMA,
        ],
    )(table, fy, fx)
    return out.reshape(B, H, W, C)

# --- scband reference (transcript-rebuilt; emitter-appended) ---
"""Pipeline reference for scband-optical-flow-35158602285814 (READ-ONLY COPY).

The authoritative reference and input builder live on the scoring server;
editing this copy changes nothing except your own understanding.
"""

import jax, jax.numpy as jnp
import numpy as np


def setup_inputs(seed: int = 0) -> dict:
    key = jax.random.key(seed)
    k1, k2 = jax.random.split(key)
    image = jax.random.normal(k1, (2, 512, 512, 96), dtype=jnp.float32)
    flow = jax.random.normal(k2, (2, 512, 512, 2), dtype=jnp.float32)
    return {"image": image, "flow": flow}


def _interpolate_bilinear(grid, query_points):
    # grid: [B, H, W, C], query_points: [B, N, 2] in (y, x) 'ij' indexing
    B, H, W, C = grid.shape
    N = query_points.shape[1]
    qy = query_points[..., 0]
    qx = query_points[..., 1]

    # y dimension (size H)
    floor_y = jnp.clip(jnp.floor(qy), 0.0, float(H - 2))
    int_floor_y = floor_y.astype(jnp.int32)
    int_ceil_y = int_floor_y + 1
    alpha_y = jnp.clip(qy - floor_y, 0.0, 1.0)[..., None]  # [B, N, 1]

    # x dimension (size W)
    floor_x = jnp.clip(jnp.floor(qx), 0.0, float(W - 2))
    int_floor_x = floor_x.astype(jnp.int32)
    int_ceil_x = int_floor_x + 1
    alpha_x = jnp.clip(qx - floor_x, 0.0, 1.0)[..., None]  # [B, N, 1]

    flattened_grid = grid.reshape(B * H * W, C)
    batch_offsets = (jnp.arange(B, dtype=jnp.int32) * (H * W))[:, None]  # [B, 1]

    def gather(y_coords, x_coords):
        linear = batch_offsets + y_coords * W + x_coords  # [B, N]
        return jnp.take(flattened_grid, linear, axis=0)  # [B, N, C]

    top_left = gather(int_floor_y, int_floor_x)
    top_right = gather(int_floor_y, int_ceil_x)
    bottom_left = gather(int_ceil_y, int_floor_x)
    bottom_right = gather(int_ceil_y, int_ceil_x)

    interp_top = alpha_x * (top_right - top_left) + top_left
    interp_bottom = alpha_x * (bottom_right - bottom_left) + bottom_left
    interp = alpha_y * (interp_bottom - interp_top) + interp_top
    return interp


def reference(image, flow):
    # Faithful jax port of tfa dense_image_warp (BackWarp layer forward).
    B, H, W, C = image.shape
    grid_x, grid_y = jnp.meshgrid(jnp.arange(W), jnp.arange(H))  # 'xy' default, each [H, W]
    stacked_grid = jnp.stack([grid_y, grid_x], axis=2).astype(flow.dtype)  # [H, W, 2] (y, x)
    batched_grid = stacked_grid[None, ...]  # [1, H, W, 2]
    query_points_on_grid = batched_grid - flow  # [B, H, W, 2]
    query_points_flattened = query_points_on_grid.reshape(B, H * W, 2)
    interpolated = _interpolate_bilinear(image, query_points_flattened)
    return interpolated.reshape(B, H, W, C)

if __name__ == "__main__":
    import jax
    _d = setup_inputs()
    print(jax.jit(kernel)(*tuple(_d.values())))

</pallas_src>

<mosaic_0001>
#map = affine_map<(d0, d1) -> (0, 0)>
#map1 = affine_map<(d0, d1) -> (0)>
module attributes {stable_mosaic.version = 14 : i64} {
  func.func @_warp_body(%arg0: i32, %arg1: i32, %arg2: memref<524288x128xf32, #tpu.memory_space<hbm>>, %arg3: memref<524288xf32, #tpu.memory_space<hbm>>, %arg4: memref<524288xf32, #tpu.memory_space<hbm>>, %arg5: memref<524288x96xf32, #tpu.memory_space<hbm>>, %arg6: memref<2x64xf32, #tpu.memory_space<vmem>>, %arg7: memref<2x64xf32, #tpu.memory_space<vmem>>, %arg8: memref<2x80xf32, #tpu.memory_space<vmem>>, %arg9: memref<2x80xf32, #tpu.memory_space<vmem>>, %arg10: memref<2x4x64xi32, #tpu.memory_space<vmem>>, %arg11: memref<2x4x64x128xf32, #tpu.memory_space<vmem>>, %arg12: memref<2x64x96xf32, #tpu.memory_space<vmem>>, %arg13: memref<!tpu.dma_semaphore, #tpu.memory_space<semaphore_mem>>, %arg14: memref<!tpu.dma_semaphore, #tpu.memory_space<semaphore_mem>>, %arg15: memref<!tpu.dma_semaphore, #tpu.memory_space<semaphore_mem>>, %arg16: memref<!tpu.dma_semaphore, #tpu.memory_space<semaphore_mem>>, %arg17: memref<!tpu.dma_semaphore, #tpu.memory_space<semaphore_mem>>, %arg18: memref<!tpu.dma_semaphore, #tpu.memory_space<semaphore_mem>>) attributes {dimension_semantics = [#tpu.dimension_semantics<core_parallel>, #tpu.dimension_semantics<subcore_parallel>], iteration_bounds = array<i64: 2, 16>, scalar_prefetch = 0 : i64, scratch_operands = 13 : i64, tpu.core_type = #tpu.core_type<sc_vector_subcore>, window_params = [{transform_indices = #map}, {transform_indices = #map1}, {transform_indices = #map1}, {transform_indices = #map}]} {
    %mul3A = arith.constant 2 : i32
    %mul3A_0 = arith.muli %arg1, %mul3A : i32
    %add3A = arith.addi %mul3A_0, %arg0 : i32
    %mul3A_1 = arith.constant 16384 : i32
    %mul3A_2 = arith.muli %add3A, %mul3A_1 : i32
    %add3A_3 = arith.constant 0 : i32
    %add3A_4 = arith.addi %mul3A_2, %add3A_3 : i32
    %dma_start3A = arith.constant 0 : i32
    %dma_start3A_5 = arith.constant 0 : i32
    %dma_start3A_6 = tpu.memref_slice %arg6[%dma_start3A, %dma_start3A_5] : memref<2x64xf32, #tpu.memory_space<vmem>> -> memref<1x64xf32, #tpu.memory_space<vmem>>
    %dma_start3A_7 = tpu.memref_squeeze %dma_start3A_6 : memref<1x64xf32, #tpu.memory_space<vmem>> -> memref<64xf32, #tpu.memory_space<vmem>>
    %dma_start3A_8 = tpu.memref_slice %arg3[%add3A_4] : memref<524288xf32, #tpu.memory_space<hbm>> -> memref<64xf32, #tpu.memory_space<hbm>>
    %dma_start3A_9 = arith.constant 0 : i32
    %dma_start3A_10 = tpu.memref_slice %arg6[%dma_start3A, %dma_start3A_9] : memref<2x64xf32, #tpu.memory_space<vmem>> -> memref<1x64xf32, #tpu.memory_space<vmem>>
    %dma_start3A_11 = tpu.memref_squeeze %dma_start3A_10 : memref<1x64xf32, #tpu.memory_space<vmem>> -> memref<64xf32, #tpu.memory_space<vmem>>
    %dma_start3A_12 = tpu.memref_slice %arg3[%add3A_4] : memref<524288xf32, #tpu.memory_space<hbm>> -> memref<64xf32, #tpu.memory_space<hbm>>
    tpu.enqueue_dma source(%dma_start3A_12 : memref<64xf32, #tpu.memory_space<hbm>>) target(%dma_start3A_11 : memref<64xf32, #tpu.memory_space<vmem>>) target_semaphore(%arg17 : memref<!tpu.dma_semaphore, #tpu.memory_space<semaphore_mem>>)
    %dma_start3A_13 = arith.constant 0 : i32
    %dma_start3A_14 = arith.constant 0 : i32
    %dma_start3A_15 = tpu.memref_slice %arg7[%dma_start3A_13, %dma_start3A_14] : memref<2x64xf32, #tpu.memory_space<vmem>> -> memref<1x64xf32, #tpu.memory_space<vmem>>
    %dma_start3A_16 = tpu.memref_squeeze %dma_start3A_15 : memref<1x64xf32, #tpu.memory_space<vmem>> -> memref<64xf32, #tpu.memory_space<vmem>>
    %dma_start3A_17 = tpu.memref_slice %arg4[%add3A_4] : memref<524288xf32, #tpu.memory_space<hbm>> -> memref<64xf32, #tpu.memory_space<hbm>>
    %dma_start3A_18 = arith.constant 0 : i32
    %dma_start3A_19 = tpu.memref_slice %arg7[%dma_start3A_13, %dma_start3A_18] : memref<2x64xf32, #tpu.memory_space<vmem>> -> memref<1x64xf32, #tpu.memory_space<vmem>>
    %dma_start3A_20 = tpu.memref_squeeze %dma_start3A_19 : memref<1x64xf32, #tpu.memory_space<vmem>> -> memref<64xf32, #tpu.memory_space<vmem>>
    %dma_start3A_21 = tpu.memref_slice %arg4[%add3A_4] : memref<524288xf32, #tpu.memory_space<hbm>> -> memref<64xf32, #tpu.memory_space<hbm>>
    tpu.enqueue_dma source(%dma_start3A_21 : memref<64xf32, #tpu.memory_space<hbm>>) target(%dma_start3A_20 : memref<64xf32, #tpu.memory_space<vmem>>) target_semaphore(%arg17 : memref<!tpu.dma_semaphore, #tpu.memory_space<semaphore_mem>>)
    %add3A_22 = arith.constant 64 : i32
    %add3A_23 = arith.addi %mul3A_2, %add3A_22 : i32
    %dma_start3A_24 = arith.constant 1 : i32
    %dma_start3A_25 = arith.constant 0 : i32
    %dma_start3A_26 = tpu.memref_slice %arg6[%dma_start3A_24, %dma_start3A_25] : memref<2x64xf32, #tpu.memory_space<vmem>> -> memref<1x64xf32, #tpu.memory_space<vmem>>
    %dma_start3A_27 = tpu.memref_squeeze %dma_start3A_26 : memref<1x64xf32, #tpu.memory_space<vmem>> -> memref<64xf32, #tpu.memory_space<vmem>>
    %dma_start3A_28 = tpu.memref_slice %arg3[%add3A_23] : memref<524288xf32, #tpu.memory_space<hbm>> -> memref<64xf32, #tpu.memory_space<hbm>>
    %dma_start3A_29 = arith.constant 0 : i32
    %dma_start3A_30 = tpu.memref_slice %arg6[%dma_start3A_24, %dma_start3A_29] : memref<2x64xf32, #tpu.memory_space<vmem>> -> memref<1x64xf32, #tpu.memory_space<vmem>>
    %dma_start3A_31 = tpu.memref_squeeze %dma_start3A_30 : memref<1x64xf32, #tpu.memory_space<vmem>> -> memref<64xf32, #tpu.memory_space<vmem>>
    %dma_start3A_32 = tpu.memref_slice %arg3[%add3A_23] : memref<524288xf32, #tpu.memory_space<hbm>> -> memref<64xf32, #tpu.memory_space<hbm>>
    tpu.enqueue_dma source(%dma_start3A_32 : memref<64xf32, #tpu.memory_space<hbm>>) target(%dma_start3A_31 : memref<64xf32, #tpu.memory_space<vmem>>) target_semaphore(%arg18 : memref<!tpu.dma_semaphore, #tpu.memory_space<semaphore_mem>>)
    %dma_start3A_33 = arith.constant 1 : i32
    %dma_start3A_34 = arith.constant 0 : i32
    %dma_start3A_35 = tpu.memref_slice %arg7[%dma_start3A_33, %dma_start3A_34] : memref<2x64xf32, #tpu.memory_space<vmem>> -> memref<1x64xf32, #tpu.memory_space<vmem>>
    %dma_start3A_36 = tpu.memref_squeeze %dma_start3A_35 : memref<1x64xf32, #tpu.memory_space<vmem>> -> memref<64xf32, #tpu.memory_space<vmem>>
    %dma_start3A_37 = tpu.memref_slice %arg4[%add3A_23] : memref<524288xf32, #tpu.memory_space<hbm>> -> memref<64xf32, #tpu.memory_space<hbm>>
    %dma_start3A_38 = arith.constant 0 : i32
    %dma_start3A_39 = tpu.memref_slice %arg7[%dma_start3A_33, %dma_start3A_38] : memref<2x64xf32, #tpu.memory_space<vmem>> -> memref<1x64xf32, #tpu.memory_space<vmem>>
    %dma_start3A_40 = tpu.memref_squeeze %dma_start3A_39 : memref<1x64xf32, #tpu.memory_space<vmem>> -> memref<64xf32, #tpu.memory_space<vmem>>
    %dma_start3A_41 = tpu.memref_slice %arg4[%add3A_23] : memref<524288xf32, #tpu.memory_space<hbm>> -> memref<64xf32, #tpu.memory_space<hbm>>
    tpu.enqueue_dma source(%dma_start3A_41 : memref<64xf32, #tpu.memory_space<hbm>>) target(%dma_start3A_40 : memref<64xf32, #tpu.memory_space<vmem>>) target_semaphore(%arg18 : memref<!tpu.dma_semaphore, #tpu.memory_space<semaphore_mem>>)
    %add3A_42 = arith.constant 0 : i32
    %add3A_43 = arith.addi %mul3A_2, %add3A_42 : i32
    %shift_right_logical3A = arith.constant 9 : i32
    %shift_right_logical3A_44 = arith.shrui %add3A_43, %shift_right_logical3A : i32
    %and3A = arith.constant 511 : i32
    %and3A_45 = arith.andi %shift_right_logical3A_44, %and3A : i32
    %shift_right_logical3A_46 = arith.constant 9 : i32
    %shift_right_logical3A_47 = arith.shrui %shift_right_logical3A_44, %shift_right_logical3A_46 : i32
    %shift_left3A = arith.constant 18 : i32
    %shift_left3A_48 = arith.shli %shift_right_logical3A_47, %shift_left3A : i32
    %and3A_49 = arith.constant 511 : i32
    %and3A_50 = arith.andi %add3A_43, %and3A_49 : i32
    %dma_wait3A = arith.constant 0 : i32
    %dma_wait3A_51 = arith.constant 0 : i32
    %dma_wait3A_52 = tpu.memref_slice %arg6[%dma_wait3A, %dma_wait3A_51] : memref<2x64xf32, #tpu.memory_space<vmem>> -> memref<1x64xf32, #tpu.memory_space<vmem>>
    %dma_wait3A_53 = tpu.memref_squeeze %dma_wait3A_52 : memref<1x64xf32, #tpu.memory_space<vmem>> -> memref<64xf32, #tpu.memory_space<vmem>>
    %dma_wait3A_54 = tpu.memref_slice %arg3[%add3A_43] : memref<524288xf32, #tpu.memory_space<hbm>> -> memref<64xf32, #tpu.memory_space<hbm>>
    %dma_wait3A_55 = arith.constant 0 : i32
    %dma_wait3A_56 = tpu.memref_slice %arg6[%dma_wait3A, %dma_wait3A_55] : memref<2x64xf32, #tpu.memory_space<vmem>> -> memref<1x64xf32, #tpu.memory_space<vmem>>
    %dma_wait3A_57 = tpu.memref_squeeze %dma_wait3A_56 : memref<1x64xf32, #tpu.memory_space<vmem>> -> memref<64xf32, #tpu.memory_space<vmem>>
    %dma_wait3A_58 = tpu.memref_slice %arg3[%add3A_43] : memref<524288xf32, #tpu.memory_space<hbm>> -> memref<64xf32, #tpu.memory_space<hbm>>
    tpu.wait_dma2 semaphore(%arg17 : memref<!tpu.dma_semaphore, #tpu.memory_space<semaphore_mem>>) src(%dma_wait3A_58 : memref<64xf32, #tpu.memory_space<hbm>>) dst(%dma_wait3A_57 : memref<64xf32, #tpu.memory_space<vmem>>)
    %dma_wait3A_59 = arith.constant 0 : i32
    %dma_wait3A_60 = arith.constant 0 : i32
    %dma_wait3A_61 = tpu.memref_slice %arg7[%dma_wait3A_59, %dma_wait3A_60] : memref<2x64xf32, #tpu.memory_space<vmem>> -> memref<1x64xf32, #tpu.memory_space<vmem>>
    %dma_wait3A_62 = tpu.memref_squeeze %dma_wait3A_61 : memref<1x64xf32, #tpu.memory_space<vmem>> -> memref<64xf32, #tpu.memory_space<vmem>>
    %dma_wait3A_63 = tpu.memref_slice %arg4[%add3A_43] : memref<524288xf32, #tpu.memory_space<hbm>> -> memref<64xf32, #tpu.memory_space<hbm>>
    %dma_wait3A_64 = arith.constant 0 : i32
    %dma_wait3A_65 = tpu.memref_slice %arg7[%dma_wait3A_59, %dma_wait3A_64] : memref<2x64xf32, #tpu.memory_space<vmem>> -> memref<1x64xf32, #tpu.memory_space<vmem>>
    %dma_wait3A_66 = tpu.memref_squeeze %dma_wait3A_65 : memref<1x64xf32, #tpu.memory_space<vmem>> -> memref<64xf32, #tpu.memory_space<vmem>>
    %dma_wait3A_67 = tpu.memref_slice %arg4[%add3A_43] : memref<524288xf32, #tpu.memory_space<hbm>> -> memref<64xf32, #tpu.memory_space<hbm>>
    tpu.wait_dma2 semaphore(%arg17 : memref<!tpu.dma_semaphore, #tpu.memory_space<semaphore_mem>>) src(%dma_wait3A_67 : memref<64xf32, #tpu.memory_space<hbm>>) dst(%dma_wait3A_66 : memref<64xf32, #tpu.memory_space<vmem>>)
    %convert_element_type3A = arith.sitofp %and3A_45 : i32 to f32
    %get3A = arith.constant 0 : i32
    %get3A_68 = arith.index_cast %get3A : i32 to index
    %get3A_69 = arith.constant 0 : index
    %get3A_70 = tpu.vector_load %arg6[%get3A_68, %get3A_69] {strides = array<i32>} : memref<2x64xf32, #tpu.memory_space<vmem>>, vector<1x16xf32>,
    %get3A_71 = vector.shape_cast %get3A_70 : vector<1x16xf32> to vector<16xf32>
    %sub3A = vector.broadcast %convert_element_type3A : f32 to vector<16xf32>
    %sub3A_72 = arith.subf %sub3A, %get3A_71 : vector<16xf32>
    %jit3A = arith.constant 0.000000e+00 : f32
    %jit3A_73 = arith.constant 5.110000e+02 : f32
    %max3A = vector.broadcast %jit3A : f32 to vector<16xf32>
    %max3A_74 = arith.maximumf %max3A, %sub3A_72 : vector<16xf32>
    %min3A = vector.broadcast %jit3A_73 : f32 to vector<16xf32>
    %min3A_75 = arith.minimumf %min3A, %max3A_74 : vector<16xf32>
    %convert_element_type3A_76 = arith.fptosi %min3A_75 : vector<16xf32> to vector<16xi32>
    %min3A_77 = arith.constant 510 : i32
    %min3A_78 = vector.broadcast %min3A_77 : i32 to vector<16xi32>
    %min3A_79 = arith.minsi %convert_element_type3A_76, %min3A_78 : vector<16xi32>
    %convert_element_type3A_80 = arith.sitofp %min3A_79 : vector<16xi32> to vector<16xf32>
    %sub3A_81 = arith.subf %min3A_75, %convert_element_type3A_80 : vector<16xf32>
    %add3A_82 = arith.constant 0 : i32
    %add3A_83 = arith.addi %and3A_50, %add3A_82 : i32
    %convert_element_type3A_84 = arith.sitofp %add3A_83 : i32 to f32
    %iota3A = tpu.iota {dimensions = array<i32: 0>} : vector<16xi32>
    %convert_element_type3A_85 = arith.sitofp %iota3A : vector<16xi32> to vector<16xf32>
    %add3A_86 = vector.broadcast %convert_element_type3A_84 : f32 to vector<16xf32>
    %add3A_87 = arith.addf %add3A_86, %convert_element_type3A_85 : vector<16xf32>
    %get3A_88 = arith.constant 0 : i32
    %get3A_89 = arith.index_cast %get3A_88 : i32 to index
    %get3A_90 = arith.constant 0 : index
    %get3A_91 = tpu.vector_load %arg7[%get3A_89, %get3A_90] {strides = array<i32>} : memref<2x64xf32, #tpu.memory_space<vmem>>, vector<1x16xf32>,
    %get3A_92 = vector.shape_cast %get3A_91 : vector<1x16xf32> to vector<16xf32>
    %sub3A_93 = arith.subf %add3A_87, %get3A_92 : vector<16xf32>
    %jit3A_94 = arith.constant 0.000000e+00 : f32
    %jit3A_95 = arith.constant 5.110000e+02 : f32
    %max3A_96 = vector.broadcast %jit3A_94 : f32 to vector<16xf32>
    %max3A_97 = arith.maximumf %max3A_96, %sub3A_93 : vector<16xf32>
    %min3A_98 = vector.broadcast %jit3A_95 : f32 to vector<16xf32>
    %min3A_99 = arith.minimumf %min3A_98, %max3A_97 : vector<16xf32>
    %convert_element_type3A_100 = arith.fptosi %min3A_99 : vector<16xf32> to vector<16xi32>
    %min3A_101 = arith.constant 510 : i32
    %min3A_102 = vector.broadcast %min3A_101 : i32 to vector<16xi32>
    %min3A_103 = arith.minsi %convert_element_type3A_100, %min3A_102 : vector<16xi32>
    %convert_element_type3A_104 = arith.sitofp %min3A_103 : vector<16xi32> to vector<16xf32>
    %sub3A_105 = arith.subf %min3A_99, %convert_element_type3A_104 : vector<16xf32>
    %shift_left3A_106 = arith.constant 9 : i32
    %shift_left3A_107 = vector.broadcast %shift_left3A_106 : i32 to vector<16xi32>
    %shift_left3A_108 = arith.shli %min3A_79, %shift_left3A_107 : vector<16xi32>
    %add3A_109 = vector.broadcast %shift_left3A_48 : i32 to vector<16xi32>
    %add3A_110 = arith.addi %add3A_109, %shift_left3A_108 : vector<16xi32>
    %add3A_111 = arith.addi %add3A_110, %min3A_103 : vector<16xi32>
    %swap3A = arith.constant 0 : i32
    %swap3A_112 = arith.index_cast %swap3A : i32 to index
    %swap3A_113 = arith.constant 0 : index
    %swap3A_114 = tpu.vector_load %arg9[%swap3A_112, %swap3A_113] {strides = array<i32>} : memref<2x80xf32, #tpu.memory_space<vmem>>, vector<1x16xf32>,
    %swap3A_115 = vector.shape_cast %swap3A_114 : vector<1x16xf32> to vector<16xf32>
    %swap3A_116 = vector.shape_cast %sub3A_81 : vector<16xf32> to vector<1x16xf32>
    tpu.vector_store %arg9[%swap3A_112, %swap3A_113], %swap3A_116 {strides = array<i32>} : memref<2x80xf32, #tpu.memory_space<vmem>>, vector<1x16xf32>,
    %swap3A_117 = arith.constant 0 : i32
    %swap3A_118 = arith.index_cast %swap3A_117 : i32 to index
    %swap3A_119 = arith.constant 0 : index
    %swap3A_120 = tpu.vector_load %arg8[%swap3A_118, %swap3A_119] {strides = array<i32>} : memref<2x80xf32, #tpu.memory_space<vmem>>, vector<1x16xf32>,
    %swap3A_121 = vector.shape_cast %swap3A_120 : vector<1x16xf32> to vector<16xf32>
    %swap3A_122 = vector.shape_cast %sub3A_105 : vector<16xf32> to vector<1x16xf32>
    tpu.vector_store %arg8[%swap3A_118, %swap3A_119], %swap3A_122 {strides = array<i32>} : memref<2x80xf32, #tpu.memory_space<vmem>>, vector<1x16xf32>,
    %swap3A_123 = arith.constant 0 : i32
    %swap3A_124 = arith.constant 0 : i32
    %swap3A_125 = arith.index_cast %swap3A_123 : i32 to index
    %swap3A_126 = arith.index_cast %swap3A_124 : i32 to index
    %swap3A_127 = arith.constant 0 : index
    %swap3A_128 = tpu.vector_load %arg10[%swap3A_125, %swap3A_126, %swap3A_127] {strides = array<i32>} : memref<2x4x64xi32, #tpu.memory_space<vmem>>, vector<1x1x16xi32>,
    %swap3A_129 = vector.shape_cast %swap3A_128 : vector<1x1x16xi32> to vector<16xi32>
    %swap3A_130 = vector.shape_cast %add3A_111 : vector<16xi32> to vector<1x1x16xi32>
    tpu.vector_store %arg10[%swap3A_125, %swap3A_126, %swap3A_127], %swap3A_130 {strides = array<i32>} : memref<2x4x64xi32, #tpu.memory_space<vmem>>, vector<1x1x16xi32>,
    %add3A_131 = arith.constant 1 : i32
    %add3A_132 = vector.broadcast %add3A_131 : i32 to vector<16xi32>
    %add3A_133 = arith.addi %add3A_111, %add3A_132 : vector<16xi32>
    %swap3A_134 = arith.constant 0 : i32
    %swap3A_135 = arith.constant 1 : i32
    %swap3A_136 = arith.index_cast %swap3A_134 : i32 to index
    %swap3A_137 = arith.index_cast %swap3A_135 : i32 to index
    %swap3A_138 = arith.constant 0 : index
    %swap3A_139 = tpu.vector_load %arg10[%swap3A_136, %swap3A_137, %swap3A_138] {strides = array<i32>} : memref<2x4x64xi32, #tpu.memory_space<vmem>>, vector<1x1x16xi32>,
    %swap3A_140 = vector.shape_cast %swap3A_139 : vector<1x1x16xi32> to vector<16xi32>
    %swap3A_141 = vector.shape_cast %add3A_133 : vector<16xi32> to vector<1x1x16xi32>
    tpu.vector_store %arg10[%swap3A_136, %swap3A_137, %swap3A_138], %swap3A_141 {strides = array<i32>} : memref<2x4x64xi32, #tpu.memory_space<vmem>>, vector<1x1x16xi32>,
    %add3A_142 = arith.constant 512 : i32
    %add3A_143 = vector.broadcast %add3A_142 : i32 to vector<16xi32>
    %add3A_144 = arith.addi %add3A_111, %add3A_143 : vector<16xi32>
    %swap3A_145 = arith.constant 0 : i32
    %swap3A_146 = arith.constant 2 : i32
    %swap3A_147 = arith.index_cast %swap3A_145 : i32 to index
    %swap3A_148 = arith.index_cast %swap3A_146 : i32 to index
    %swap3A_149 = arith.constant 0 : index
    %swap3A_150 = tpu.vector_load %arg10[%swap3A_147, %swap3A_148, %swap3A_149] {strides = array<i32>} : memref<2x4x64xi32, #tpu.memory_space<vmem>>, vector<1x1x16xi32>,
    %swap3A_151 = vector.shape_cast %swap3A_150 : vector<1x1x16xi32> to vector<16xi32>
    %swap3A_152 = vector.shape_cast %add3A_144 : vector<16xi32> to vector<1x1x16xi32>
    tpu.vector_store %arg10[%swap3A_147, %swap3A_148, %swap3A_149], %swap3A_152 {strides = array<i32>} : memref<2x4x64xi32, #tpu.memory_space<vmem>>, vector<1x1x16xi32>,
    %add3A_153 = arith.constant 512 : i32
    %add3A_154 = vector.broadcast %add3A_153 : i32 to vector<16xi32>
    %add3A_155 = arith.addi %add3A_111, %add3A_154 : vector<16xi32>
    %add3A_156 = arith.constant 1 : i32
    %add3A_157 = vector.broadcast %add3A_156 : i32 to vector<16xi32>
    %add3A_158 = arith.addi %add3A_155, %add3A_157 : vector<16xi32>
    %swap3A_159 = arith.constant 0 : i32
    %swap3A_160 = arith.constant 3 : i32
    %swap3A_161 = arith.index_cast %swap3A_159 : i32 to index
    %swap3A_162 = arith.index_cast %swap3A_160 : i32 to index
    %swap3A_163 = arith.constant 0 : index
    %swap3A_164 = tpu.vector_load %arg10[%swap3A_161, %swap3A_162, %swap3A_163] {strides = array<i32>} : memref<2x4x64xi32, #tpu.memory_space<vmem>>, vector<1x1x16xi32>,
    %swap3A_165 = vector.shape_cast %swap3A_164 : vector<1x1x16xi32> to vector<16xi32>
    %swap3A_166 = vector.shape_cast %add3A_158 : vector<16xi32> to vector<1x1x16xi32>
    tpu.vector_store %arg10[%swap3A_161, %swap3A_162, %swap3A_163], %swap3A_166 {strides = array<i32>} : memref<2x4x64xi32, #tpu.memory_space<vmem>>, vector<1x1x16xi32>,
    %get3A_167 = arith.constant 0 : i32
    %get3A_168 = arith.index_cast %get3A_167 : i32 to index
    %get3A_169 = arith.constant 16 : index
    %get3A_170 = tpu.vector_load %arg6[%get3A_168, %get3A_169] {strides = array<i32>} : memref<2x64xf32, #tpu.memory_space<vmem>>, vector<1x16xf32>,
    %get3A_171 = vector.shape_cast %get3A_170 : vector<1x16xf32> to vector<16xf32>
    %sub3A_172 = vector.broadcast %convert_element_type3A : f32 to vector<16xf32>
    %sub3A_173 = arith.subf %sub3A_172, %get3A_171 : vector<16xf32>
    %jit3A_174 = arith.constant 0.000000e+00 : f32
    %jit3A_175 = arith.constant 5.110000e+02 : f32
    %max3A_176 = vector.broadcast %jit3A_174 : f32 to vector<16xf32>
    %max3A_177 = arith.maximumf %max3A_176, %sub3A_173 : vector<16xf32>
    %min3A_178 = vector.broadcast %jit3A_175 : f32 to vector<16xf32>
    %min3A_179 = arith.minimumf %min3A_178, %max3A_177 : vector<16xf32>
    %convert_element_type3A_180 = arith.fptosi %min3A_179 : vector<16xf32> to vector<16xi32>
    %min3A_181 = arith.constant 510 : i32
    %min3A_182 = vector.broadcast %min3A_181 : i32 to vector<16xi32>
    %min3A_183 = arith.minsi %convert_element_type3A_180, %min3A_182 : vector<16xi32>
    %convert_element_type3A_184 = arith.sitofp %min3A_183 : vector<16xi32> to vector<16xf32>
    %sub3A_185 = arith.subf %min3A_179, %convert_element_type3A_184 : vector<16xf32>
    %add3A_186 = arith.constant 16 : i32
    %add3A_187 = arith.addi %and3A_50, %add3A_186 : i32
    %convert_element_type3A_188 = arith.sitofp %add3A_187 : i32 to f32
    %iota3A_189 = tpu.iota {dimensions = array<i32: 0>} : vector<16xi32>
    %convert_element_type3A_190 = arith.sitofp %iota3A_189 : vector<16xi32> to vector<16xf32>
    %add3A_191 = vector.broadcast %convert_element_type3A_188 : f32 to vector<16xf32>
    %add3A_192 = arith.addf %add3A_191, %convert_element_type3A_190 : vector<16xf32>
    %get3A_193 = arith.constant 0 : i32
    %get3A_194 = arith.index_cast %get3A_193 : i32 to index
    %get3A_195 = arith.constant 16 : index
    %get3A_196 = tpu.vector_load %arg7[%get3A_194, %get3A_195] {strides = array<i32>} : memref<2x64xf32, #tpu.memory_space<vmem>>, vector<1x16xf32>,
    %get3A_197 = vector.shape_cast %get3A_196 : vector<1x16xf32> to vector<16xf32>
    %sub3A_198 = arith.subf %add3A_192, %get3A_197 : vector<16xf32>
    %jit3A_199 = arith.constant 0.000000e+00 : f32
    %jit3A_200 = arith.constant 5.110000e+02 : f32
    %max3A_201 = vector.broadcast %jit3A_199 : f32 to vector<16xf32>
    %max3A_202 = arith.maximumf %max3A_201, %sub3A_198 : vector<16xf32>
    %min3A_203 = vector.broadcast %jit3A_200 : f32 to vector<16xf32>
    %min3A_204 = arith.minimumf %min3A_203, %max3A_202 : vector<16xf32>
    %convert_element_type3A_205 = arith.fptosi %min3A_204 : vector<16xf32> to vector<16xi32>
    %min3A_206 = arith.constant 510 : i32
    %min3A_207 = vector.broadcast %min3A_206 : i32 to vector<16xi32>
    %min3A_208 = arith.minsi %convert_element_type3A_205, %min3A_207 : vector<16xi32>
    %convert_element_type3A_209 = arith.sitofp %min3A_208 : vector<16xi32> to vector<16xf32>
    %sub3A_210 = arith.subf %min3A_204, %convert_element_type3A_209 : vector<16xf32>
    %shift_left3A_211 = arith.constant 9 : i32
    %shift_left3A_212 = vector.broadcast %shift_left3A_211 : i32 to vector<16xi32>
    %shift_left3A_213 = arith.shli %min3A_183, %shift_left3A_212 : vector<16xi32>
    %add3A_214 = vector.broadcast %shift_left3A_48 : i32 to vector<16xi32>
    %add3A_215 = arith.addi %add3A_214, %shift_left3A_213 : vector<16xi32>
    %add3A_216 = arith.addi %add3A_215, %min3A_208 : vector<16xi32>
    %swap3A_217 = arith.constant 0 : i32
    %swap3A_218 = arith.index_cast %swap3A_217 : i32 to index
    %swap3A_219 = arith.constant 16 : index
    %swap3A_220 = tpu.vector_load %arg9[%swap3A_218, %swap3A_219] {strides = array<i32>} : memref<2x80xf32, #tpu.memory_space<vmem>>, vector<1x16xf32>,
    %swap3A_221 = vector.shape_cast %swap3A_220 : vector<1x16xf32> to vector<16xf32>
    %swap3A_222 = vector.shape_cast %sub3A_185 : vector<16xf32> to vector<1x16xf32>
    tpu.vector_store %arg9[%swap3A_218, %swap3A_219], %swap3A_222 {strides = array<i32>} : memref<2x80xf32, #tpu.memory_space<vmem>>, vector<1x16xf32>,
    %swap3A_223 = arith.constant 0 : i32
    %swap3A_224 = arith.index_cast %swap3A_223 : i32 to index
    %swap3A_225 = arith.constant 16 : index
    %swap3A_226 = tpu.vector_load %arg8[%swap3A_224, %swap3A_225] {strides = array<i32>} : memref<2x80xf32, #tpu.memory_space<vmem>>, vector<1x16xf32>,
    %swap3A_227 = vector.shape_cast %swap3A_226 : vector<1x16xf32> to vector<16xf32>
    %swap3A_228 = vector.shape_cast %sub3A_210 : vector<16xf32> to vector<1x16xf32>
    tpu.vector_store %arg8[%swap3A_224, %swap3A_225], %swap3A_228 {strides = array<i32>} : memref<2x80xf32, #tpu.memory_space<vmem>>, vector<1x16xf32>,
    %swap3A_229 = arith.constant 0 : i32
    %swap3A_230 = arith.constant 0 : i32
    %swap3A_231 = arith.index_cast %swap3A_229 : i32 to index
    %swap3A_232 = arith.index_cast %swap3A_230 : i32 to index
    %swap3A_233 = arith.constant 16 : index
    %swap3A_234 = tpu.vector_load %arg10[%swap3A_231, %swap3A_232, %swap3A_233] {strides = array<i32>} : memref<2x4x64xi32, #tpu.memory_space<vmem>>, vector<1x1x16xi32>,
    %swap3A_235 = vector.shape_cast %swap3A_234 : vector<1x1x16xi32> to vector<16xi32>
    %swap3A_236 = vector.shape_cast %add3A_216 : vector<16xi32> to vector<1x1x16xi32>
    tpu.vector_store %arg10[%swap3A_231, %swap3A_232, %swap3A_233], %swap3A_236 {strides = array<i32>} : memref<2x4x64xi32, #tpu.memory_space<vmem>>, vector<1x1x16xi32>,
    %add3A_237 = arith.constant 1 : i32
    %add3A_238 = vector.broadcast %add3A_237 : i32 to vector<16xi32>
    %add3A_239 = arith.addi %add3A_216, %add3A_238 : vector<16xi32>
    %swap3A_240 = arith.constant 0 : i32
    %swap3A_241 = arith.constant 1 : i32
    %swap3A_242 = arith.index_cast %swap3A_240 : i32 to index
    %swap3A_243 = arith.index_cast %swap3A_241 : i32 to index
    %swap3A_244 = arith.constant 16 : index
    %swap3A_245 = tpu.vector_load %arg10[%swap3A_242, %swap3A_243, %swap3A_244] {strides = array<i32>} : memref<2x4x64xi32, #tpu.memory_space<vmem>>, vector<1x1x16xi32>,
    %swap3A_246 = vector.shape_cast %swap3A_245 : vector<1x1x16xi32> to vector<16xi32>
    %swap3A_247 = vector.shape_cast %add3A_239 : vector<16xi32> to vector<1x1x16xi32>
    tpu.vector_store %arg10[%swap3A_242, %swap3A_243, %swap3A_244], %swap3A_247 {strides = array<i32>} : memref<2x4x64xi32, #tpu.memory_space<vmem>>, vector<1x1x16xi32>,
    %add3A_248 = arith.constant 512 : i32
    %add3A_249 = vector.broadcast %add3A_248 : i32 to vector<16xi32>
    %add3A_250 = arith.addi %add3A_216, %add3A_249 : vector<16xi32>
    %swap3A_251 = arith.constant 0 : i32
    %swap3A_252 = arith.constant 2 : i32
    %swap3A_253 = arith.index_cast %swap3A_251 : i32 to index
    %swap3A_254 = arith.index_cast %swap3A_252 : i32 to index
    %swap3A_255 = arith.constant 16 : index
    %swap3A_256 = tpu.vector_load %arg10[%swap3A_253, %swap3A_254, %swap3A_255] {strides = array<i32>} : memref<2x4x64xi32, #tpu.memory_space<vmem>>, vector<1x1x16xi32>,
    %swap3A_257 = vector.shape_cast %swap3A_256 : vector<1x1x16xi32> to vector<16xi32>
    %swap3A_258 = vector.shape_cast %add3A_250 : vector<16xi32> to vector<1x1x16xi32>
    tpu.vector_store %arg10[%swap3A_253, %swap3A_254, %swap3A_255], %swap3A_258 {strides = array<i32>} : memref<2x4x64xi32, #tpu.memory_space<vmem>>, vector<1x1x16xi32>,
    %add3A_259 = arith.constant 512 : i32
    %add3A_260 = vector.broadcast %add3A_259 : i32 to vector<16xi32>
    %add3A_261 = arith.addi %add3A_216, %add3A_260 : vector<16xi32>
    %add3A_262 = arith.constant 1 : i32
    %add3A_263 = vector.broadcast %add3A_262 : i32 to vector<16xi32>
    %add3A_264 = arith.addi %add3A_261, %add3A_263 : vector<16xi32>
    %swap3A_265 = arith.constant 0 : i32
    %swap3A_266 = arith.constant 3 : i32
    %swap3A_267 = arith.index_cast %swap3A_265 : i32 to index
    %swap3A_268 = arith.index_cast %swap3A_266 : i32 to index
    %swap3A_269 = arith.constant 16 : index
    %swap3A_270 = tpu.vector_load %arg10[%swap3A_267, %swap3A_268, %swap3A_269] {strides = array<i32>} : memref<2x4x64xi32, #tpu.memory_space<vmem>>, vector<1x1x16xi32>,
    %swap3A_271 = vector.shape_cast %swap3A_270 : vector<1x1x16xi32> to vector<16xi32>
    %swap3A_272 = vector.shape_cast %add3A_264 : vector<16xi32> to vector<1x1x16xi32>
    tpu.vector_store %arg10[%swap3A_267, %swap3A_268, %swap3A_269], %swap3A_272 {strides = array<i32>} : memref<2x4x64xi32, #tpu.memory_space<vmem>>, vector<1x1x16xi32>,
    %get3A_273 = arith.constant 0 : i32
    %get3A_274 = arith.index_cast %get3A_273 : i32 to index
    %get3A_275 = arith.constant 32 : index
    %get3A_276 = tpu.vector_load %arg6[%get3A_274, %get3A_275] {strides = array<i32>} : memref<2x64xf32, #tpu.memory_space<vmem>>, vector<1x16xf32>,
    %get3A_277 = vector.shape_cast %get3A_276 : vector<1x16xf32> to vector<16xf32>
    %sub3A_278 = vector.broadcast %convert_element_type3A : f32 to vector<16xf32>
    %sub3A_279 = arith.subf %sub3A_278, %get3A_277 : vector<16xf32>
    %jit3A_280 = arith.constant 0.000000e+00 : f32
    %jit3A_281 = arith.constant 5.110000e+02 : f32
    %max3A_282 = vector.broadcast %jit3A_280 : f32 to vector<16xf32>
    %max3A_283 = arith.maximumf %max3A_282, %sub3A_279 : vector<16xf32>
    %min3A_284 = vector.broadcast %jit3A_281 : f32 to vector<16xf32>
    %min3A_285 = arith.minimumf %min3A_284, %max3A_283 : vector<16xf32>
    %convert_element_type3A_286 = arith.fptosi %min3A_285 : vector<16xf32> to vector<16xi32>
    %min3A_287 = arith.constant 510 : i32
    %min3A_288 = vector.broadcast %min3A_287 : i32 to vector<16xi32>
    %min3A_289 = arith.minsi %convert_element_type3A_286, %min3A_288 : vector<16xi32>
    %convert_element_type3A_290 = arith.sitofp %min3A_289 : vector<16xi32> to vector<16xf32>
    %sub3A_291 = arith.subf %min3A_285, %convert_element_type3A_290 : vector<16xf32>
    %add3A_292 = arith.constant 32 : i32
    %add3A_293 = arith.addi %and3A_50, %add3A_292 : i32
    %convert_element_type3A_294 = arith.sitofp %add3A_293 : i32 to f32
    %iota3A_295 = tpu.iota {dimensions = array<i32: 0>} : vector<16xi32>
    %convert_element_type3A_296 = arith.sitofp %iota3A_295 : vector<16xi32> to vector<16xf32>
    %add3A_297 = vector.broadcast %convert_element_type3A_294 : f32 to vector<16xf32>
    %add3A_298 = arith.addf %add3A_297, %convert_element_type3A_296 : vector<16xf32>
    %get3A_299 = arith.constant 0 : i32
    %get3A_300 = arith.index_cast %get3A_299 : i32 to index
    %get3A_301 = arith.constant 32 : index
    %get3A_302 = tpu.vector_load %arg7[%get3A_300, %get3A_301] {strides = array<i32>} : memref<2x64xf32, #tpu.memory_space<vmem>>, vector<1x16xf32>,
    %get3A_303 = vector.shape_cast %get3A_302 : vector<1x16xf32> to vector<16xf32>
    %sub3A_304 = arith.subf %add3A_298, %get3A_303 : vector<16xf32>
    %jit3A_305 = arith.constant 0.000000e+00 : f32
    %jit3A_306 = arith.constant 5.110000e+02 : f32
    %max3A_307 = vector.broadcast %jit3A_305 : f32 to vector<16xf32>
    %max3A_308 = arith.maximumf %max3A_307, %sub3A_304 : vector<16xf32>
    %min3A_309 = vector.broadcast %jit3A_306 : f32 to vector<16xf32>
    %min3A_310 = arith.minimumf %min3A_309, %max3A_308 : vector<16xf32>
    %convert_element_type3A_311 = arith.fptosi %min3A_310 : vector<16xf32> to vector<16xi32>
    %min3A_312 = arith.constant 510 : i32
    %min3A_313 = vector.broadcast %min3A_312 : i32 to vector<16xi32>
    %min3A_314 = arith.minsi %convert_element_type3A_311, %min3A_313 : vector<16xi32>
    %convert_element_type3A_315 = arith.sitofp %min3A_314 : vector<16xi32> to vector<16xf32>
    %sub3A_316 = arith.subf %min3A_310, %convert_element_type3A_315 : vector<16xf32>
    %shift_left3A_317 = arith.constant 9 : i32
    %shift_left3A_318 = vector.broadcast %shift_left3A_317 : i32 to vector<16xi32>
    %shift_left3A_319 = arith.shli %min3A_289, %shift_left3A_318 : vector<16xi32>
    %add3A_320 = vector.broadcast %shift_left3A_48 : i32 to vector<16xi32>
    %add3A_321 = arith.addi %add3A_320, %shift_left3A_319 : vector<16xi32>
    %add3A_322 = arith.addi %add3A_321, %min3A_314 : vector<16xi32>
    %swap3A_323 = arith.constant 0 : i32
    %swap3A_324 = arith.index_cast %swap3A_323 : i32 to index
    %swap3A_325 = arith.constant 32 : index
    %swap3A_326 = tpu.vector_load %arg9[%swap3A_324, %swap3A_325] {strides = array<i32>} : memref<2x80xf32, #tpu.memory_space<vmem>>, vector<1x16xf32>,
    %swap3A_327 = vector.shape_cast %swap3A_326 : vector<1x16xf32> to vector<16xf32>
    %swap3A_328 = vector.shape_cast %sub3A_291 : vector<16xf32> to vector<1x16xf32>
    tpu.vector_store %arg9[%swap3A_324, %swap3A_325], %swap3A_328 {strides = array<i32>} : memref<2x80xf32, #tpu.memory_space<vmem>>, vector<1x16xf32>,
    %swap3A_329 = arith.constant 0 : i32
    %swap3A_330 = arith.index_cast %swap3A_329 : i32 to index
    %swap3A_331 = arith.constant 32 : index
    %swap3A_332 = tpu.vector_load %arg8[%swap3A_330, %swap3A_331] {strides = array<i32>} : memref<2x80xf32, #tpu.memory_space<vmem>>, vector<1x16xf32>,
    %swap3A_333 = vector.shape_cast %swap3A_332 : vector<1x16xf32> to vector<16xf32>
    %swap3A_334 = vector.shape_cast %sub3A_316 : vector<16xf32> to vector<1x16xf32>
    tpu.vector_store %arg8[%swap3A_330, %swap3A_331], %swap3A_334 {strides = array<i32>} : memref<2x80xf32, #tpu.memory_space<vmem>>, vector<1x16xf32>,
    %swap3A_335 = arith.constant 0 : i32
    %swap3A_336 = arith.constant 0 : i32
    %swap3A_337 = arith.index_cast %swap3A_335 : i32 to index
    %swap3A_338 = arith.index_cast %swap3A_336 : i32 to index
    %swap3A_339 = arith.constant 32 : index
    %swap3A_340 = tpu.vector_load %arg10[%swap3A_337, %swap3A_338, %swap3A_339] {strides = array<i32>} : memref<2x4x64xi32, #tpu.memory_space<vmem>>, vector<1x1x16xi32>,
    %swap3A_341 = vector.shape_cast %swap3A_340 : vector<1x1x16xi32> to vector<16xi32>
    %swap3A_342 = vector.shape_cast %add3A_322 : vector<16xi32> to vector<1x1x16xi32>
    tpu.vector_store %arg10[%swap3A_337, %swap3A_338, %swap3A_339], %swap3A_342 {strides = array<i32>} : memref<2x4x64xi32, #tpu.memory_space<vmem>>, vector<1x1x16xi32>,
    %add3A_343 = arith.constant 1 : i32
    %add3A_344 = vector.broadcast %add3A_343 : i32 to vector<16xi32>
    %add3A_345 = arith.addi %add3A_322, %add3A_344 : vector<16xi32>
    %swap3A_346 = arith.constant 0 : i32
    %swap3A_347 = arith.constant 1 : i32
    %swap3A_348 = arith.index_cast %swap3A_346 : i32 to index
    %swap3A_349 = arith.index_cast %swap3A_347 : i32 to index
    %swap3A_350 = arith.constant 32 : index
    %swap3A_351 = tpu.vector_load %arg10[%swap3A_348, %swap3A_349, %swap3A_350] {strides = array<i32>} : memref<2x4x64xi32, #tpu.memory_space<vmem>>, vector<1x1x16xi32>,
    %swap3A_352 = vector.shape_cast %swap3A_351 : vector<1x1x16xi32> to vector<16xi32>
    %swap3A_353 = vector.shape_cast %add3A_345 : vector<16xi32> to vector<1x1x16xi32>
    tpu.vector_store %arg10[%swap3A_348, %swap3A_349, %swap3A_350], %swap3A_353 {strides = array<i32>} : memref<2x4x64xi32, #tpu.memory_space<vmem>>, vector<1x1x16xi32>,
    %add3A_354 = arith.constant 512 : i32
    %add3A_355 = vector.broadcast %add3A_354 : i32 to vector<16xi32>
    %add3A_356 = arith.addi %add3A_322, %add3A_355 : vector<16xi32>
    %swap3A_357 = arith.constant 0 : i32
    %swap3A_358 = arith.constant 2 : i32
    %swap3A_359 = arith.index_cast %swap3A_357 : i32 to index
    %swap3A_360 = arith.index_cast %swap3A_358 : i32 to index
    %swap3A_361 = arith.constant 32 : index
    %swap3A_362 = tpu.vector_load %arg10[%swap3A_359, %swap3A_360, %swap3A_361] {strides = array<i32>} : memref<2x4x64xi32, #tpu.memory_space<vmem>>, vector<1x1x16xi32>,
    %swap3A_363 = vector.shape_cast %swap3A_362 : vector<1x1x16xi32> to vector<16xi32>
    %swap3A_364 = vector.shape_cast %add3A_356 : vector<16xi32> to vector<1x1x16xi32>
    tpu.vector_store %arg10[%swap3A_359, %swap3A_360, %swap3A_361], %swap3A_364 {strides = array<i32>} : memref<2x4x64xi32, #tpu.memory_space<vmem>>, vector<1x1x16xi32>,
    %add3A_365 = arith.constant 512 : i32
    %add3A_366 = vector.broadcast %add3A_365 : i32 to vector<16xi32>
    %add3A_367 = arith.addi %add3A_322, %add3A_366 : vector<16xi32>
    %add3A_368 = arith.constant 1 : i32
    %add3A_369 = vector.broadcast %add3A_368 : i32 to vector<16xi32>
    %add3A_370 = arith.addi %add3A_367, %add3A_369 : vector<16xi32>
    %swap3A_371 = arith.constant 0 : i32
    %swap3A_372 = arith.constant 3 : i32
    %swap3A_373 = arith.index_cast %swap3A_371 : i32 to index
    %swap3A_374 = arith.index_cast %swap3A_372 : i32 to index
    %swap3A_375 = arith.constant 32 : index
    %swap3A_376 = tpu.vector_load %arg10[%swap3A_373, %swap3A_374, %swap3A_375] {strides = array<i32>} : memref<2x4x64xi32, #tpu.memory_space<vmem>>, vector<1x1x16xi32>,
    %swap3A_377 = vector.shape_cast %swap3A_376 : vector<1x1x16xi32> to vector<16xi32>
    %swap3A_378 = vector.shape_cast %add3A_370 : vector<16xi32> to vector<1x1x16xi32>
    tpu.vector_store %arg10[%swap3A_373, %swap3A_374, %swap3A_375], %swap3A_378 {strides = array<i32>} : memref<2x4x64xi32, #tpu.memory_space<vmem>>, vector<1x1x16xi32>,
    %get3A_379 = arith.constant 0 : i32
    %get3A_380 = arith.index_cast %get3A_379 : i32 to index
    %get3A_381 = arith.constant 48 : index
    %get3A_382 = tpu.vector_load %arg6[%get3A_380, %get3A_381] {strides = array<i32>} : memref<2x64xf32, #tpu.memory_space<vmem>>, vector<1x16xf32>,
    %get3A_383 = vector.shape_cast %get3A_382 : vector<1x16xf32> to vector<16xf32>
    %sub3A_384 = vector.broadcast %convert_element_type3A : f32 to vector<16xf32>
    %sub3A_385 = arith.subf %sub3A_384, %get3A_383 : vector<16xf32>
    %jit3A_386 = arith.constant 0.000000e+00 : f32
    %jit3A_387 = arith.constant 5.110000e+02 : f32
    %max3A_388 = vector.broadcast %jit3A_386 : f32 to vector<16xf32>
    %max3A_389 = arith.maximumf %max3A_388, %sub3A_385 : vector<16xf32>
    %min3A_390 = vector.broadcast %jit3A_387 : f32 to vector<16xf32>
    %min3A_391 = arith.minimumf %min3A_390, %max3A_389 : vector<16xf32>
    %convert_element_type3A_392 = arith.fptosi %min3A_391 : vector<16xf32> to vector<16xi32>
    %min3A_393 = arith.constant 510 : i32
    %min3A_394 = vector.broadcast %min3A_393 : i32 to vector<16xi32>
    %min3A_395 = arith.minsi %convert_element_type3A_392, %min3A_394 : vector<16xi32>
    %convert_element_type3A_396 = arith.sitofp %min3A_395 : vector<16xi32> to vector<16xf32>
    %sub3A_397 = arith.subf %min3A_391, %convert_element_type3A_396 : vector<16xf32>
    %add3A_398 = arith.constant 48 : i32
    %add3A_399 = arith.addi %and3A_50, %add3A_398 : i32
    %convert_element_type3A_400 = arith.sitofp %add3A_399 : i32 to f32
    %iota3A_401 = tpu.iota {dimensions = array<i32: 0>} : vector<16xi32>
    %convert_element_type3A_402 = arith.sitofp %iota3A_401 : vector<16xi32> to vector<16xf32>
    %add3A_403 = vector.broadcast %convert_element_type3A_400 : f32 to vector<16xf32>
    %add3A_404 = arith.addf %add3A_403, %convert_element_type3A_402 : vector<16xf32>
    %get3A_405 = arith.constant 0 : i32
    %get3A_406 = arith.index_cast %get3A_405 : i32 to index
    %get3A_407 = arith.constant 48 : index
    %get3A_408 = tpu.vector_load %arg7[%get3A_406, %get3A_407] {strides = array<i32>} : memref<2x64xf32, #tpu.memory_space<vmem>>, vector<1x16xf32>,
    %get3A_409 = vector.shape_cast %get3A_408 : vector<1x16xf32> to vector<16xf32>
    %sub3A_410 = arith.subf %add3A_404, %get3A_409 : vector<16xf32>
    %jit3A_411 = arith.constant 0.000000e+00 : f32
    %jit3A_412 = arith.constant 5.110000e+02 : f32
    %max3A_413 = vector.broadcast %jit3A_411 : f32 to vector<16xf32>
    %max3A_414 = arith.maximumf %max3A_413, %sub3A_410 : vector<16xf32>
    %min3A_415 = vector.broadcast %jit3A_412 : f32 to vector<16xf32>
    %min3A_416 = arith.minimumf %min3A_415, %max3A_414 : vector<16xf32>
    %convert_element_type3A_417 = arith.fptosi %min3A_416 : vector<16xf32> to vector<16xi32>
    %min3A_418 = arith.constant 510 : i32
    %min3A_419 = vector.broadcast %min3A_418 : i32 to vector<16xi32>
    %min3A_420 = arith.minsi %convert_element_type3A_417, %min3A_419 : vector<16xi32>
    %convert_element_type3A_421 = arith.sitofp %min3A_420 : vector<16xi32> to vector<16xf32>
    %sub3A_422 = arith.subf %min3A_416, %convert_element_type3A_421 : vector<16xf32>
    %shift_left3A_423 = arith.constant 9 : i32
    %shift_left3A_424 = vector.broadcast %shift_left3A_423 : i32 to vector<16xi32>
    %shift_left3A_425 = arith.shli %min3A_395, %shift_left3A_424 : vector<16xi32>
    %add3A_426 = vector.broadcast %shift_left3A_48 : i32 to vector<16xi32>
    %add3A_427 = arith.addi %add3A_426, %shift_left3A_425 : vector<16xi32>
    %add3A_428 = arith.addi %add3A_427, %min3A_420 : vector<16xi32>
    %swap3A_429 = arith.constant 0 : i32
    %swap3A_430 = arith.index_cast %swap3A_429 : i32 to index
    %swap3A_431 = arith.constant 48 : index
    %swap3A_432 = tpu.vector_load %arg9[%swap3A_430, %swap3A_431] {strides = array<i32>} : memref<2x80xf32, #tpu.memory_space<vmem>>, vector<1x16xf32>,
    %swap3A_433 = vector.shape_cast %swap3A_432 : vector<1x16xf32> to vector<16xf32>
    %swap3A_434 = vector.shape_cast %sub3A_397 : vector<16xf32> to vector<1x16xf32>
    tpu.vector_store %arg9[%swap3A_430, %swap3A_431], %swap3A_434 {strides = array<i32>} : memref<2x80xf32, #tpu.memory_space<vmem>>, vector<1x16xf32>,
    %swap3A_435 = arith.constant 0 : i32
    %swap3A_436 = arith.index_cast %swap3A_435 : i32 to index
    %swap3A_437 = arith.constant 48 : index
    %swap3A_438 = tpu.vector_load %arg8[%swap3A_436, %swap3A_437] {strides = array<i32>} : memref<2x80xf32, #tpu.memory_space<vmem>>, vector<1x16xf32>,
    %swap3A_439 = vector.shape_cast %swap3A_438 : vector<1x16xf32> to vector<16xf32>
    %swap3A_440 = vector.shape_cast %sub3A_422 : vector<16xf32> to vector<1x16xf32>
    tpu.vector_store %arg8[%swap3A_436, %swap3A_437], %swap3A_440 {strides = array<i32>} : memref<2x80xf32, #tpu.memory_space<vmem>>, vector<1x16xf32>,
    %swap3A_441 = arith.constant 0 : i32
    %swap3A_442 = arith.constant 0 : i32
    %swap3A_443 = arith.index_cast %swap3A_441 : i32 to index
    %swap3A_444 = arith.index_cast %swap3A_442 : i32 to index
    %swap3A_445 = arith.constant 48 : index
    %swap3A_446 = tpu.vector_load %arg10[%swap3A_443, %swap3A_444, %swap3A_445] {strides = array<i32>} : memref<2x4x64xi32, #tpu.memory_space<vmem>>, vector<1x1x16xi32>,
    %swap3A_447 = vector.shape_cast %swap3A_446 : vector<1x1x16xi32> to vector<16xi32>
    %swap3A_448 = vector.shape_cast %add3A_428 : vector<16xi32> to vector<1x1x16xi32>
    tpu.vector_store %arg10[%swap3A_443, %swap3A_444, %swap3A_445], %swap3A_448 {strides = array<i32>} : memref<2x4x64xi32, #tpu.memory_space<vmem>>, vector<1x1x16xi32>,
    %add3A_449 = arith.constant 1 : i32
    %add3A_450 = vector.broadcast %add3A_449 : i32 to vector<16xi32>
    %add3A_451 = arith.addi %add3A_428, %add3A_450 : vector<16xi32>
    %swap3A_452 = arith.constant 0 : i32
    %swap3A_453 = arith.constant 1 : i32
    %swap3A_454 = arith.index_cast %swap3A_452 : i32 to index
    %swap3A_455 = arith.index_cast %swap3A_453 : i32 to index
    %swap3A_456 = arith.constant 48 : index
    %swap3A_457 = tpu.vector_load %arg10[%swap3A_454, %swap3A_455, %swap3A_456] {strides = array<i32>} : memref<2x4x64xi32, #tpu.memory_space<vmem>>, vector<1x1x16xi32>,
    %swap3A_458 = vector.shape_cast %swap3A_457 : vector<1x1x16xi32> to vector<16xi32>
    %swap3A_459 = vector.shape_cast %add3A_451 : vector<16xi32> to vector<1x1x16xi32>
    tpu.vector_store %arg10[%swap3A_454, %swap3A_455, %swap3A_456], %swap3A_459 {strides = array<i32>} : memref<2x4x64xi32, #tpu.memory_space<vmem>>, vector<1x1x16xi32>,
    %add3A_460 = arith.constant 512 : i32
    %add3A_461 = vector.broadcast %add3A_460 : i32 to vector<16xi32>
    %add3A_462 = arith.addi %add3A_428, %add3A_461 : vector<16xi32>
    %swap3A_463 = arith.constant 0 : i32
    %swap3A_464 = arith.constant 2 : i32
    %swap3A_465 = arith.index_cast %swap3A_463 : i32 to index
    %swap3A_466 = arith.index_cast %swap3A_464 : i32 to index
    %swap3A_467 = arith.constant 48 : index
    %swap3A_468 = tpu.vector_load %arg10[%swap3A_465, %swap3A_466, %swap3A_467] {strides = array<i32>} : memref<2x4x64xi32, #tpu.memory_space<vmem>>, vector<1x1x16xi32>,
    %swap3A_469 = vector.shape_cast %swap3A_468 : vector<1x1x16xi32> to vector<16xi32>
    %swap3A_470 = vector.shape_cast %add3A_462 : vector<16xi32> to vector<1x1x16xi32>
    tpu.vector_store %arg10[%swap3A_465, %swap3A_466, %swap3A_467], %swap3A_470 {strides = array<i32>} : memref<2x4x64xi32, #tpu.memory_space<vmem>>, vector<1x1x16xi32>,
    %add3A_471 = arith.constant 512 : i32
    %add3A_472 = vector.broadcast %add3A_471 : i32 to vector<16xi32>
    %add3A_473 = arith.addi %add3A_428, %add3A_472 : vector<16xi32>
    %add3A_474 = arith.constant 1 : i32
    %add3A_475 = vector.broadcast %add3A_474 : i32 to vector<16xi32>
    %add3A_476 = arith.addi %add3A_473, %add3A_475 : vector<16xi32>
    %swap3A_477 = arith.constant 0 : i32
    %swap3A_478 = arith.constant 3 : i32
    %swap3A_479 = arith.index_cast %swap3A_477 : i32 to index
    %swap3A_480 = arith.index_cast %swap3A_478 : i32 to index
    %swap3A_481 = arith.constant 48 : index
    %swap3A_482 = tpu.vector_load %arg10[%swap3A_479, %swap3A_480, %swap3A_481] {strides = array<i32>} : memref<2x4x64xi32, #tpu.memory_space<vmem>>, vector<1x1x16xi32>,
    %swap3A_483 = vector.shape_cast %swap3A_482 : vector<1x1x16xi32> to vector<16xi32>
    %swap3A_484 = vector.shape_cast %add3A_476 : vector<16xi32> to vector<1x1x16xi32>
    tpu.vector_store %arg10[%swap3A_479, %swap3A_480, %swap3A_481], %swap3A_484 {strides = array<i32>} : memref<2x4x64xi32, #tpu.memory_space<vmem>>, vector<1x1x16xi32>,
    %dma_start3A_485 = arith.constant 0 : i32
    %dma_start3A_486 = arith.constant 0 : i32
    %dma_start3A_487 = arith.constant 0 : i32
    %dma_start3A_488 = arith.constant 0 : i32
    %dma_start3A_489 = arith.constant 0 : i32
    %dma_start3A_490 = arith.constant 0 : i32
    %dma_start3A_491 = tpu.memref_slice %arg11[%dma_start3A_487, %dma_start3A_488, %dma_start3A_489, %dma_start3A_490] : memref<2x4x64x128xf32, #tpu.memory_space<vmem>> -> memref<1x1x64x128xf32, #tpu.memory_space<vmem>>
    %dma_start3A_492 = tpu.memref_squeeze %dma_start3A_491 : memref<1x1x64x128xf32, #tpu.memory_space<vmem>> -> memref<64x128xf32, #tpu.memory_space<vmem>>
    %dma_start3A_493 = arith.constant 0 : i32
    %dma_start3A_494 = tpu.memref_slice %arg10[%dma_start3A_485, %dma_start3A_486, %dma_start3A_493] : memref<2x4x64xi32, #tpu.memory_space<vmem>> -> memref<1x1x64xi32, #tpu.memory_space<vmem>>
    %dma_start3A_495 = tpu.memref_squeeze %dma_start3A_494 : memref<1x1x64xi32, #tpu.memory_space<vmem>> -> memref<64xi32, #tpu.memory_space<vmem>>
    %dma_start3A_496 = arith.constant 0 : i32
    %dma_start3A_497 = arith.constant 0 : i32
    %dma_start3A_498 = tpu.memref_slice %arg2[%dma_start3A_496, %dma_start3A_497] : memref<524288x128xf32, #tpu.memory_space<hbm>> -> memref<524288x128xf32, #tpu.memory_space<hbm>>
    tpu.enqueue_indirect_dma source(%dma_start3A_498 : memref<524288x128xf32, #tpu.memory_space<hbm>>) target(%dma_start3A_492 : memref<64x128xf32, #tpu.memory_space<vmem>>) offsets(%dma_start3A_495 : memref<64xi32, #tpu.memory_space<vmem>>) semaphore(%arg13 : memref<!tpu.dma_semaphore, #tpu.memory_space<semaphore_mem>>)
    %dma_start3A_499 = arith.constant 0 : i32
    %dma_start3A_500 = arith.constant 1 : i32
    %dma_start3A_501 = arith.constant 0 : i32
    %dma_start3A_502 = arith.constant 1 : i32
    %dma_start3A_503 = arith.constant 0 : i32
    %dma_start3A_504 = arith.constant 0 : i32
    %dma_start3A_505 = tpu.memref_slice %arg11[%dma_start3A_501, %dma_start3A_502, %dma_start3A_503, %dma_start3A_504] : memref<2x4x64x128xf32, #tpu.memory_space<vmem>> -> memref<1x1x64x128xf32, #tpu.memory_space<vmem>>
    %dma_start3A_506 = tpu.memref_squeeze %dma_start3A_505 : memref<1x1x64x128xf32, #tpu.memory_space<vmem>> -> memref<64x128xf32, #tpu.memory_space<vmem>>
    %dma_start3A_507 = arith.constant 0 : i32
    %dma_start3A_508 = tpu.memref_slice %arg10[%dma_start3A_499, %dma_start3A_500, %dma_start3A_507] : memref<2x4x64xi32, #tpu.memory_space<vmem>> -> memref<1x1x64xi32, #tpu.memory_space<vmem>>
    %dma_start3A_509 = tpu.memref_squeeze %dma_start3A_508 : memref<1x1x64xi32, #tpu.memory_space<vmem>> -> memref<64xi32, #tpu.memory_space<vmem>>
    %dma_start3A_510 = arith.constant 0 : i32
    %dma_start3A_511 = arith.constant 0 : i32
    %dma_start3A_512 = tpu.memref_slice %arg2[%dma_start3A_510, %dma_start3A_511] : memref<524288x128xf32, #tpu.memory_space<hbm>> -> memref<524288x128xf32, #tpu.memory_space<hbm>>
    tpu.enqueue_indirect_dma source(%dma_start3A_512 : memref<524288x128xf32, #tpu.memory_space<hbm>>) target(%dma_start3A_506 : memref<64x128xf32, #tpu.memory_space<vmem>>) offsets(%dma_start3A_509 : memref<64xi32, #tpu.memory_space<vmem>>) semaphore(%arg13 : memref<!tpu.dma_semaphore, #tpu.memory_space<semaphore_mem>>)
    %dma_start3A_513 = arith.constant 0 : i32
    %dma_start3A_514 = arith.constant 2 : i32
    %dma_start3A_515 = arith.constant 0 : i32
    %dma_start3A_516 = arith.constant 2 : i32
    %dma_start3A_517 = arith.constant 0 : i32
    %dma_start3A_518 = arith.constant 0 : i32
    %dma_start3A_519 = tpu.memref_slice %arg11[%dma_start3A_515, %dma_start3A_516, %dma_start3A_517, %dma_start3A_518] : memref<2x4x64x128xf32, #tpu.memory_space<vmem>> -> memref<1x1x64x128xf32, #tpu.memory_space<vmem>>
    %dma_start3A_520 = tpu.memref_squeeze %dma_start3A_519 : memref<1x1x64x128xf32, #tpu.memory_space<vmem>> -> memref<64x128xf32, #tpu.memory_space<vmem>>
    %dma_start3A_521 = arith.constant 0 : i32
    %dma_start3A_522 = tpu.memref_slice %arg10[%dma_start3A_513, %dma_start3A_514, %dma_start3A_521] : memref<2x4x64xi32, #tpu.memory_space<vmem>> -> memref<1x1x64xi32, #tpu.memory_space<vmem>>
    %dma_start3A_523 = tpu.memref_squeeze %dma_start3A_522 : memref<1x1x64xi32, #tpu.memory_space<vmem>> -> memref<64xi32, #tpu.memory_space<vmem>>
    %dma_start3A_524 = arith.constant 0 : i32
    %dma_start3A_525 = arith.constant 0 : i32
    %dma_start3A_526 = tpu.memref_slice %arg2[%dma_start3A_524, %dma_start3A_525] : memref<524288x128xf32, #tpu.memory_space<hbm>> -> memref<524288x128xf32, #tpu.memory_space<hbm>>
    tpu.enqueue_indirect_dma source(%dma_start3A_526 : memref<524288x128xf32, #tpu.memory_space<hbm>>) target(%dma_start3A_520 : memref<64x128xf32, #tpu.memory_space<vmem>>) offsets(%dma_start3A_523 : memref<64xi32, #tpu.memory_space<vmem>>) semaphore(%arg13 : memref<!tpu.dma_semaphore, #tpu.memory_space<semaphore_mem>>)
    %dma_start3A_527 = arith.constant 0 : i32
    %dma_start3A_528 = arith.constant 3 : i32
    %dma_start3A_529 = arith.constant 0 : i32
    %dma_start3A_530 = arith.constant 3 : i32
    %dma_start3A_531 = arith.constant 0 : i32
    %dma_start3A_532 = arith.constant 0 : i32
    %dma_start3A_533 = tpu.memref_slice %arg11[%dma_start3A_529, %dma_start3A_530, %dma_start3A_531, %dma_start3A_532] : memref<2x4x64x128xf32, #tpu.memory_space<vmem>> -> memref<1x1x64x128xf32, #tpu.memory_space<vmem>>
    %dma_start3A_534 = tpu.memref_squeeze %dma_start3A_533 : memref<1x1x64x128xf32, #tpu.memory_space<vmem>> -> memref<64x128xf32, #tpu.memory_space<vmem>>
    %dma_start3A_535 = arith.constant 0 : i32
    %dma_start3A_536 = tpu.memref_slice %arg10[%dma_start3A_527, %dma_start3A_528, %dma_start3A_535] : memref<2x4x64xi32, #tpu.memory_space<vmem>> -> memref<1x1x64xi32, #tpu.memory_space<vmem>>
    %dma_start3A_537 = tpu.memref_squeeze %dma_start3A_536 : memref<1x1x64xi32, #tpu.memory_space<vmem>> -> memref<64xi32, #tpu.memory_space<vmem>>
    %dma_start3A_538 = arith.constant 0 : i32
    %dma_start3A_539 = arith.constant 0 : i32
    %dma_start3A_540 = tpu.memref_slice %arg2[%dma_start3A_538, %dma_start3A_539] : memref<524288x128xf32, #tpu.memory_space<hbm>> -> memref<524288x128xf32, #tpu.memory_space<hbm>>
    tpu.enqueue_indirect_dma source(%dma_start3A_540 : memref<524288x128xf32, #tpu.memory_space<hbm>>) target(%dma_start3A_534 : memref<64x128xf32, #tpu.memory_space<vmem>>) offsets(%dma_start3A_537 : memref<64xi32, #tpu.memory_space<vmem>>) semaphore(%arg13 : memref<!tpu.dma_semaphore, #tpu.memory_space<semaphore_mem>>)
    %scan3A = arith.constant 0 : i32
    %scan3A_541 = arith.constant 0 : i32
    %scan3A_542 = arith.constant 128 : i32
    %scan3A_543 = arith.addi %scan3A_541, %scan3A_542 : i32
    %scan3A_544 = arith.constant 1 : i32
    scf.for %scan3A_572 = %scan3A_541 to %scan3A_543 step %scan3A_544  : i32 {
      %mul3A_573 = arith.constant 2 : i32
      %mul3A_574 = arith.muli %scan3A_572, %mul3A_573 : i32
      %add3A_575 = arith.constant 0 : i32
      %add3A_576 = arith.addi %mul3A_574, %add3A_575 : i32
      %add3A_577 = arith.constant 2 : i32
      %add3A_578 = arith.addi %add3A_576, %add3A_577 : i32
      %lt3A = arith.constant 256 : i32
      %lt3A_579 = arith.cmpi slt, %add3A_578, %lt3A : i32
      %convert_element_type3A_580 = arith.extui %lt3A_579 : i1 to i32
      %cond3A = arith.constant 0 : i32
      %cond3A_581 = arith.cmpi ne, %convert_element_type3A_580, %cond3A : i32
      scf.if %cond3A_581 {
        %add3A_772 = arith.constant 2 : i32
        %add3A_773 = arith.addi %add3A_576, %add3A_772 : i32
        %mul3A_774 = arith.constant 64 : i32
        %mul3A_775 = arith.muli %add3A_773, %mul3A_774 : i32
        %add3A_776 = arith.addi %mul3A_2, %mul3A_775 : i32
        %dma_start3A_777 = arith.constant 0 : i32
        %dma_start3A_778 = arith.constant 0 : i32
        %dma_start3A_779 = tpu.memref_slice %arg6[%dma_start3A_777, %dma_start3A_778] : memref<2x64xf32, #tpu.memory_space<vmem>> -> memref<1x64xf32, #tpu.memory_space<vmem>>
        %dma_start3A_780 = tpu.memref_squeeze %dma_start3A_779 : memref<1x64xf32, #tpu.memory_space<vmem>> -> memref<64xf32, #tpu.memory_space<vmem>>
        %dma_start3A_781 = tpu.memref_slice %arg3[%add3A_776] : memref<524288xf32, #tpu.memory_space<hbm>> -> memref<64xf32, #tpu.memory_space<hbm>>
        %dma_start3A_782 = arith.constant 0 : i32
        %dma_start3A_783 = tpu.memref_slice %arg6[%dma_start3A_777, %dma_start3A_782] : memref<2x64xf32, #tpu.memory_space<vmem>> -> memref<1x64xf32, #tpu.memory_space<vmem>>
        %dma_start3A_784 = tpu.memref_squeeze %dma_start3A_783 : memref<1x64xf32, #tpu.memory_space<vmem>> -> memref<64xf32, #tpu.memory_space<vmem>>
        %dma_start3A_785 = tpu.memref_slice %arg3[%add3A_776] : memref<524288xf32, #tpu.memory_space<hbm>> -> memref<64xf32, #tpu.memory_space<hbm>>
        tpu.enqueue_dma source(%dma_start3A_785 : memref<64xf32, #tpu.memory_space<hbm>>) target(%dma_start3A_784 : memref<64xf32, #tpu.memory_space<vmem>>) target_semaphore(%arg17 : memref<!tpu.dma_semaphore, #tpu.memory_space<semaphore_mem>>)
        %dma_start3A_786 = arith.constant 0 : i32
        %dma_start3A_787 = arith.constant 0 : i32
        %dma_start3A_788 = tpu.memref_slice %arg7[%dma_start3A_786, %dma_start3A_787] : memref<2x64xf32, #tpu.memory_space<vmem>> -> memref<1x64xf32, #tpu.memory_space<vmem>>
        %dma_start3A_789 = tpu.memref_squeeze %dma_start3A_788 : memref<1x64xf32, #tpu.memory_space<vmem>> -> memref<64xf32, #tpu.memory_space<vmem>>
        %dma_start3A_790 = tpu.memref_slice %arg4[%add3A_776] : memref<524288xf32, #tpu.memory_space<hbm>> -> memref<64xf32, #tpu.memory_space<hbm>>
        %dma_start3A_791 = arith.constant 0 : i32
        %dma_start3A_792 = tpu.memref_slice %arg7[%dma_start3A_786, %dma_start3A_791] : memref<2x64xf32, #tpu.memory_space<vmem>> -> memref<1x64xf32, #tpu.memory_space<vmem>>
        %dma_start3A_793 = tpu.memref_squeeze %dma_start3A_792 : memref<1x64xf32, #tpu.memory_space<vmem>> -> memref<64xf32, #tpu.memory_space<vmem>>
        %dma_start3A_794 = tpu.memref_slice %arg4[%add3A_776] : memref<524288xf32, #tpu.memory_space<hbm>> -> memref<64xf32, #tpu.memory_space<hbm>>
        tpu.enqueue_dma source(%dma_start3A_794 : memref<64xf32, #tpu.memory_space<hbm>>) target(%dma_start3A_793 : memref<64xf32, #tpu.memory_space<vmem>>) target_semaphore(%arg17 : memref<!tpu.dma_semaphore, #tpu.memory_space<semaphore_mem>>)
      } else {
      }
      %add3A_582 = arith.constant 1 : i32
      %add3A_583 = arith.addi %add3A_576, %add3A_582 : i32
      %lt3A_584 = arith.constant 256 : i32
      %lt3A_585 = arith.cmpi slt, %add3A_583, %lt3A_584 : i32
      %convert_element_type3A_586 = arith.extui %lt3A_585 : i1 to i32
      %cond3A_587 = arith.constant 0 : i32
      %cond3A_588 = arith.cmpi ne, %convert_element_type3A_586, %cond3A_587 : i32
      scf.if %cond3A_588 {
        %add3A_772 = arith.constant 1 : i32
        %add3A_773 = arith.addi %add3A_576, %add3A_772 : i32
        %mul3A_774 = arith.constant 64 : i32
        %mul3A_775 = arith.muli %add3A_773, %mul3A_774 : i32
        %add3A_776 = arith.addi %mul3A_2, %mul3A_775 : i32
        %shift_right_logical3A_777 = arith.constant 9 : i32
        %shift_right_logical3A_778 = arith.shrui %add3A_776, %shift_right_logical3A_777 : i32
        %and3A_779 = arith.constant 511 : i32
        %and3A_780 = arith.andi %shift_right_logical3A_778, %and3A_779 : i32
        %shift_right_logical3A_781 = arith.constant 9 : i32
        %shift_right_logical3A_782 = arith.shrui %shift_right_logical3A_778, %shift_right_logical3A_781 : i32
        %shift_left3A_783 = arith.constant 18 : i32
        %shift_left3A_784 = arith.shli %shift_right_logical3A_782, %shift_left3A_783 : i32
        %and3A_785 = arith.constant 511 : i32
        %and3A_786 = arith.andi %add3A_776, %and3A_785 : i32
        %dma_wait3A_787 = arith.constant 1 : i32
        %dma_wait3A_788 = arith.constant 0 : i32
        %dma_wait3A_789 = tpu.memref_slice %arg6[%dma_wait3A_787, %dma_wait3A_788] : memref<2x64xf32, #tpu.memory_space<vmem>> -> memref<1x64xf32, #tpu.memory_space<vmem>>
        %dma_wait3A_790 = tpu.memref_squeeze %dma_wait3A_789 : memref<1x64xf32, #tpu.memory_space<vmem>> -> memref<64xf32, #tpu.memory_space<vmem>>
        %dma_wait3A_791 = tpu.memref_slice %arg3[%add3A_776] : memref<524288xf32, #tpu.memory_space<hbm>> -> memref<64xf32, #tpu.memory_space<hbm>>
        %dma_wait3A_792 = arith.constant 0 : i32
        %dma_wait3A_793 = tpu.memref_slice %arg6[%dma_wait3A_787, %dma_wait3A_792] : memref<2x64xf32, #tpu.memory_space<vmem>> -> memref<1x64xf32, #tpu.memory_space<vmem>>
        %dma_wait3A_794 = tpu.memref_squeeze %dma_wait3A_793 : memref<1x64xf32, #tpu.memory_space<vmem>> -> memref<64xf32, #tpu.memory_space<vmem>>
        %dma_wait3A_795 = tpu.memref_slice %arg3[%add3A_776] : memref<524288xf32, #tpu.memory_space<hbm>> -> memref<64xf32, #tpu.memory_space<hbm>>
        tpu.wait_dma2 semaphore(%arg18 : memref<!tpu.dma_semaphore, #tpu.memory_space<semaphore_mem>>) src(%dma_wait3A_795 : memref<64xf32, #tpu.memory_space<hbm>>) dst(%dma_wait3A_794 : memref<64xf32, #tpu.memory_space<vmem>>)
        %dma_wait3A_796 = arith.constant 1 : i32
        %dma_wait3A_797 = arith.constant 0 : i32
        %dma_wait3A_798 = tpu.memref_slice %arg7[%dma_wait3A_796, %dma_wait3A_797] : memref<2x64xf32, #tpu.memory_space<vmem>> -> memref<1x64xf32, #tpu.memory_space<vmem>>
        %dma_wait3A_799 = tpu.memref_squeeze %dma_wait3A_798 : memref<1x64xf32, #tpu.memory_space<vmem>> -> memref<64xf32, #tpu.memory_space<vmem>>
        %dma_wait3A_800 = tpu.memref_slice %arg4[%add3A_776] : memref<524288xf32, #tpu.memory_space<hbm>> -> memref<64xf32, #tpu.memory_space<hbm>>
        %dma_wait3A_801 = arith.constant 0 : i32
        %dma_wait3A_802 = tpu.memref_slice %arg7[%dma_wait3A_796, %dma_wait3A_801] : memref<2x64xf32, #tpu.memory_space<vmem>> -> memref<1x64xf32, #tpu.memory_space<vmem>>
        %dma_wait3A_803 = tpu.memref_squeeze %dma_wait3A_802 : memref<1x64xf32, #tpu.memory_space<vmem>> -> memref<64xf32, #tpu.memory_space<vmem>>
        %dma_wait3A_804 = tpu.memref_slice %arg4[%add3A_776] : memref<524288xf32, #tpu.memory_space<hbm>> -> memref<64xf32, #tpu.memory_space<hbm>>
        tpu.wait_dma2 semaphore(%arg18 : memref<!tpu.dma_semaphore, #tpu.memory_space<semaphore_mem>>) src(%dma_wait3A_804 : memref<64xf32, #tpu.memory_space<hbm>>) dst(%dma_wait3A_803 : memref<64xf32, #tpu.memory_space<vmem>>)
        %convert_element_type3A_805 = arith.sitofp %and3A_780 : i32 to f32
        %get3A_806 = arith.constant 1 : i32
        %get3A_807 = arith.index_cast %get3A_806 : i32 to index
        %get3A_808 = arith.constant 0 : index
        %get3A_809 = tpu.vector_load %arg6[%get3A_807, %get3A_808] {strides = array<i32>} : memref<2x64xf32, #tpu.memory_space<vmem>>, vector<1x16xf32>,
        %get3A_810 = vector.shape_cast %get3A_809 : vector<1x16xf32> to vector<16xf32>
        %sub3A_811 = vector.broadcast %convert_element_type3A_805 : f32 to vector<16xf32>
        %sub3A_812 = arith.subf %sub3A_811, %get3A_810 : vector<16xf32>
        %jit3A_813 = arith.constant 0.000000e+00 : f32
        %jit3A_814 = arith.constant 5.110000e+02 : f32
        %max3A_815 = vector.broadcast %jit3A_813 : f32 to vector<16xf32>
        %max3A_816 = arith.maximumf %max3A_815, %sub3A_812 : vector<16xf32>
        %min3A_817 = vector.broadcast %jit3A_814 : f32 to vector<16xf32>
        %min3A_818 = arith.minimumf %min3A_817, %max3A_816 : vector<16xf32>
        %convert_element_type3A_819 = arith.fptosi %min3A_818 : vector<16xf32> to vector<16xi32>
        %min3A_820 = arith.constant 510 : i32
        %min3A_821 = vector.broadcast %min3A_820 : i32 to vector<16xi32>
        %min3A_822 = arith.minsi %convert_element_type3A_819, %min3A_821 : vector<16xi32>
        %convert_element_type3A_823 = arith.sitofp %min3A_822 : vector<16xi32> to vector<16xf32>
        %sub3A_824 = arith.subf %min3A_818, %convert_element_type3A_823 : vector<16xf32>
        %add3A_825 = arith.constant 0 : i32
        %add3A_826 = arith.addi %and3A_786, %add3A_825 : i32
        %convert_element_type3A_827 = arith.sitofp %add3A_826 : i32 to f32
        %iota3A_828 = tpu.iota {dimensions = array<i32: 0>} : vector<16xi32>
        %convert_element_type3A_829 = arith.sitofp %iota3A_828 : vector<16xi32> to vector<16xf32>
        %add3A_830 = vector.broadcast %convert_element_type3A_827 : f32 to vector<16xf32>
        %add3A_831 = arith.addf %add3A_830, %convert_element_type3A_829 : vector<16xf32>
        %get3A_832 = arith.constant 1 : i32
        %get3A_833 = arith.index_cast %get3A_832 : i32 to index
        %get3A_834 = arith.constant 0 : index
        %get3A_835 = tpu.vector_load %arg7[%get3A_833, %get3A_834] {strides = array<i32>} : memref<2x64xf32, #tpu.memory_space<vmem>>, vector<1x16xf32>,
        %get3A_836 = vector.shape_cast %get3A_835 : vector<1x16xf32> to vector<16xf32>
        %sub3A_837 = arith.subf %add3A_831, %get3A_836 : vector<16xf32>
        %jit3A_838 = arith.constant 0.000000e+00 : f32
        %jit3A_839 = arith.constant 5.110000e+02 : f32
        %max3A_840 = vector.broadcast %jit3A_838 : f32 to vector<16xf32>
        %max3A_841 = arith.maximumf %max3A_840, %sub3A_837 : vector<16xf32>
        %min3A_842 = vector.broadcast %jit3A_839 : f32 to vector<16xf32>
        %min3A_843 = arith.minimumf %min3A_842, %max3A_841 : vector<16xf32>
        %convert_element_type3A_844 = arith.fptosi %min3A_843 : vector<16xf32> to vector<16xi32>
        %min3A_845 = arith.constant 510 : i32
        %min3A_846 = vector.broadcast %min3A_845 : i32 to vector<16xi32>
        %min3A_847 = arith.minsi %convert_element_type3A_844, %min3A_846 : vector<16xi32>
        %convert_element_type3A_848 = arith.sitofp %min3A_847 : vector<16xi32> to vector<16xf32>
        %sub3A_849 = arith.subf %min3A_843, %convert_element_type3A_848 : vector<16xf32>
        %shift_left3A_850 = arith.constant 9 : i32
        %shift_left3A_851 = vector.broadcast %shift_left3A_850 : i32 to vector<16xi32>
        %shift_left3A_852 = arith.shli %min3A_822, %shift_left3A_851 : vector<16xi32>
        %add3A_853 = vector.broadcast %shift_left3A_784 : i32 to vector<16xi32>
        %add3A_854 = arith.addi %add3A_853, %shift_left3A_852 : vector<16xi32>
        %add3A_855 = arith.addi %add3A_854, %min3A_847 : vector<16xi32>
        %swap3A_856 = arith.constant 1 : i32
        %swap3A_857 = arith.index_cast %swap3A_856 : i32 to index
        %swap3A_858 = arith.constant 0 : index
        %swap3A_859 = tpu.vector_load %arg9[%swap3A_857, %swap3A_858] {strides = array<i32>} : memref<2x80xf32, #tpu.memory_space<vmem>>, vector<1x16xf32>,
        %swap3A_860 = vector.shape_cast %swap3A_859 : vector<1x16xf32> to vector<16xf32>
        %swap3A_861 = vector.shape_cast %sub3A_824 : vector<16xf32> to vector<1x16xf32>
        tpu.vector_store %arg9[%swap3A_857, %swap3A_858], %swap3A_861 {strides = array<i32>} : memref<2x80xf32, #tpu.memory_space<vmem>>, vector<1x16xf32>,
        %swap3A_862 = arith.constant 1 : i32
        %swap3A_863 = arith.index_cast %swap3A_862 : i32 to index
        %swap3A_864 = arith.constant 0 : index
        %swap3A_865 = tpu.vector_load %arg8[%swap3A_863, %swap3A_864] {strides = array<i32>} : memref<2x80xf32, #tpu.memory_space<vmem>>, vector<1x16xf32>,
        %swap3A_866 = vector.shape_cast %swap3A_865 : vector<1x16xf32> to vector<16xf32>
        %swap3A_867 = vector.shape_cast %sub3A_849 : vector<16xf32> to vector<1x16xf32>
        tpu.vector_store %arg8[%swap3A_863, %swap3A_864], %swap3A_867 {strides = array<i32>} : memref<2x80xf32, #tpu.memory_space<vmem>>, vector<1x16xf32>,
        %swap3A_868 = arith.constant 1 : i32
        %swap3A_869 = arith.constant 0 : i32
        %swap3A_870 = arith.index_cast %swap3A_868 : i32 to index
        %swap3A_871 = arith.index_cast %swap3A_869 : i32 to index
        %swap3A_872 = arith.constant 0 : index
        %swap3A_873 = tpu.vector_load %arg10[%swap3A_870, %swap3A_871, %swap3A_872] {strides = array<i32>} : memref<2x4x64xi32, #tpu.memory_space<vmem>>, vector<1x1x16xi32>,
        %swap3A_874 = vector.shape_cast %swap3A_873 : vector<1x1x16xi32> to vector<16xi32>
        %swap3A_875 = vector.shape_cast %add3A_855 : vector<16xi32> to vector<1x1x16xi32>
        tpu.vector_store %arg10[%swap3A_870, %swap3A_871, %swap3A_872], %swap3A_875 {strides = array<i32>} : memref<2x4x64xi32, #tpu.memory_space<vmem>>, vector<1x1x16xi32>,
        %add3A_876 = arith.constant 1 : i32
        %add3A_877 = vector.broadcast %add3A_876 : i32 to vector<16xi32>
        %add3A_878 = arith.addi %add3A_855, %add3A_877 : vector<16xi32>
        %swap3A_879 = arith.constant 1 : i32
        %swap3A_880 = arith.constant 1 : i32
        %swap3A_881 = arith.index_cast %swap3A_879 : i32 to index
        %swap3A_882 = arith.index_cast %swap3A_880 : i32 to index
        %swap3A_883 = arith.constant 0 : index
        %swap3A_884 = tpu.vector_load %arg10[%swap3A_881, %swap3A_882, %swap3A_883] {strides = array<i32>} : memref<2x4x64xi32, #tpu.memory_space<vmem>>, vector<1x1x16xi32>,
        %swap3A_885 = vector.shape_cast %swap3A_884 : vector<1x1x16xi32> to vector<16xi32>
        %swap3A_886 = vector.shape_cast %add3A_878 : vector<16xi32> to vector<1x1x16xi32>
        tpu.vector_store %arg10[%swap3A_881, %swap3A_882, %swap3A_883], %swap3A_886 {strides = array<i32>} : memref<2x4x64xi32, #tpu.memory_space<vmem>>, vector<1x1x16xi32>,
        %add3A_887 = arith.constant 512 : i32
        %add3A_888 = vector.broadcast %add3A_887 : i32 to vector<16xi32>
        %add3A_889 = arith.addi %add3A_855, %add3A_888 : vector<16xi32>
        %swap3A_890 = arith.constant 1 : i32
        %swap3A_891 = arith.constant 2 : i32
        %swap3A_892 = arith.index_cast %swap3A_890 : i32 to index
        %swap3A_893 = arith.index_cast %swap3A_891 : i32 to index
        %swap3A_894 = arith.constant 0 : index
        %swap3A_895 = tpu.vector_load %arg10[%swap3A_892, %swap3A_893, %swap3A_894] {strides = array<i32>} : memref<2x4x64xi32, #tpu.memory_space<vmem>>, vector<1x1x16xi32>,
        %swap3A_896 = vector.shape_cast %swap3A_895 : vector<1x1x16xi32> to vector<16xi32>
        %swap3A_897 = vector.shape_cast %add3A_889 : vector<16xi32> to vector<1x1x16xi32>
        tpu.vector_store %arg10[%swap3A_892, %swap3A_893, %swap3A_894], %swap3A_897 {strides = array<i32>} : memref<2x4x64xi32, #tpu.memory_space<vmem>>, vector<1x1x16xi32>,
        %add3A_898 = arith.constant 512 : i32
        %add3A_899 = vector.broadcast %add3A_898 : i32 to vector<16xi32>
        %add3A_900 = arith.addi %add3A_855, %add3A_899 : vector<16xi32>
        %add3A_901 = arith.constant 1 : i32
        %add3A_902 = vector.broadcast %add3A_901 : i32 to vector<16xi32>
        %add3A_903 = arith.addi %add3A_900, %add3A_902 : vector<16xi32>
        %swap3A_904 = arith.constant 1 : i32
        %swap3A_905 = arith.constant 3 : i32
        %swap3A_906 = arith.index_cast %swap3A_904 : i32 to index
        %swap3A_907 = arith.index_cast %swap3A_905 : i32 to index
        %swap3A_908 = arith.constant 0 : index
        %swap3A_909 = tpu.vector_load %arg10[%swap3A_906, %swap3A_907, %swap3A_908] {strides = array<i32>} : memref<2x4x64xi32, #tpu.memory_space<vmem>>, vector<1x1x16xi32>,
        %swap3A_910 = vector.shape_cast %swap3A_909 : vector<1x1x16xi32> to vector<16xi32>
        %swap3A_911 = vector.shape_cast %add3A_903 : vector<16xi32> to vector<1x1x16xi32>
        tpu.vector_store %arg10[%swap3A_906, %swap3A_907, %swap3A_908], %swap3A_911 {strides = array<i32>} : memref<2x4x64xi32, #tpu.memory_space<vmem>>, vector<1x1x16xi32>,
        %get3A_912 = arith.constant 1 : i32
        %get3A_913 = arith.index_cast %get3A_912 : i32 to index
        %get3A_914 = arith.constant 16 : index
        %get3A_915 = tpu.vector_load %arg6[%get3A_913, %get3A_914] {strides = array<i32>} : memref<2x64xf32, #tpu.memory_space<vmem>>, vector<1x16xf32>,
        %get3A_916 = vector.shape_cast %get3A_915 : vector<1x16xf32> to vector<16xf32>
        %sub3A_917 = vector.broadcast %convert_element_type3A_805 : f32 to vector<16xf32>
        %sub3A_918 = arith.subf %sub3A_917, %get3A_916 : vector<16xf32>
        %jit3A_919 = arith.constant 0.000000e+00 : f32
        %jit3A_920 = arith.constant 5.110000e+02 : f32
        %max3A_921 = vector.broadcast %jit3A_919 : f32 to vector<16xf32>
        %max3A_922 = arith.maximumf %max3A_921, %sub3A_918 : vector<16xf32>
        %min3A_923 = vector.broadcast %jit3A_920 : f32 to vector<16xf32>
        %min3A_924 = arith.minimumf %min3A_923, %max3A_922 : vector<16xf32>
        %convert_element_type3A_925 = arith.fptosi %min3A_924 : vector<16xf32> to vector<16xi32>
        %min3A_926 = arith.constant 510 : i32
        %min3A_927 = vector.broadcast %min3A_926 : i32 to vector<16xi32>
        %min3A_928 = arith.minsi %convert_element_type3A_925, %min3A_927 : vector<16xi32>
        %convert_element_type3A_929 = arith.sitofp %min3A_928 : vector<16xi32> to vector<16xf32>
        %sub3A_930 = arith.subf %min3A_924, %convert_element_type3A_929 : vector<16xf32>
        %add3A_931 = arith.constant 16 : i32
        %add3A_932 = arith.addi %and3A_786, %add3A_931 : i32
        %convert_element_type3A_933 = arith.sitofp %add3A_932 : i32 to f32
        %iota3A_934 = tpu.iota {dimensions = array<i32: 0>} : vector<16xi32>
        %convert_element_type3A_935 = arith.sitofp %iota3A_934 : vector<16xi32> to vector<16xf32>
        %add3A_936 = vector.broadcast %convert_element_type3A_933 : f32 to vector<16xf32>
        %add3A_937 = arith.addf %add3A_936, %convert_element_type3A_935 : vector<16xf32>
        %get3A_938 = arith.constant 1 : i32
        %get3A_939 = arith.index_cast %get3A_938 : i32 to index
        %get3A_940 = arith.constant 16 : index
        %get3A_941 = tpu.vector_load %arg7[%get3A_939, %get3A_940] {strides = array<i32>} : memref<2x64xf32, #tpu.memory_space<vmem>>, vector<1x16xf32>,
        %get3A_942 = vector.shape_cast %get3A_941 : vector<1x16xf32> to vector<16xf32>
        %sub3A_943 = arith.subf %add3A_937, %get3A_942 : vector<16xf32>
        %jit3A_944 = arith.constant 0.000000e+00 : f32
        %jit3A_945 = arith.constant 5.110000e+02 : f32
        %max3A_946 = vector.broadcast %jit3A_944 : f32 to vector<16xf32>
        %max3A_947 = arith.maximumf %max3A_946, %sub3A_943 : vector<16xf32>
        %min3A_948 = vector.broadcast %jit3A_945 : f32 to vector<16xf32>
        %min3A_949 = arith.minimumf %min3A_948, %max3A_947 : vector<16xf32>
        %convert_element_type3A_950 = arith.fptosi %min3A_949 : vector<16xf32> to vector<16xi32>
        %min3A_951 = arith.constant 510 : i32
        %min3A_952 = vector.broadcast %min3A_951 : i32 to vector<16xi32>
        %min3A_953 = arith.minsi %convert_element_type3A_950, %min3A_952 : vector<16xi32>
        %convert_element_type3A_954 = arith.sitofp %min3A_953 : vector<16xi32> to vector<16xf32>
        %sub3A_955 = arith.subf %min3A_949, %convert_element_type3A_954 : vector<16xf32>
        %shift_left3A_956 = arith.constant 9 : i32
        %shift_left3A_957 = vector.broadcast %shift_left3A_956 : i32 to vector<16xi32>
        %shift_left3A_958 = arith.shli %min3A_928, %shift_left3A_957 : vector<16xi32>
        %add3A_959 = vector.broadcast %shift_left3A_784 : i32 to vector<16xi32>
        %add3A_960 = arith.addi %add3A_959, %shift_left3A_958 : vector<16xi32>
        %add3A_961 = arith.addi %add3A_960, %min3A_953 : vector<16xi32>
        %swap3A_962 = arith.constant 1 : i32
        %swap3A_963 = arith.index_cast %swap3A_962 : i32 to index
        %swap3A_964 = arith.constant 16 : index
        %swap3A_965 = tpu.vector_load %arg9[%swap3A_963, %swap3A_964] {strides = array<i32>} : memref<2x80xf32, #tpu.memory_space<vmem>>, vector<1x16xf32>,
        %swap3A_966 = vector.shape_cast %swap3A_965 : vector<1x16xf32> to vector<16xf32>
        %swap3A_967 = vector.shape_cast %sub3A_930 : vector<16xf32> to vector<1x16xf32>
        tpu.vector_store %arg9[%swap3A_963, %swap3A_964], %swap3A_967 {strides = array<i32>} : memref<2x80xf32, #tpu.memory_space<vmem>>, vector<1x16xf32>,
        %swap3A_968 = arith.constant 1 : i32
        %swap3A_969 = arith.index_cast %swap3A_968 : i32 to index
        %swap3A_970 = arith.constant 16 : index
        %swap3A_971 = tpu.vector_load %arg8[%swap3A_969, %swap3A_970] {strides = array<i32>} : memref<2x80xf32, #tpu.memory_space<vmem>>, vector<1x16xf32>,
        %swap3A_972 = vector.shape_cast %swap3A_971 : vector<1x16xf32> to vector<16xf32>
        %swap3A_973 = vector.shape_cast %sub3A_955 : vector<16xf32> to vector<1x16xf32>
        tpu.vector_store %arg8[%swap3A_969, %swap3A_970], %swap3A_973 {strides = array<i32>} : memref<2x80xf32, #tpu.memory_space<vmem>>, vector<1x16xf32>,
        %swap3A_974 = arith.constant 1 : i32
        %swap3A_975 = arith.constant 0 : i32
        %swap3A_976 = arith.index_cast %swap3A_974 : i32 to index
        %swap3A_977 = arith.index_cast %swap3A_975 : i32 to index
        %swap3A_978 = arith.constant 16 : index
        %swap3A_979 = tpu.vector_load %arg10[%swap3A_976, %swap3A_977, %swap3A_978] {strides = array<i32>} : memref<2x4x64xi32, #tpu.memory_space<vmem>>, vector<1x1x16xi32>,
        %swap3A_980 = vector.shape_cast %swap3A_979 : vector<1x1x16xi32> to vector<16xi32>
        %swap3A_981 = vector.shape_cast %add3A_961 : vector<16xi32> to vector<1x1x16xi32>
        tpu.vector_store %arg10[%swap3A_976, %swap3A_977, %swap3A_978], %swap3A_981 {strides = array<i32>} : memref<2x4x64xi32, #tpu.memory_space<vmem>>, vector<1x1x16xi32>,
        %add3A_982 = arith.constant 1 : i32
        %add3A_983 = vector.broadcast %add3A_982 : i32 to vector<16xi32>
        %add3A_984 = arith.addi %add3A_961, %add3A_983 : vector<16xi32>
        %swap3A_985 = arith.constant 1 : i32
        %swap3A_986 = arith.constant 1 : i32
        %swap3A_987 = arith.index_cast %swap3A_985 : i32 to index
        %swap3A_988 = arith.index_cast %swap3A_986 : i32 to index
        %swap3A_989 = arith.constant 16 : index
        %swap3A_990 = tpu.vector_load %arg10[%swap3A_987, %swap3A_988, %swap3A_989] {strides = array<i32>} : memref<2x4x64xi32, #tpu.memory_space<vmem>>, vector<1x1x16xi32>,
        %swap3A_991 = vector.shape_cast %swap3A_990 : vector<1x1x16xi32> to vector<16xi32>
        %swap3A_992 = vector.shape_cast %add3A_984 : vector<16xi32> to vector<1x1x16xi32>
        tpu.vector_store %arg10[%swap3A_987, %swap3A_988, %swap3A_989], %swap3A_992 {strides = array<i32>} : memref<2x4x64xi32, #tpu.memory_space<vmem>>, vector<1x1x16xi32>,
        %add3A_993 = arith.constant 512 : i32
        %add3A_994 = vector.broadcast %add3A_993 : i32 to vector<16xi32>
        %add3A_995 = arith.addi %add3A_961, %add3A_994 : vector<16xi32>
        %swap3A_996 = arith.constant 1 : i32
        %swap3A_997 = arith.constant 2 : i32
        %swap3A_998 = arith.index_cast %swap3A_996 : i32 to index
        %swap3A_999 = arith.index_cast %swap3A_997 : i32 to index
        %swap3A_1000 = arith.constant 16 : index
        %swap3A_1001 = tpu.vector_load %arg10[%swap3A_998, %swap3A_999, %swap3A_1000] {strides = array<i32>} : memref<2x4x64xi32, #tpu.memory_space<vmem>>, vector<1x1x16xi32>,
        %swap3A_1002 = vector.shape_cast %swap3A_1001 : vector<1x1x16xi32> to vector<16xi32>
        %swap3A_1003 = vector.shape_cast %add3A_995 : vector<16xi32> to vector<1x1x16xi32>
        tpu.vector_store %arg10[%swap3A_998, %swap3A_999, %swap3A_1000], %swap3A_1003 {strides = array<i32>} : memref<2x4x64xi32, #tpu.memory_space<vmem>>, vector<1x1x16xi32>,
        %add3A_1004 = arith.constant 512 : i32
        %add3A_1005 = vector.broadcast %add3A_1004 : i32 to vector<16xi32>
        %add3A_1006 = arith.addi %add3A_961, %add3A_1005 : vector<16xi32>
        %add3A_1007 = arith.constant 1 : i32
        %add3A_1008 = vector.broadcast %add3A_1007 : i32 to vector<16xi32>
        %add3A_1009 = arith.addi %add3A_1006, %add3A_1008 : vector<16xi32>
        %swap3A_1010 = arith.constant 1 : i32
        %swap3A_1011 = arith.constant 3 : i32
        %swap3A_1012 = arith.index_cast %swap3A_1010 : i32 to index
        %swap3A_1013 = arith.index_cast %swap3A_1011 : i32 to index
        %swap3A_1014 = arith.constant 16 : index
        %swap3A_1015 = tpu.vector_load %arg10[%swap3A_1012, %swap3A_1013, %swap3A_1014] {strides = array<i32>} : memref<2x4x64xi32, #tpu.memory_space<vmem>>, vector<1x1x16xi32>,
        %swap3A_1016 = vector.shape_cast %swap3A_1015 : vector<1x1x16xi32> to vector<16xi32>
        %swap3A_1017 = vector.shape_cast %add3A_1009 : vector<16xi32> to vector<1x1x16xi32>
        tpu.vector_store %arg10[%swap3A_1012, %swap3A_1013, %swap3A_1014], %swap3A_1017 {strides = array<i32>} : memref<2x4x64xi32, #tpu.memory_space<vmem>>, vector<1x1x16xi32>,
        %get3A_1018 = arith.constant 1 : i32
        %get3A_1019 = arith.index_cast %get3A_1018 : i32 to index
        %get3A_1020 = arith.constant 32 : index
        %get3A_1021 = tpu.vector_load %arg6[%get3A_1019, %get3A_1020] {strides = array<i32>} : memref<2x64xf32, #tpu.memory_space<vmem>>, vector<1x16xf32>,
        %get3A_1022 = vector.shape_cast %get3A_1021 : vector<1x16xf32> to vector<16xf32>
        %sub3A_1023 = vector.broadcast %convert_element_type3A_805 : f32 to vector<16xf32>
        %sub3A_1024 = arith.subf %sub3A_1023, %get3A_1022 : vector<16xf32>
        %jit3A_1025 = arith.constant 0.000000e+00 : f32
        %jit3A_1026 = arith.constant 5.110000e+02 : f32
        %max3A_1027 = vector.broadcast %jit3A_1025 : f32 to vector<16xf32>
        %max3A_1028 = arith.maximumf %max3A_1027, %sub3A_1024 : vector<16xf32>
        %min3A_1029 = vector.broadcast %jit3A_1026 : f32 to vector<16xf32>
        %min3A_1030 = arith.minimumf %min3A_1029, %max3A_1028 : vector<16xf32>
        %convert_element_type3A_1031 = arith.fptosi %min3A_1030 : vector<16xf32> to vector<16xi32>
        %min3A_1032 = arith.constant 510 : i32
        %min3A_1033 = vector.broadcast %min3A_1032 : i32 to vector<16xi32>
        %min3A_1034 = arith.minsi %convert_element_type3A_1031, %min3A_1033 : vector<16xi32>
        %convert_element_type3A_1035 = arith.sitofp %min3A_1034 : vector<16xi32> to vector<16xf32>
        %sub3A_1036 = arith.subf %min3A_1030, %convert_element_type3A_1035 : vector<16xf32>
        %add3A_1037 = arith.constant 32 : i32
        %add3A_1038 = arith.addi %and3A_786, %add3A_1037 : i32
        %convert_element_type3A_1039 = arith.sitofp %add3A_1038 : i32 to f32
        %iota3A_1040 = tpu.iota {dimensions = array<i32: 0>} : vector<16xi32>
        %convert_element_type3A_1041 = arith.sitofp %iota3A_1040 : vector<16xi32> to vector<16xf32>
        %add3A_1042 = vector.broadcast %convert_element_type3A_1039 : f32 to vector<16xf32>
        %add3A_1043 = arith.addf %add3A_1042, %convert_element_type3A_1041 : vector<16xf32>
        %get3A_1044 = arith.constant 1 : i32
        %get3A_1045 = arith.index_cast %get3A_1044 : i32 to index
        %get3A_1046 = arith.constant 32 : index
        %get3A_1047 = tpu.vector_load %arg7[%get3A_1045, %get3A_1046] {strides = array<i32>} : memref<2x64xf32, #tpu.memory_space<vmem>>, vector<1x16xf32>,
        %get3A_1048 = vector.shape_cast %get3A_1047 : vector<1x16xf32> to vector<16xf32>
        %sub3A_1049 = arith.subf %add3A_1043, %get3A_1048 : vector<16xf32>
        %jit3A_1050 = arith.constant 0.000000e+00 : f32
        %jit3A_1051 = arith.constant 5.110000e+02 : f32
        %max3A_1052 = vector.broadcast %jit3A_1050 : f32 to vector<16xf32>
        %max3A_1053 = arith.maximumf %max3A_1052, %sub3A_1049 : vector<16xf32>
        %min3A_1054 = vector.broadcast %jit3A_1051 : f32 to vector<16xf32>
        %min3A_1055 = arith.minimumf %min3A_1054, %max3A_1053 : vector<16xf32>
        %convert_element_type3A_1056 = arith.fptosi %min3A_1055 : vector<16xf32> to vector<16xi32>
        %min3A_1057 = arith.constant 510 : i32
        %min3A_1058 = vector.broadcast %min3A_1057 : i32 to vector<16xi32>
        %min3A_1059 = arith.minsi %convert_element_type3A_1056, %min3A_1058 : vector<16xi32>
        %convert_element_type3A_1060 = arith.sitofp %min3A_1059 : vector<16xi32> to vector<16xf32>
        %sub3A_1061 = arith.subf %min3A_1055, %convert_element_type3A_1060 : vector<16xf32>
        %shift_left3A_1062 = arith.constant 9 : i32
        %shift_left3A_1063 = vector.broadcast %shift_left3A_1062 : i32 to vector<16xi32>
        %shift_left3A_1064 = arith.shli %min3A_1034, %shift_left3A_1063 : vector<16xi32>
        %add3A_1065 = vector.broadcast %shift_left3A_784 : i32 to vector<16xi32>
        %add3A_1066 = arith.addi %add3A_1065, %shift_left3A_1064 : vector<16xi32>
        %add3A_1067 = arith.addi %add3A_1066, %min3A_1059 : vector<16xi32>
        %swap3A_1068 = arith.constant 1 : i32
        %swap3A_1069 = arith.index_cast %swap3A_1068 : i32 to index
        %swap3A_1070 = arith.constant 32 : index
        %swap3A_1071 = tpu.vector_load %arg9[%swap3A_1069, %swap3A_1070] {strides = array<i32>} : memref<2x80xf32, #tpu.memory_space<vmem>>, vector<1x16xf32>,
        %swap3A_1072 = vector.shape_cast %swap3A_1071 : vector<1x16xf32> to vector<16xf32>
        %swap3A_1073 = vector.shape_cast %sub3A_1036 : vector<16xf32> to vector<1x16xf32>
        tpu.vector_store %arg9[%swap3A_1069, %swap3A_1070], %swap3A_1073 {strides = array<i32>} : memref<2x80xf32, #tpu.memory_space<vmem>>, vector<1x16xf32>,
        %swap3A_1074 = arith.constant 1 : i32
        %swap3A_1075 = arith.index_cast %swap3A_1074 : i32 to index
        %swap3A_1076 = arith.constant 32 : index
        %swap3A_1077 = tpu.vector_load %arg8[%swap3A_1075, %swap3A_1076] {strides = array<i32>} : memref<2x80xf32, #tpu.memory_space<vmem>>, vector<1x16xf32>,
        %swap3A_1078 = vector.shape_cast %swap3A_1077 : vector<1x16xf32> to vector<16xf32>
        %swap3A_1079 = vector.shape_cast %sub3A_1061 : vector<16xf32> to vector<1x16xf32>
        tpu.vector_store %arg8[%swap3A_1075, %swap3A_1076], %swap3A_1079 {strides = array<i32>} : memref<2x80xf32, #tpu.memory_space<vmem>>, vector<1x16xf32>,
        %swap3A_1080 = arith.constant 1 : i32
        %swap3A_1081 = arith.constant 0 : i32
        %swap3A_1082 = arith.index_cast %swap3A_1080 : i32 to index
        %swap3A_1083 = arith.index_cast %swap3A_1081 : i32 to index
        %swap3A_1084 = arith.constant 32 : index
        %swap3A_1085 = tpu.vector_load %arg10[%swap3A_1082, %swap3A_1083, %swap3A_1084] {strides = array<i32>} : memref<2x4x64xi32, #tpu.memory_space<vmem>>, vector<1x1x16xi32>,
        %swap3A_1086 = vector.shape_cast %swap3A_1085 : vector<1x1x16xi32> to vector<16xi32>
        %swap3A_1087 = vector.shape_cast %add3A_1067 : vector<16xi32> to vector<1x1x16xi32>
        tpu.vector_store %arg10[%swap3A_1082, %swap3A_1083, %swap3A_1084], %swap3A_1087 {strides = array<i32>} : memref<2x4x64xi32, #tpu.memory_space<vmem>>, vector<1x1x16xi32>,
        %add3A_1088 = arith.constant 1 : i32
        %add3A_1089 = vector.broadcast %add3A_1088 : i32 to vector<16xi32>
        %add3A_1090 = arith.addi %add3A_1067, %add3A_1089 : vector<16xi32>
        %swap3A_1091 = arith.constant 1 : i32
        %swap3A_1092 = arith.constant 1 : i32
        %swap3A_1093 = arith.index_cast %swap3A_1091 : i32 to index
        %swap3A_1094 = arith.index_cast %swap3A_1092 : i32 to index
        %swap3A_1095 = arith.constant 32 : index
        %swap3A_1096 = tpu.vector_load %arg10[%swap3A_1093, %swap3A_1094, %swap3A_1095] {strides = array<i32>} : memref<2x4x64xi32, #tpu.memory_space<vmem>>, vector<1x1x16xi32>,
        %swap3A_1097 = vector.shape_cast %swap3A_1096 : vector<1x1x16xi32> to vector<16xi32>
        %swap3A_1098 = vector.shape_cast %add3A_1090 : vector<16xi32> to vector<1x1x16xi32>
        tpu.vector_store %arg10[%swap3A_1093, %swap3A_1094, %swap3A_1095], %swap3A_1098 {strides = array<i32>} : memref<2x4x64xi32, #tpu.memory_space<vmem>>, vector<1x1x16xi32>,
        %add3A_1099 = arith.constant 512 : i32
        %add3A_1100 = vector.broadcast %add3A_1099 : i32 to vector<16xi32>
        %add3A_1101 = arith.addi %add3A_1067, %add3A_1100 : vector<16xi32>
        %swap3A_1102 = arith.constant 1 : i32
        %swap3A_1103 = arith.constant 2 : i32
        %swap3A_1104 = arith.index_cast %swap3A_1102 : i32 to index
        %swap3A_1105 = arith.index_cast %swap3A_1103 : i32 to index
        %swap3A_1106 = arith.constant 32 : index
        %swap3A_1107 = tpu.vector_load %arg10[%swap3A_1104, %swap3A_1105, %swap3A_1106] {strides = array<i32>} : memref<2x4x64xi32, #tpu.memory_space<vmem>>, vector<1x1x16xi32>,
        %swap3A_1108 = vector.shape_cast %swap3A_1107 : vector<1x1x16xi32> to vector<16xi32>
        %swap3A_1109 = vector.shape_cast %add3A_1101 : vector<16xi32> to vector<1x1x16xi32>
        tpu.vector_store %arg10[%swap3A_1104, %swap3A_1105, %swap3A_1106], %swap3A_1109 {strides = array<i32>} : memref<2x4x64xi32, #tpu.memory_space<vmem>>, vector<1x1x16xi32>,
        %add3A_1110 = arith.constant 512 : i32
        %add3A_1111 = vector.broadcast %add3A_1110 : i32 to vector<16xi32>
        %add3A_1112 = arith.addi %add3A_1067, %add3A_1111 : vector<16xi32>
        %add3A_1113 = arith.constant 1 : i32
        %add3A_1114 = vector.broadcast %add3A_1113 : i32 to vector<16xi32>
        %add3A_1115 = arith.addi %add3A_1112, %add3A_1114 : vector<16xi32>
        %swap3A_1116 = arith.constant 1 : i32
        %swap3A_1117 = arith.constant 3 : i32
        %swap3A_1118 = arith.index_cast %swap3A_1116 : i32 to index
        %swap3A_1119 = arith.index_cast %swap3A_1117 : i32 to index
        %swap3A_1120 = arith.constant 32 : index
        %swap3A_1121 = tpu.vector_load %arg10[%swap3A_1118, %swap3A_1119, %swap3A_1120] {strides = array<i32>} : memref<2x4x64xi32, #tpu.memory_space<vmem>>, vector<1x1x16xi32>,
        %swap3A_1122 = vector.shape_cast %swap3A_1121 : vector<1x1x16xi32> to vector<16xi32>
        %swap3A_1123 = vector.shape_cast %add3A_1115 : vector<16xi32> to vector<1x1x16xi32>
        tpu.vector_store %arg10[%swap3A_1118, %swap3A_1119, %swap3A_1120], %swap3A_1123 {strides = array<i32>} : memref<2x4x64xi32, #tpu.memory_space<vmem>>, vector<1x1x16xi32>,
        %get3A_1124 = arith.constant 1 : i32
        %get3A_1125 = arith.index_cast %get3A_1124 : i32 to index
        %get3A_1126 = arith.constant 48 : index
        %get3A_1127 = tpu.vector_load %arg6[%get3A_1125, %get3A_1126] {strides = array<i32>} : memref<2x64xf32, #tpu.memory_space<vmem>>, vector<1x16xf32>,
        %get3A_1128 = vector.shape_cast %get3A_1127 : vector<1x16xf32> to vector<16xf32>
        %sub3A_1129 = vector.broadcast %convert_element_type3A_805 : f32 to vector<16xf32>
        %sub3A_1130 = arith.subf %sub3A_1129, %get3A_1128 : vector<16xf32>
        %jit3A_1131 = arith.constant 0.000000e+00 : f32
        %jit3A_1132 = arith.constant 5.110000e+02 : f32
        %max3A_1133 = vector.broadcast %jit3A_1131 : f32 to vector<16xf32>
        %max3A_1134 = arith.maximumf %max3A_1133, %sub3A_1130 : vector<16xf32>
        %min3A_1135 = vector.broadcast %jit3A_1132 : f32 to vector<16xf32>
        %min3A_1136 = arith.minimumf %min3A_1135, %max3A_1134 : vector<16xf32>
        %convert_element_type3A_1137 = arith.fptosi %min3A_1136 : vector<16xf32> to vector<16xi32>
        %min3A_1138 = arith.constant 510 : i32
        %min3A_1139 = vector.broadcast %min3A_1138 : i32 to vector<16xi32>
        %min3A_1140 = arith.minsi %convert_element_type3A_1137, %min3A_1139 : vector<16xi32>
        %convert_element_type3A_1141 = arith.sitofp %min3A_1140 : vector<16xi32> to vector<16xf32>
        %sub3A_1142 = arith.subf %min3A_1136, %convert_element_type3A_1141 : vector<16xf32>
        %add3A_1143 = arith.constant 48 : i32
        %add3A_1144 = arith.addi %and3A_786, %add3A_1143 : i32
        %convert_element_type3A_1145 = arith.sitofp %add3A_1144 : i32 to f32
        %iota3A_1146 = tpu.iota {dimensions = array<i32: 0>} : vector<16xi32>
        %convert_element_type3A_1147 = arith.sitofp %iota3A_1146 : vector<16xi32> to vector<16xf32>
        %add3A_1148 = vector.broadcast %convert_element_type3A_1145 : f32 to vector<16xf32>
        %add3A_1149 = arith.addf %add3A_1148, %convert_element_type3A_1147 : vector<16xf32>
        %get3A_1150 = arith.constant 1 : i32
        %get3A_1151 = arith.index_cast %get3A_1150 : i32 to index
        %get3A_1152 = arith.constant 48 : index
        %get3A_1153 = tpu.vector_load %arg7[%get3A_1151, %get3A_1152] {strides = array<i32>} : memref<2x64xf32, #tpu.memory_space<vmem>>, vector<1x16xf32>,
        %get3A_1154 = vector.shape_cast %get3A_1153 : vector<1x16xf32> to vector<16xf32>
        %sub3A_1155 = arith.subf %add3A_1149, %get3A_1154 : vector<16xf32>
        %jit3A_1156 = arith.constant 0.000000e+00 : f32
        %jit3A_1157 = arith.constant 5.110000e+02 : f32
        %max3A_1158 = vector.broadcast %jit3A_1156 : f32 to vector<16xf32>
        %max3A_1159 = arith.maximumf %max3A_1158, %sub3A_1155 : vector<16xf32>
        %min3A_1160 = vector.broadcast %jit3A_1157 : f32 to vector<16xf32>
        %min3A_1161 = arith.minimumf %min3A_1160, %max3A_1159 : vector<16xf32>
        %convert_element_type3A_1162 = arith.fptosi %min3A_1161 : vector<16xf32> to vector<16xi32>
        %min3A_1163 = arith.constant 510 : i32
        %min3A_1164 = vector.broadcast %min3A_1163 : i32 to vector<16xi32>
        %min3A_1165 = arith.minsi %convert_element_type3A_1162, %min3A_1164 : vector<16xi32>
        %convert_element_type3A_1166 = arith.sitofp %min3A_1165 : vector<16xi32> to vector<16xf32>
        %sub3A_1167 = arith.subf %min3A_1161, %convert_element_type3A_1166 : vector<16xf32>
        %shift_left3A_1168 = arith.constant 9 : i32
        %shift_left3A_1169 = vector.broadcast %shift_left3A_1168 : i32 to vector<16xi32>
        %shift_left3A_1170 = arith.shli %min3A_1140, %shift_left3A_1169 : vector<16xi32>
        %add3A_1171 = vector.broadcast %shift_left3A_784 : i32 to vector<16xi32>
        %add3A_1172 = arith.addi %add3A_1171, %shift_left3A_1170 : vector<16xi32>
        %add3A_1173 = arith.addi %add3A_1172, %min3A_1165 : vector<16xi32>
        %swap3A_1174 = arith.constant 1 : i32
        %swap3A_1175 = arith.index_cast %swap3A_1174 : i32 to index
        %swap3A_1176 = arith.constant 48 : index
        %swap3A_1177 = tpu.vector_load %arg9[%swap3A_1175, %swap3A_1176] {strides = array<i32>} : memref<2x80xf32, #tpu.memory_space<vmem>>, vector<1x16xf32>,
        %swap3A_1178 = vector.shape_cast %swap3A_1177 : vector<1x16xf32> to vector<16xf32>
        %swap3A_1179 = vector.shape_cast %sub3A_1142 : vector<16xf32> to vector<1x16xf32>
        tpu.vector_store %arg9[%swap3A_1175, %swap3A_1176], %swap3A_1179 {strides = array<i32>} : memref<2x80xf32, #tpu.memory_space<vmem>>, vector<1x16xf32>,
        %swap3A_1180 = arith.constant 1 : i32
        %swap3A_1181 = arith.index_cast %swap3A_1180 : i32 to index
        %swap3A_1182 = arith.constant 48 : index
        %swap3A_1183 = tpu.vector_load %arg8[%swap3A_1181, %swap3A_1182] {strides = array<i32>} : memref<2x80xf32, #tpu.memory_space<vmem>>, vector<1x16xf32>,
        %swap3A_1184 = vector.shape_cast %swap3A_1183 : vector<1x16xf32> to vector<16xf32>
        %swap3A_1185 = vector.shape_cast %sub3A_1167 : vector<16xf32> to vector<1x16xf32>
        tpu.vector_store %arg8[%swap3A_1181, %swap3A_1182], %swap3A_1185 {strides = array<i32>} : memref<2x80xf32, #tpu.memory_space<vmem>>, vector<1x16xf32>,
        %swap3A_1186 = arith.constant 1 : i32
        %swap3A_1187 = arith.constant 0 : i32
        %swap3A_1188 = arith.index_cast %swap3A_1186 : i32 to index
        %swap3A_1189 = arith.index_cast %swap3A_1187 : i32 to index
        %swap3A_1190 = arith.constant 48 : index
        %swap3A_1191 = tpu.vector_load %arg10[%swap3A_1188, %swap3A_1189, %swap3A_1190] {strides = array<i32>} : memref<2x4x64xi32, #tpu.memory_space<vmem>>, vector<1x1x16xi32>,
        %swap3A_1192 = vector.shape_cast %swap3A_1191 : vector<1x1x16xi32> to vector<16xi32>
        %swap3A_1193 = vector.shape_cast %add3A_1173 : vector<16xi32> to vector<1x1x16xi32>
        tpu.vector_store %arg10[%swap3A_1188, %swap3A_1189, %swap3A_1190], %swap3A_1193 {strides = array<i32>} : memref<2x4x64xi32, #tpu.memory_space<vmem>>, vector<1x1x16xi32>,
        %add3A_1194 = arith.constant 1 : i32
        %add3A_1195 = vector.broadcast %add3A_1194 : i32 to vector<16xi32>
        %add3A_1196 = arith.addi %add3A_1173, %add3A_1195 : vector<16xi32>
        %swap3A_1197 = arith.constant 1 : i32
        %swap3A_1198 = arith.constant 1 : i32
        %swap3A_1199 = arith.index_cast %swap3A_1197 : i32 to index
        %swap3A_1200 = arith.index_cast %swap3A_1198 : i32 to index
        %swap3A_1201 = arith.constant 48 : index
        %swap3A_1202 = tpu.vector_load %arg10[%swap3A_1199, %swap3A_1200, %swap3A_1201] {strides = array<i32>} : memref<2x4x64xi32, #tpu.memory_space<vmem>>, vector<1x1x16xi32>,
        %swap3A_1203 = vector.shape_cast %swap3A_1202 : vector<1x1x16xi32> to vector<16xi32>
        %swap3A_1204 = vector.shape_cast %add3A_1196 : vector<16xi32> to vector<1x1x16xi32>
        tpu.vector_store %arg10[%swap3A_1199, %swap3A_1200, %swap3A_1201], %swap3A_1204 {strides = array<i32>} : memref<2x4x64xi32, #tpu.memory_space<vmem>>, vector<1x1x16xi32>,
        %add3A_1205 = arith.constant 512 : i32
        %add3A_1206 = vector.broadcast %add3A_1205 : i32 to vector<16xi32>
        %add3A_1207 = arith.addi %add3A_1173, %add3A_1206 : vector<16xi32>
        %swap3A_1208 = arith.constant 1 : i32
        %swap3A_1209 = arith.constant 2 : i32
        %swap3A_1210 = arith.index_cast %swap3A_1208 : i32 to index
        %swap3A_1211 = arith.index_cast %swap3A_1209 : i32 to index
        %swap3A_1212 = arith.constant 48 : index
        %swap3A_1213 = tpu.vector_load %arg10[%swap3A_1210, %swap3A_1211, %swap3A_1212] {strides = array<i32>} : memref<2x4x64xi32, #tpu.memory_space<vmem>>, vector<1x1x16xi32>,
        %swap3A_1214 = vector.shape_cast %swap3A_1213 : vector<1x1x16xi32> to vector<16xi32>
        %swap3A_1215 = vector.shape_cast %add3A_1207 : vector<16xi32> to vector<1x1x16xi32>
        tpu.vector_store %arg10[%swap3A_1210, %swap3A_1211, %swap3A_1212], %swap3A_1215 {strides = array<i32>} : memref<2x4x64xi32, #tpu.memory_space<vmem>>, vector<1x1x16xi32>,
        %add3A_1216 = arith.constant 512 : i32
        %add3A_1217 = vector.broadcast %add3A_1216 : i32 to vector<16xi32>
        %add3A_1218 = arith.addi %add3A_1173, %add3A_1217 : vector<16xi32>
        %add3A_1219 = arith.constant 1 : i32
        %add3A_1220 = vector.broadcast %add3A_1219 : i32 to vector<16xi32>
        %add3A_1221 = arith.addi %add3A_1218, %add3A_1220 : vector<16xi32>
        %swap3A_1222 = arith.constant 1 : i32
        %swap3A_1223 = arith.constant 3 : i32
        %swap3A_1224 = arith.index_cast %swap3A_1222 : i32 to index
        %swap3A_1225 = arith.index_cast %swap3A_1223 : i32 to index
        %swap3A_1226 = arith.constant 48 : index
        %swap3A_1227 = tpu.vector_load %arg10[%swap3A_1224, %swap3A_1225, %swap3A_1226] {strides = array<i32>} : memref<2x4x64xi32, #tpu.memory_space<vmem>>, vector<1x1x16xi32>,
        %swap3A_1228 = vector.shape_cast %swap3A_1227 : vector<1x1x16xi32> to vector<16xi32>
        %swap3A_1229 = vector.shape_cast %add3A_1221 : vector<16xi32> to vector<1x1x16xi32>
        tpu.vector_store %arg10[%swap3A_1224, %swap3A_1225, %swap3A_1226], %swap3A_1229 {strides = array<i32>} : memref<2x4x64xi32, #tpu.memory_space<vmem>>, vector<1x1x16xi32>,
        %dma_start3A_1230 = arith.constant 1 : i32
        %dma_start3A_1231 = arith.constant 0 : i32
        %dma_start3A_1232 = arith.constant 1 : i32
        %dma_start3A_1233 = arith.constant 0 : i32
        %dma_start3A_1234 = arith.constant 0 : i32
        %dma_start3A_1235 = arith.constant 0 : i32
        %dma_start3A_1236 = tpu.memref_slice %arg11[%dma_start3A_1232, %dma_start3A_1233, %dma_start3A_1234, %dma_start3A_1235] : memref<2x4x64x128xf32, #tpu.memory_space<vmem>> -> memref<1x1x64x128xf32, #tpu.memory_space<vmem>>
        %dma_start3A_1237 = tpu.memref_squeeze %dma_start3A_1236 : memref<1x1x64x128xf32, #tpu.memory_space<vmem>> -> memref<64x128xf32, #tpu.memory_space<vmem>>
        %dma_start3A_1238 = arith.constant 0 : i32
        %dma_start3A_1239 = tpu.memref_slice %arg10[%dma_start3A_1230, %dma_start3A_1231, %dma_start3A_1238] : memref<2x4x64xi32, #tpu.memory_space<vmem>> -> memref<1x1x64xi32, #tpu.memory_space<vmem>>
        %dma_start3A_1240 = tpu.memref_squeeze %dma_start3A_1239 : memref<1x1x64xi32, #tpu.memory_space<vmem>> -> memref<64xi32, #tpu.memory_space<vmem>>
        %dma_start3A_1241 = arith.constant 0 : i32
        %dma_start3A_1242 = arith.constant 0 : i32
        %dma_start3A_1243 = tpu.memref_slice %arg2[%dma_start3A_1241, %dma_start3A_1242] : memref<524288x128xf32, #tpu.memory_space<hbm>> -> memref<524288x128xf32, #tpu.memory_space<hbm>>
        tpu.enqueue_indirect_dma source(%dma_start3A_1243 : memref<524288x128xf32, #tpu.memory_space<hbm>>) target(%dma_start3A_1237 : memref<64x128xf32, #tpu.memory_space<vmem>>) offsets(%dma_start3A_1240 : memref<64xi32, #tpu.memory_space<vmem>>) semaphore(%arg14 : memref<!tpu.dma_semaphore, #tpu.memory_space<semaphore_mem>>)
        %dma_start3A_1244 = arith.constant 1 : i32
        %dma_start3A_1245 = arith.constant 1 : i32
        %dma_start3A_1246 = arith.constant 1 : i32
        %dma_start3A_1247 = arith.constant 1 : i32
        %dma_start3A_1248 = arith.constant 0 : i32
        %dma_start3A_1249 = arith.constant 0 : i32
        %dma_start3A_1250 = tpu.memref_slice %arg11[%dma_start3A_1246, %dma_start3A_1247, %dma_start3A_1248, %dma_start3A_1249] : memref<2x4x64x128xf32, #tpu.memory_space<vmem>> -> memref<1x1x64x128xf32, #tpu.memory_space<vmem>>
        %dma_start3A_1251 = tpu.memref_squeeze %dma_start3A_1250 : memref<1x1x64x128xf32, #tpu.memory_space<vmem>> -> memref<64x128xf32, #tpu.memory_space<vmem>>
        %dma_start3A_1252 = arith.constant 0 : i32
        %dma_start3A_1253 = tpu.memref_slice %arg10[%dma_start3A_1244, %dma_start3A_1245, %dma_start3A_1252] : memref<2x4x64xi32, #tpu.memory_space<vmem>> -> memref<1x1x64xi32, #tpu.memory_space<vmem>>
        %dma_start3A_1254 = tpu.memref_squeeze %dma_start3A_1253 : memref<1x1x64xi32, #tpu.memory_space<vmem>> -> memref<64xi32, #tpu.memory_space<vmem>>
        %dma_start3A_1255 = arith.constant 0 : i32
        %dma_start3A_1256 = arith.constant 0 : i32
        %dma_start3A_1257 = tpu.memref_slice %arg2[%dma_start3A_1255, %dma_start3A_1256] : memref<524288x128xf32, #tpu.memory_space<hbm>> -> memref<524288x128xf32, #tpu.memory_space<hbm>>
        tpu.enqueue_indirect_dma source(%dma_start3A_1257 : memref<524288x128xf32, #tpu.memory_space<hbm>>) target(%dma_start3A_1251 : memref<64x128xf32, #tpu.memory_space<vmem>>) offsets(%dma_start3A_1254 : memref<64xi32, #tpu.memory_space<vmem>>) semaphore(%arg14 : memref<!tpu.dma_semaphore, #tpu.memory_space<semaphore_mem>>)
        %dma_start3A_1258 = arith.constant 1 : i32
        %dma_start3A_1259 = arith.constant 2 : i32
        %dma_start3A_1260 = arith.constant 1 : i32
        %dma_start3A_1261 = arith.constant 2 : i32
        %dma_start3A_1262 = arith.constant 0 : i32
        %dma_start3A_1263 = arith.constant 0 : i32
        %dma_start3A_1264 = tpu.memref_slice %arg11[%dma_start3A_1260, %dma_start3A_1261, %dma_start3A_1262, %dma_start3A_1263] : memref<2x4x64x128xf32, #tpu.memory_space<vmem>> -> memref<1x1x64x128xf32, #tpu.memory_space<vmem>>
        %dma_start3A_1265 = tpu.memref_squeeze %dma_start3A_1264 : memref<1x1x64x128xf32, #tpu.memory_space<vmem>> -> memref<64x128xf32, #tpu.memory_space<vmem>>
        %dma_start3A_1266 = arith.constant 0 : i32
        %dma_start3A_1267 = tpu.memref_slice %arg10[%dma_start3A_1258, %dma_start3A_1259, %dma_start3A_1266] : memref<2x4x64xi32, #tpu.memory_space<vmem>> -> memref<1x1x64xi32, #tpu.memory_space<vmem>>
        %dma_start3A_1268 = tpu.memref_squeeze %dma_start3A_1267 : memref<1x1x64xi32, #tpu.memory_space<vmem>> -> memref<64xi32, #tpu.memory_space<vmem>>
        %dma_start3A_1269 = arith.constant 0 : i32
        %dma_start3A_1270 = arith.constant 0 : i32
        %dma_start3A_1271 = tpu.memref_slice %arg2[%dma_start3A_1269, %dma_start3A_1270] : memref<524288x128xf32, #tpu.memory_space<hbm>> -> memref<524288x128xf32, #tpu.memory_space<hbm>>
        tpu.enqueue_indirect_dma source(%dma_start3A_1271 : memref<524288x128xf32, #tpu.memory_space<hbm>>) target(%dma_start3A_1265 : memref<64x128xf32, #tpu.memory_space<vmem>>) offsets(%dma_start3A_1268 : memref<64xi32, #tpu.memory_space<vmem>>) semaphore(%arg14 : memref<!tpu.dma_semaphore, #tpu.memory_space<semaphore_mem>>)
        %dma_start3A_1272 = arith.constant 1 : i32
        %dma_start3A_1273 = arith.constant 3 : i32
        %dma_start3A_1274 = arith.constant 1 : i32
        %dma_start3A_1275 = arith.constant 3 : i32
        %dma_start3A_1276 = arith.constant 0 : i32
        %dma_start3A_1277 = arith.constant 0 : i32
        %dma_start3A_1278 = tpu.memref_slice %arg11[%dma_start3A_1274, %dma_start3A_1275, %dma_start3A_1276, %dma_start3A_1277] : memref<2x4x64x128xf32, #tpu.memory_space<vmem>> -> memref<1x1x64x128xf32, #tpu.memory_space<vmem>>
        %dma_start3A_1279 = tpu.memref_squeeze %dma_start3A_1278 : memref<1x1x64x128xf32, #tpu.memory_space<vmem>> -> memref<64x128xf32, #tpu.memory_space<vmem>>
        %dma_start3A_1280 = arith.constant 0 : i32
        %dma_start3A_1281 = tpu.memref_slice %arg10[%dma_start3A_1272, %dma_start3A_1273, %dma_start3A_1280] : memref<2x4x64xi32, #tpu.memory_space<vmem>> -> memref<1x1x64xi32, #tpu.memory_space<vmem>>
        %dma_start3A_1282 = tpu.memref_squeeze %dma_start3A_1281 : memref<1x1x64xi32, #tpu.memory_space<vmem>> -> memref<64xi32, #tpu.memory_space<vmem>>
        %dma_start3A_1283 = arith.constant 0 : i32
        %dma_start3A_1284 = arith.constant 0 : i32
        %dma_start3A_1285 = tpu.memref_slice %arg2[%dma_start3A_1283, %dma_start3A_1284] : memref<524288x128xf32, #tpu.memory_space<hbm>> -> memref<524288x128xf32, #tpu.memory_space<hbm>>
        tpu.enqueue_indirect_dma source(%dma_start3A_1285 : memref<524288x128xf32, #tpu.memory_space<hbm>>) target(%dma_start3A_1279 : memref<64x128xf32, #tpu.memory_space<vmem>>) offsets(%dma_start3A_1282 : memref<64xi32, #tpu.memory_space<vmem>>) semaphore(%arg14 : memref<!tpu.dma_semaphore, #tpu.memory_space<semaphore_mem>>)
      } else {
      }
      %dma_wait3A_589 = arith.constant 0 : i32
      %dma_wait3A_590 = arith.constant 0 : i32
      %dma_wait3A_591 = arith.constant 0 : i32
      %dma_wait3A_592 = arith.constant 0 : i32
      %dma_wait3A_593 = arith.constant 0 : i32
      %dma_wait3A_594 = arith.constant 0 : i32
      %dma_wait3A_595 = tpu.memref_slice %arg11[%dma_wait3A_591, %dma_wait3A_592, %dma_wait3A_593, %dma_wait3A_594] : memref<2x4x64x128xf32, #tpu.memory_space<vmem>> -> memref<1x1x64x128xf32, #tpu.memory_space<vmem>>
      %dma_wait3A_596 = tpu.memref_squeeze %dma_wait3A_595 : memref<1x1x64x128xf32, #tpu.memory_space<vmem>> -> memref<64x128xf32, #tpu.memory_space<vmem>>
      %dma_wait3A_597 = arith.constant 0 : i32
      %dma_wait3A_598 = tpu.memref_slice %arg10[%dma_wait3A_589, %dma_wait3A_590, %dma_wait3A_597] : memref<2x4x64xi32, #tpu.memory_space<vmem>> -> memref<1x1x64xi32, #tpu.memory_space<vmem>>
      %dma_wait3A_599 = tpu.memref_squeeze %dma_wait3A_598 : memref<1x1x64xi32, #tpu.memory_space<vmem>> -> memref<64xi32, #tpu.memory_space<vmem>>
      %dma_wait3A_600 = arith.constant 0 : i32
      %dma_wait3A_601 = arith.constant 0 : i32
      %dma_wait3A_602 = tpu.memref_slice %arg2[%dma_wait3A_600, %dma_wait3A_601] : memref<524288x128xf32, #tpu.memory_space<hbm>> -> memref<524288x128xf32, #tpu.memory_space<hbm>>
      tpu.wait_indirect_dma semaphore(%arg13 : memref<!tpu.dma_semaphore, #tpu.memory_space<semaphore_mem>>) src(%dma_wait3A_602 : memref<524288x128xf32, #tpu.memory_space<hbm>>) dst(%dma_wait3A_596 : memref<64x128xf32, #tpu.memory_space<vmem>>)
      %dma_wait3A_603 = arith.constant 0 : i32
      %dma_wait3A_604 = arith.constant 1 : i32
      %dma_wait3A_605 = arith.constant 0 : i32
      %dma_wait3A_606 = arith.constant 1 : i32
      %dma_wait3A_607 = arith.constant 0 : i32
      %dma_wait3A_608 = arith.constant 0 : i32
      %dma_wait3A_609 = tpu.memref_slice %arg11[%dma_wait3A_605, %dma_wait3A_606, %dma_wait3A_607, %dma_wait3A_608] : memref<2x4x64x128xf32, #tpu.memory_space<vmem>> -> memref<1x1x64x128xf32, #tpu.memory_space<vmem>>
      %dma_wait3A_610 = tpu.memref_squeeze %dma_wait3A_609 : memref<1x1x64x128xf32, #tpu.memory_space<vmem>> -> memref<64x128xf32, #tpu.memory_space<vmem>>
      %dma_wait3A_611 = arith.constant 0 : i32
      %dma_wait3A_612 = tpu.memref_slice %arg10[%dma_wait3A_603, %dma_wait3A_604, %dma_wait3A_611] : memref<2x4x64xi32, #tpu.memory_space<vmem>> -> memref<1x1x64xi32, #tpu.memory_space<vmem>>
      %dma_wait3A_613 = tpu.memref_squeeze %dma_wait3A_612 : memref<1x1x64xi32, #tpu.memory_space<vmem>> -> memref<64xi32, #tpu.memory_space<vmem>>
      %dma_wait3A_614 = arith.constant 0 : i32
      %dma_wait3A_615 = arith.constant 0 : i32
      %dma_wait3A_616 = tpu.memref_slice %arg2[%dma_wait3A_614, %dma_wait3A_615] : memref<524288x128xf32, #tpu.memory_space<hbm>> -> memref<524288x128xf32, #tpu.memory_space<hbm>>
      tpu.wait_indirect_dma semaphore(%arg13 : memref<!tpu.dma_semaphore, #tpu.memory_space<semaphore_mem>>) src(%dma_wait3A_616 : memref<524288x128xf32, #tpu.memory_space<hbm>>) dst(%dma_wait3A_610 : memref<64x128xf32, #tpu.memory_space<vmem>>)
      %dma_wait3A_617 = arith.constant 0 : i32
      %dma_wait3A_618 = arith.constant 2 : i32
      %dma_wait3A_619 = arith.constant 0 : i32
      %dma_wait3A_620 = arith.constant 2 : i32
      %dma_wait3A_621 = arith.constant 0 : i32
      %dma_wait3A_622 = arith.constant 0 : i32
      %dma_wait3A_623 = tpu.memref_slice %arg11[%dma_wait3A_619, %dma_wait3A_620, %dma_wait3A_621, %dma_wait3A_622] : memref<2x4x64x128xf32, #tpu.memory_space<vmem>> -> memref<1x1x64x128xf32, #tpu.memory_space<vmem>>
      %dma_wait3A_624 = tpu.memref_squeeze %dma_wait3A_623 : memref<1x1x64x128xf32, #tpu.memory_space<vmem>> -> memref<64x128xf32, #tpu.memory_space<vmem>>
      %dma_wait3A_625 = arith.constant 0 : i32
      %dma_wait3A_626 = tpu.memref_slice %arg10[%dma_wait3A_617, %dma_wait3A_618, %dma_wait3A_625] : memref<2x4x64xi32, #tpu.memory_space<vmem>> -> memref<1x1x64xi32, #tpu.memory_space<vmem>>
      %dma_wait3A_627 = tpu.memref_squeeze %dma_wait3A_626 : memref<1x1x64xi32, #tpu.memory_space<vmem>> -> memref<64xi32, #tpu.memory_space<vmem>>
      %dma_wait3A_628 = arith.constant 0 : i32
      %dma_wait3A_629 = arith.constant 0 : i32
      %dma_wait3A_630 = tpu.memref_slice %arg2[%dma_wait3A_628, %dma_wait3A_629] : memref<524288x128xf32, #tpu.memory_space<hbm>> -> memref<524288x128xf32, #tpu.memory_space<hbm>>
      tpu.wait_indirect_dma semaphore(%arg13 : memref<!tpu.dma_semaphore, #tpu.memory_space<semaphore_mem>>) src(%dma_wait3A_630 : memref<524288x128xf32, #tpu.memory_space<hbm>>) dst(%dma_wait3A_624 : memref<64x128xf32, #tpu.memory_space<vmem>>)
      %dma_wait3A_631 = arith.constant 0 : i32
      %dma_wait3A_632 = arith.constant 3 : i32
      %dma_wait3A_633 = arith.constant 0 : i32
      %dma_wait3A_634 = arith.constant 3 : i32
      %dma_wait3A_635 = arith.constant 0 : i32
      %dma_wait3A_636 = arith.constant 0 : i32
      %dma_wait3A_637 = tpu.memref_slice %arg11[%dma_wait3A_633, %dma_wait3A_634, %dma_wait3A_635, %dma_wait3A_636] : memref<2x4x64x128xf32, #tpu.memory_space<vmem>> -> memref<1x1x64x128xf32, #tpu.memory_space<vmem>>
      %dma_wait3A_638 = tpu.memref_squeeze %dma_wait3A_637 : memref<1x1x64x128xf32, #tpu.memory_space<vmem>> -> memref<64x128xf32, #tpu.memory_space<vmem>>
      %dma_wait3A_639 = arith.constant 0 : i32
      %dma_wait3A_640 = tpu.memref_slice %arg10[%dma_wait3A_631, %dma_wait3A_632, %dma_wait3A_639] : memref<2x4x64xi32, #tpu.memory_space<vmem>> -> memref<1x1x64xi32, #tpu.memory_space<vmem>>
      %dma_wait3A_641 = tpu.memref_squeeze %dma_wait3A_640 : memref<1x1x64xi32, #tpu.memory_space<vmem>> -> memref<64xi32, #tpu.memory_space<vmem>>
      %dma_wait3A_642 = arith.constant 0 : i32
      %dma_wait3A_643 = arith.constant 0 : i32
      %dma_wait3A_644 = tpu.memref_slice %arg2[%dma_wait3A_642, %dma_wait3A_643] : memref<524288x128xf32, #tpu.memory_space<hbm>> -> memref<524288x128xf32, #tpu.memory_space<hbm>>
      tpu.wait_indirect_dma semaphore(%arg13 : memref<!tpu.dma_semaphore, #tpu.memory_space<semaphore_mem>>) src(%dma_wait3A_644 : memref<524288x128xf32, #tpu.memory_space<hbm>>) dst(%dma_wait3A_638 : memref<64x128xf32, #tpu.memory_space<vmem>>)
      %ge3A = arith.constant 2 : i32
      %ge3A_645 = arith.cmpi sge, %add3A_576, %ge3A : i32
      %convert_element_type3A_646 = arith.extui %ge3A_645 : i1 to i32
      %cond3A_647 = arith.constant 0 : i32
      %cond3A_648 = arith.cmpi ne, %convert_element_type3A_646, %cond3A_647 : i32
      scf.if %cond3A_648 {
        %dma_wait3A_772 = arith.constant 0 : i32
        %dma_wait3A_773 = arith.constant 0 : i32
        %dma_wait3A_774 = arith.constant 0 : i32
        %dma_wait3A_775 = tpu.memref_slice %arg12[%dma_wait3A_772, %dma_wait3A_773, %dma_wait3A_774] : memref<2x64x96xf32, #tpu.memory_space<vmem>> -> memref<1x64x96xf32, #tpu.memory_space<vmem>>
        %dma_wait3A_776 = tpu.memref_squeeze %dma_wait3A_775 : memref<1x64x96xf32, #tpu.memory_space<vmem>> -> memref<64x96xf32, #tpu.memory_space<vmem>>
        %dma_wait3A_777 = arith.constant 0 : i32
        %dma_wait3A_778 = tpu.memref_slice %arg5[%mul3A_2, %dma_wait3A_777] : memref<524288x96xf32, #tpu.memory_space<hbm>> -> memref<64x96xf32, #tpu.memory_space<hbm>>
        %dma_wait3A_779 = arith.constant 0 : i32
        %dma_wait3A_780 = tpu.memref_slice %arg5[%mul3A_2, %dma_wait3A_779] : memref<524288x96xf32, #tpu.memory_space<hbm>> -> memref<64x96xf32, #tpu.memory_space<hbm>>
        %dma_wait3A_781 = arith.constant 0 : i32
        %dma_wait3A_782 = arith.constant 0 : i32
        %dma_wait3A_783 = tpu.memref_slice %arg12[%dma_wait3A_772, %dma_wait3A_781, %dma_wait3A_782] : memref<2x64x96xf32, #tpu.memory_space<vmem>> -> memref<1x64x96xf32, #tpu.memory_space<vmem>>
        %dma_wait3A_784 = tpu.memref_squeeze %dma_wait3A_783 : memref<1x64x96xf32, #tpu.memory_space<vmem>> -> memref<64x96xf32, #tpu.memory_space<vmem>>
        tpu.wait_dma2 semaphore(%arg15 : memref<!tpu.dma_semaphore, #tpu.memory_space<semaphore_mem>>) src(%dma_wait3A_784 : memref<64x96xf32, #tpu.memory_space<vmem>>) dst(%dma_wait3A_780 : memref<64x96xf32, #tpu.memory_space<hbm>>)
      } else {
      }
      %mul3A_649 = arith.constant 64 : i32
      %mul3A_650 = arith.muli %add3A_576, %mul3A_649 : i32
      %add3A_651 = arith.addi %mul3A_2, %mul3A_650 : i32
      %scan3A_652 = arith.constant 0 : i32
      %scan3A_653 = arith.constant 0 : i32
      %scan3A_654 = arith.constant 64 : i32
      %scan3A_655 = arith.addi %scan3A_653, %scan3A_654 : i32
      %scan3A_656 = arith.constant 1 : i32
      scf.for %scan3A_772 = %scan3A_653 to %scan3A_655 step %scan3A_656  : i32 {
        %get3A_773 = arith.constant 0 : i32
        %get3A_774 = arith.index_cast %get3A_773 : i32 to index
        %get3A_775 = arith.index_cast %scan3A_772 : i32 to index
        %get3A_776 = tpu.vector_load %arg8[%get3A_774, %get3A_775] {strides = array<i32>} : memref<2x80xf32, #tpu.memory_space<vmem>>, vector<1x16xf32>,
        %get3A_777 = vector.shape_cast %get3A_776 : vector<1x16xf32> to vector<16xf32>
        %slice3A = vector.extract_strided_slice %get3A_777 {offsets = [0], sizes = [1], strides = [1]} : vector<16xf32> to vector<1xf32>
        %squeeze3A = vector.extract %slice3A[0] : f32 from vector<1xf32>
        %get3A_778 = arith.constant 0 : i32
        %get3A_779 = arith.index_cast %get3A_778 : i32 to index
        %get3A_780 = arith.index_cast %scan3A_772 : i32 to index
        %get3A_781 = tpu.vector_load %arg9[%get3A_779, %get3A_780] {strides = array<i32>} : memref<2x80xf32, #tpu.memory_space<vmem>>, vector<1x16xf32>,
        %get3A_782 = vector.shape_cast %get3A_781 : vector<1x16xf32> to vector<16xf32>
        %slice3A_783 = vector.extract_strided_slice %get3A_782 {offsets = [0], sizes = [1], strides = [1]} : vector<16xf32> to vector<1xf32>
        %squeeze3A_784 = vector.extract %slice3A_783[0] : f32 from vector<1xf32>
        %get3A_785 = arith.constant 0 : i32
        %get3A_786 = arith.constant 0 : i32
        %get3A_787 = arith.index_cast %get3A_785 : i32 to index
        %get3A_788 = arith.index_cast %get3A_786 : i32 to index
        %get3A_789 = arith.index_cast %scan3A_772 : i32 to index
        %get3A_790 = arith.constant 0 : index
        %get3A_791 = tpu.vector_load %arg11[%get3A_787, %get3A_788, %get3A_789, %get3A_790] {strides = array<i32>} : memref<2x4x64x128xf32, #tpu.memory_space<vmem>>, vector<1x1x1x16xf32>,
        %get3A_792 = vector.shape_cast %get3A_791 : vector<1x1x1x16xf32> to vector<16xf32>
        %get3A_793 = arith.constant 0 : i32
        %get3A_794 = arith.constant 1 : i32
        %get3A_795 = arith.index_cast %get3A_793 : i32 to index
        %get3A_796 = arith.index_cast %get3A_794 : i32 to index
        %get3A_797 = arith.index_cast %scan3A_772 : i32 to index
        %get3A_798 = arith.constant 0 : index
        %get3A_799 = tpu.vector_load %arg11[%get3A_795, %get3A_796, %get3A_797, %get3A_798] {strides = array<i32>} : memref<2x4x64x128xf32, #tpu.memory_space<vmem>>, vector<1x1x1x16xf32>,
        %get3A_800 = vector.shape_cast %get3A_799 : vector<1x1x1x16xf32> to vector<16xf32>
        %get3A_801 = arith.constant 0 : i32
        %get3A_802 = arith.constant 2 : i32
        %get3A_803 = arith.index_cast %get3A_801 : i32 to index
        %get3A_804 = arith.index_cast %get3A_802 : i32 to index
        %get3A_805 = arith.index_cast %scan3A_772 : i32 to index
        %get3A_806 = arith.constant 0 : index
        %get3A_807 = tpu.vector_load %arg11[%get3A_803, %get3A_804, %get3A_805, %get3A_806] {strides = array<i32>} : memref<2x4x64x128xf32, #tpu.memory_space<vmem>>, vector<1x1x1x16xf32>,
        %get3A_808 = vector.shape_cast %get3A_807 : vector<1x1x1x16xf32> to vector<16xf32>
        %get3A_809 = arith.constant 0 : i32
        %get3A_810 = arith.constant 3 : i32
        %get3A_811 = arith.index_cast %get3A_809 : i32 to index
        %get3A_812 = arith.index_cast %get3A_810 : i32 to index
        %get3A_813 = arith.index_cast %scan3A_772 : i32 to index
        %get3A_814 = arith.constant 0 : index
        %get3A_815 = tpu.vector_load %arg11[%get3A_811, %get3A_812, %get3A_813, %get3A_814] {strides = array<i32>} : memref<2x4x64x128xf32, #tpu.memory_space<vmem>>, vector<1x1x1x16xf32>,
        %get3A_816 = vector.shape_cast %get3A_815 : vector<1x1x1x16xf32> to vector<16xf32>
        %sub3A_817 = arith.subf %get3A_800, %get3A_792 : vector<16xf32>
        %mul3A_818 = vector.broadcast %squeeze3A : f32 to vector<16xf32>
        %mul3A_819 = arith.mulf %mul3A_818, %sub3A_817 : vector<16xf32>
        %add3A_820 = arith.addf %get3A_792, %mul3A_819 : vector<16xf32>
        %sub3A_821 = arith.subf %get3A_816, %get3A_808 : vector<16xf32>
        %mul3A_822 = vector.broadcast %squeeze3A : f32 to vector<16xf32>
        %mul3A_823 = arith.mulf %mul3A_822, %sub3A_821 : vector<16xf32>
        %add3A_824 = arith.addf %get3A_808, %mul3A_823 : vector<16xf32>
        %sub3A_825 = arith.subf %add3A_824, %add3A_820 : vector<16xf32>
        %mul3A_826 = vector.broadcast %squeeze3A_784 : f32 to vector<16xf32>
        %mul3A_827 = arith.mulf %mul3A_826, %sub3A_825 : vector<16xf32>
        %add3A_828 = arith.addf %add3A_820, %mul3A_827 : vector<16xf32>
        %swap3A_829 = arith.constant 0 : i32
        %swap3A_830 = arith.index_cast %swap3A_829 : i32 to index
        %swap3A_831 = arith.index_cast %scan3A_772 : i32 to index
        %swap3A_832 = arith.constant 0 : index
        %swap3A_833 = tpu.vector_load %arg12[%swap3A_830, %swap3A_831, %swap3A_832] {strides = array<i32>} : memref<2x64x96xf32, #tpu.memory_space<vmem>>, vector<1x1x16xf32>,
        %swap3A_834 = vector.shape_cast %swap3A_833 : vector<1x1x16xf32> to vector<16xf32>
        %swap3A_835 = vector.shape_cast %add3A_828 : vector<16xf32> to vector<1x1x16xf32>
        tpu.vector_store %arg12[%swap3A_830, %swap3A_831, %swap3A_832], %swap3A_835 {strides = array<i32>} : memref<2x64x96xf32, #tpu.memory_space<vmem>>, vector<1x1x16xf32>,
        %get3A_836 = arith.constant 0 : i32
        %get3A_837 = arith.constant 0 : i32
        %get3A_838 = arith.index_cast %get3A_836 : i32 to index
        %get3A_839 = arith.index_cast %get3A_837 : i32 to index
        %get3A_840 = arith.index_cast %scan3A_772 : i32 to index
        %get3A_841 = arith.constant 16 : index
        %get3A_842 = tpu.vector_load %arg11[%get3A_838, %get3A_839, %get3A_840, %get3A_841] {strides = array<i32>} : memref<2x4x64x128xf32, #tpu.memory_space<vmem>>, vector<1x1x1x16xf32>,
        %get3A_843 = vector.shape_cast %get3A_842 : vector<1x1x1x16xf32> to vector<16xf32>
        %get3A_844 = arith.constant 0 : i32
        %get3A_845 = arith.constant 1 : i32
        %get3A_846 = arith.index_cast %get3A_844 : i32 to index
        %get3A_847 = arith.index_cast %get3A_845 : i32 to index
        %get3A_848 = arith.index_cast %scan3A_772 : i32 to index
        %get3A_849 = arith.constant 16 : index
        %get3A_850 = tpu.vector_load %arg11[%get3A_846, %get3A_847, %get3A_848, %get3A_849] {strides = array<i32>} : memref<2x4x64x128xf32, #tpu.memory_space<vmem>>, vector<1x1x1x16xf32>,
        %get3A_851 = vector.shape_cast %get3A_850 : vector<1x1x1x16xf32> to vector<16xf32>
        %get3A_852 = arith.constant 0 : i32
        %get3A_853 = arith.constant 2 : i32
        %get3A_854 = arith.index_cast %get3A_852 : i32 to index
        %get3A_855 = arith.index_cast %get3A_853 : i32 to index
        %get3A_856 = arith.index_cast %scan3A_772 : i32 to index
        %get3A_857 = arith.constant 16 : index
        %get3A_858 = tpu.vector_load %arg11[%get3A_854, %get3A_855, %get3A_856, %get3A_857] {strides = array<i32>} : memref<2x4x64x128xf32, #tpu.memory_space<vmem>>, vector<1x1x1x16xf32>,
        %get3A_859 = vector.shape_cast %get3A_858 : vector<1x1x1x16xf32> to vector<16xf32>
        %get3A_860 = arith.constant 0 : i32
        %get3A_861 = arith.constant 3 : i32
        %get3A_862 = arith.index_cast %get3A_860 : i32 to index
        %get3A_863 = arith.index_cast %get3A_861 : i32 to index
        %get3A_864 = arith.index_cast %scan3A_772 : i32 to index
        %get3A_865 = arith.constant 16 : index
        %get3A_866 = tpu.vector_load %arg11[%get3A_862, %get3A_863, %get3A_864, %get3A_865] {strides = array<i32>} : memref<2x4x64x128xf32, #tpu.memory_space<vmem>>, vector<1x1x1x16xf32>,
        %get3A_867 = vector.shape_cast %get3A_866 : vector<1x1x1x16xf32> to vector<16xf32>
        %sub3A_868 = arith.subf %get3A_851, %get3A_843 : vector<16xf32>
        %mul3A_869 = vector.broadcast %squeeze3A : f32 to vector<16xf32>
        %mul3A_870 = arith.mulf %mul3A_869, %sub3A_868 : vector<16xf32>
        %add3A_871 = arith.addf %get3A_843, %mul3A_870 : vector<16xf32>
        %sub3A_872 = arith.subf %get3A_867, %get3A_859 : vector<16xf32>
        %mul3A_873 = vector.broadcast %squeeze3A : f32 to vector<16xf32>
        %mul3A_874 = arith.mulf %mul3A_873, %sub3A_872 : vector<16xf32>
        %add3A_875 = arith.addf %get3A_859, %mul3A_874 : vector<16xf32>
        %sub3A_876 = arith.subf %add3A_875, %add3A_871 : vector<16xf32>
        %mul3A_877 = vector.broadcast %squeeze3A_784 : f32 to vector<16xf32>
        %mul3A_878 = arith.mulf %mul3A_877, %sub3A_876 : vector<16xf32>
        %add3A_879 = arith.addf %add3A_871, %mul3A_878 : vector<16xf32>
        %swap3A_880 = arith.constant 0 : i32
        %swap3A_881 = arith.index_cast %swap3A_880 : i32 to index
        %swap3A_882 = arith.index_cast %scan3A_772 : i32 to index
        %swap3A_883 = arith.constant 16 : index
        %swap3A_884 = tpu.vector_load %arg12[%swap3A_881, %swap3A_882, %swap3A_883] {strides = array<i32>} : memref<2x64x96xf32, #tpu.memory_space<vmem>>, vector<1x1x16xf32>,
        %swap3A_885 = vector.shape_cast %swap3A_884 : vector<1x1x16xf32> to vector<16xf32>
        %swap3A_886 = vector.shape_cast %add3A_879 : vector<16xf32> to vector<1x1x16xf32>
        tpu.vector_store %arg12[%swap3A_881, %swap3A_882, %swap3A_883], %swap3A_886 {strides = array<i32>} : memref<2x64x96xf32, #tpu.memory_space<vmem>>, vector<1x1x16xf32>,
        %get3A_887 = arith.constant 0 : i32
        %get3A_888 = arith.constant 0 : i32
        %get3A_889 = arith.index_cast %get3A_887 : i32 to index
        %get3A_890 = arith.index_cast %get3A_888 : i32 to index
        %get3A_891 = arith.index_cast %scan3A_772 : i32 to index
        %get3A_892 = arith.constant 32 : index
        %get3A_893 = tpu.vector_load %arg11[%get3A_889, %get3A_890, %get3A_891, %get3A_892] {strides = array<i32>} : memref<2x4x64x128xf32, #tpu.memory_space<vmem>>, vector<1x1x1x16xf32>,
        %get3A_894 = vector.shape_cast %get3A_893 : vector<1x1x1x16xf32> to vector<16xf32>
        %get3A_895 = arith.constant 0 : i32
        %get3A_896 = arith.constant 1 : i32
        %get3A_897 = arith.index_cast %get3A_895 : i32 to index
        %get3A_898 = arith.index_cast %get3A_896 : i32 to index
        %get3A_899 = arith.index_cast %scan3A_772 : i32 to index
        %get3A_900 = arith.constant 32 : index
        %get3A_901 = tpu.vector_load %arg11[%get3A_897, %get3A_898, %get3A_899, %get3A_900] {strides = array<i32>} : memref<2x4x64x128xf32, #tpu.memory_space<vmem>>, vector<1x1x1x16xf32>,
        %get3A_902 = vector.shape_cast %get3A_901 : vector<1x1x1x16xf32> to vector<16xf32>
        %get3A_903 = arith.constant 0 : i32
        %get3A_904 = arith.constant 2 : i32
        %get3A_905 = arith.index_cast %get3A_903 : i32 to index
        %get3A_906 = arith.index_cast %get3A_904 : i32 to index
        %get3A_907 = arith.index_cast %scan3A_772 : i32 to index
        %get3A_908 = arith.constant 32 : index
        %get3A_909 = tpu.vector_load %arg11[%get3A_905, %get3A_906, %get3A_907, %get3A_908] {strides = array<i32>} : memref<2x4x64x128xf32, #tpu.memory_space<vmem>>, vector<1x1x1x16xf32>,
        %get3A_910 = vector.shape_cast %get3A_909 : vector<1x1x1x16xf32> to vector<16xf32>
        %get3A_911 = arith.constant 0 : i32
        %get3A_912 = arith.constant 3 : i32
        %get3A_913 = arith.index_cast %get3A_911 : i32 to index
        %get3A_914 = arith.index_cast %get3A_912 : i32 to index
        %get3A_915 = arith.index_cast %scan3A_772 : i32 to index
        %get3A_916 = arith.constant 32 : index
        %get3A_917 = tpu.vector_load %arg11[%get3A_913, %get3A_914, %get3A_915, %get3A_916] {strides = array<i32>} : memref<2x4x64x128xf32, #tpu.memory_space<vmem>>, vector<1x1x1x16xf32>,
        %get3A_918 = vector.shape_cast %get3A_917 : vector<1x1x1x16xf32> to vector<16xf32>
        %sub3A_919 = arith.subf %get3A_902, %get3A_894 : vector<16xf32>
        %mul3A_920 = vector.broadcast %squeeze3A : f32 to vector<16xf32>
        %mul3A_921 = arith.mulf %mul3A_920, %sub3A_919 : vector<16xf32>
        %add3A_922 = arith.addf %get3A_894, %mul3A_921 : vector<16xf32>
        %sub3A_923 = arith.subf %get3A_918, %get3A_910 : vector<16xf32>
        %mul3A_924 = vector.broadcast %squeeze3A : f32 to vector<16xf32>
        %mul3A_925 = arith.mulf %mul3A_924, %sub3A_923 : vector<16xf32>
        %add3A_926 = arith.addf %get3A_910, %mul3A_925 : vector<16xf32>
        %sub3A_927 = arith.subf %add3A_926, %add3A_922 : vector<16xf32>
        %mul3A_928 = vector.broadcast %squeeze3A_784 : f32 to vector<16xf32>
        %mul3A_929 = arith.mulf %mul3A_928, %sub3A_927 : vector<16xf32>
        %add3A_930 = arith.addf %add3A_922, %mul3A_929 : vector<16xf32>
        %swap3A_931 = arith.constant 0 : i32
        %swap3A_932 = arith.index_cast %swap3A_931 : i32 to index
        %swap3A_933 = arith.index_cast %scan3A_772 : i32 to index
        %swap3A_934 = arith.constant 32 : index
        %swap3A_935 = tpu.vector_load %arg12[%swap3A_932, %swap3A_933, %swap3A_934] {strides = array<i32>} : memref<2x64x96xf32, #tpu.memory_space<vmem>>, vector<1x1x16xf32>,
        %swap3A_936 = vector.shape_cast %swap3A_935 : vector<1x1x16xf32> to vector<16xf32>
        %swap3A_937 = vector.shape_cast %add3A_930 : vector<16xf32> to vector<1x1x16xf32>
        tpu.vector_store %arg12[%swap3A_932, %swap3A_933, %swap3A_934], %swap3A_937 {strides = array<i32>} : memref<2x64x96xf32, #tpu.memory_space<vmem>>, vector<1x1x16xf32>,
        %get3A_938 = arith.constant 0 : i32
        %get3A_939 = arith.constant 0 : i32
        %get3A_940 = arith.index_cast %get3A_938 : i32 to index
        %get3A_941 = arith.index_cast %get3A_939 : i32 to index
        %get3A_942 = arith.index_cast %scan3A_772 : i32 to index
        %get3A_943 = arith.constant 48 : index
        %get3A_944 = tpu.vector_load %arg11[%get3A_940, %get3A_941, %get3A_942, %get3A_943] {strides = array<i32>} : memref<2x4x64x128xf32, #tpu.memory_space<vmem>>, vector<1x1x1x16xf32>,
        %get3A_945 = vector.shape_cast %get3A_944 : vector<1x1x1x16xf32> to vector<16xf32>
        %get3A_946 = arith.constant 0 : i32
        %get3A_947 = arith.constant 1 : i32
        %get3A_948 = arith.index_cast %get3A_946 : i32 to index
        %get3A_949 = arith.index_cast %get3A_947 : i32 to index
        %get3A_950 = arith.index_cast %scan3A_772 : i32 to index
        %get3A_951 = arith.constant 48 : index
        %get3A_952 = tpu.vector_load %arg11[%get3A_948, %get3A_949, %get3A_950, %get3A_951] {strides = array<i32>} : memref<2x4x64x128xf32, #tpu.memory_space<vmem>>, vector<1x1x1x16xf32>,
        %get3A_953 = vector.shape_cast %get3A_952 : vector<1x1x1x16xf32> to vector<16xf32>
        %get3A_954 = arith.constant 0 : i32
        %get3A_955 = arith.constant 2 : i32
        %get3A_956 = arith.index_cast %get3A_954 : i32 to index
        %get3A_957 = arith.index_cast %get3A_955 : i32 to index
        %get3A_958 = arith.index_cast %scan3A_772 : i32 to index
        %get3A_959 = arith.constant 48 : index
        %get3A_960 = tpu.vector_load %arg11[%get3A_956, %get3A_957, %get3A_958, %get3A_959] {strides = array<i32>} : memref<2x4x64x128xf32, #tpu.memory_space<vmem>>, vector<1x1x1x16xf32>,
        %get3A_961 = vector.shape_cast %get3A_960 : vector<1x1x1x16xf32> to vector<16xf32>
        %get3A_962 = arith.constant 0 : i32
        %get3A_963 = arith.constant 3 : i32
        %get3A_964 = arith.index_cast %get3A_962 : i32 to index
        %get3A_965 = arith.index_cast %get3A_963 : i32 to index
        %get3A_966 = arith.index_cast %scan3A_772 : i32 to index
        %get3A_967 = arith.constant 48 : index
        %get3A_968 = tpu.vector_load %arg11[%get3A_964, %get3A_965, %get3A_966, %get3A_967] {strides = array<i32>} : memref<2x4x64x128xf32, #tpu.memory_space<vmem>>, vector<1x1x1x16xf32>,
        %get3A_969 = vector.shape_cast %get3A_968 : vector<1x1x1x16xf32> to vector<16xf32>
        %sub3A_970 = arith.subf %get3A_953, %get3A_945 : vector<16xf32>
        %mul3A_971 = vector.broadcast %squeeze3A : f32 to vector<16xf32>
        %mul3A_972 = arith.mulf %mul3A_971, %sub3A_970 : vector<16xf32>
        %add3A_973 = arith.addf %get3A_945, %mul3A_972 : vector<16xf32>
        %sub3A_974 = arith.subf %get3A_969, %get3A_961 : vector<16xf32>
        %mul3A_975 = vector.broadcast %squeeze3A : f32 to vector<16xf32>
        %mul3A_976 = arith.mulf %mul3A_975, %sub3A_974 : vector<16xf32>
        %add3A_977 = arith.addf %get3A_961, %mul3A_976 : vector<16xf32>
        %sub3A_978 = arith.subf %add3A_977, %add3A_973 : vector<16xf32>
        %mul3A_979 = vector.broadcast %squeeze3A_784 : f32 to vector<16xf32>
        %mul3A_980 = arith.mulf %mul3A_979, %sub3A_978 : vector<16xf32>
        %add3A_981 = arith.addf %add3A_973, %mul3A_980 : vector<16xf32>
        %swap3A_982 = arith.constant 0 : i32
        %swap3A_983 = arith.index_cast %swap3A_982 : i32 to index
        %swap3A_984 = arith.index_cast %scan3A_772 : i32 to index
        %swap3A_985 = arith.constant 48 : index
        %swap3A_986 = tpu.vector_load %arg12[%swap3A_983, %swap3A_984, %swap3A_985] {strides = array<i32>} : memref<2x64x96xf32, #tpu.memory_space<vmem>>, vector<1x1x16xf32>,
        %swap3A_987 = vector.shape_cast %swap3A_986 : vector<1x1x16xf32> to vector<16xf32>
        %swap3A_988 = vector.shape_cast %add3A_981 : vector<16xf32> to vector<1x1x16xf32>
        tpu.vector_store %arg12[%swap3A_983, %swap3A_984, %swap3A_985], %swap3A_988 {strides = array<i32>} : memref<2x64x96xf32, #tpu.memory_space<vmem>>, vector<1x1x16xf32>,
        %get3A_989 = arith.constant 0 : i32
        %get3A_990 = arith.constant 0 : i32
        %get3A_991 = arith.index_cast %get3A_989 : i32 to index
        %get3A_992 = arith.index_cast %get3A_990 : i32 to index
        %get3A_993 = arith.index_cast %scan3A_772 : i32 to index
        %get3A_994 = arith.constant 64 : index
        %get3A_995 = tpu.vector_load %arg11[%get3A_991, %get3A_992, %get3A_993, %get3A_994] {strides = array<i32>} : memref<2x4x64x128xf32, #tpu.memory_space<vmem>>, vector<1x1x1x16xf32>,
        %get3A_996 = vector.shape_cast %get3A_995 : vector<1x1x1x16xf32> to vector<16xf32>
        %get3A_997 = arith.constant 0 : i32
        %get3A_998 = arith.constant 1 : i32
        %get3A_999 = arith.index_cast %get3A_997 : i32 to index
        %get3A_1000 = arith.index_cast %get3A_998 : i32 to index
        %get3A_1001 = arith.index_cast %scan3A_772 : i32 to index
        %get3A_1002 = arith.constant 64 : index
        %get3A_1003 = tpu.vector_load %arg11[%get3A_999, %get3A_1000, %get3A_1001, %get3A_1002] {strides = array<i32>} : memref<2x4x64x128xf32, #tpu.memory_space<vmem>>, vector<1x1x1x16xf32>,
        %get3A_1004 = vector.shape_cast %get3A_1003 : vector<1x1x1x16xf32> to vector<16xf32>
        %get3A_1005 = arith.constant 0 : i32
        %get3A_1006 = arith.constant 2 : i32
        %get3A_1007 = arith.index_cast %get3A_1005 : i32 to index
        %get3A_1008 = arith.index_cast %get3A_1006 : i32 to index
        %get3A_1009 = arith.index_cast %scan3A_772 : i32 to index
        %get3A_1010 = arith.constant 64 : index
        %get3A_1011 = tpu.vector_load %arg11[%get3A_1007, %get3A_1008, %get3A_1009, %get3A_1010] {strides = array<i32>} : memref<2x4x64x128xf32, #tpu.memory_space<vmem>>, vector<1x1x1x16xf32>,
        %get3A_1012 = vector.shape_cast %get3A_1011 : vector<1x1x1x16xf32> to vector<16xf32>
        %get3A_1013 = arith.constant 0 : i32
        %get3A_1014 = arith.constant 3 : i32
        %get3A_1015 = arith.index_cast %get3A_1013 : i32 to index
        %get3A_1016 = arith.index_cast %get3A_1014 : i32 to index
        %get3A_1017 = arith.index_cast %scan3A_772 : i32 to index
        %get3A_1018 = arith.constant 64 : index
        %get3A_1019 = tpu.vector_load %arg11[%get3A_1015, %get3A_1016, %get3A_1017, %get3A_1018] {strides = array<i32>} : memref<2x4x64x128xf32, #tpu.memory_space<vmem>>, vector<1x1x1x16xf32>,
        %get3A_1020 = vector.shape_cast %get3A_1019 : vector<1x1x1x16xf32> to vector<16xf32>
        %sub3A_1021 = arith.subf %get3A_1004, %get3A_996 : vector<16xf32>
        %mul3A_1022 = vector.broadcast %squeeze3A : f32 to vector<16xf32>
        %mul3A_1023 = arith.mulf %mul3A_1022, %sub3A_1021 : vector<16xf32>
        %add3A_1024 = arith.addf %get3A_996, %mul3A_1023 : vector<16xf32>
        %sub3A_1025 = arith.subf %get3A_1020, %get3A_1012 : vector<16xf32>
        %mul3A_1026 = vector.broadcast %squeeze3A : f32 to vector<16xf32>
        %mul3A_1027 = arith.mulf %mul3A_1026, %sub3A_1025 : vector<16xf32>
        %add3A_1028 = arith.addf %get3A_1012, %mul3A_1027 : vector<16xf32>
        %sub3A_1029 = arith.subf %add3A_1028, %add3A_1024 : vector<16xf32>
        %mul3A_1030 = vector.broadcast %squeeze3A_784 : f32 to vector<16xf32>
        %mul3A_1031 = arith.mulf %mul3A_1030, %sub3A_1029 : vector<16xf32>
        %add3A_1032 = arith.addf %add3A_1024, %mul3A_1031 : vector<16xf32>
        %swap3A_1033 = arith.constant 0 : i32
        %swap3A_1034 = arith.index_cast %swap3A_1033 : i32 to index
        %swap3A_1035 = arith.index_cast %scan3A_772 : i32 to index
        %swap3A_1036 = arith.constant 64 : index
        %swap3A_1037 = tpu.vector_load %arg12[%swap3A_1034, %swap3A_1035, %swap3A_1036] {strides = array<i32>} : memref<2x64x96xf32, #tpu.memory_space<vmem>>, vector<1x1x16xf32>,
        %swap3A_1038 = vector.shape_cast %swap3A_1037 : vector<1x1x16xf32> to vector<16xf32>
        %swap3A_1039 = vector.shape_cast %add3A_1032 : vector<16xf32> to vector<1x1x16xf32>
        tpu.vector_store %arg12[%swap3A_1034, %swap3A_1035, %swap3A_1036], %swap3A_1039 {strides = array<i32>} : memref<2x64x96xf32, #tpu.memory_space<vmem>>, vector<1x1x16xf32>,
        %get3A_1040 = arith.constant 0 : i32
        %get3A_1041 = arith.constant 0 : i32
        %get3A_1042 = arith.index_cast %get3A_1040 : i32 to index
        %get3A_1043 = arith.index_cast %get3A_1041 : i32 to index
        %get3A_1044 = arith.index_cast %scan3A_772 : i32 to index
        %get3A_1045 = arith.constant 80 : index
        %get3A_1046 = tpu.vector_load %arg11[%get3A_1042, %get3A_1043, %get3A_1044, %get3A_1045] {strides = array<i32>} : memref<2x4x64x128xf32, #tpu.memory_space<vmem>>, vector<1x1x1x16xf32>,
        %get3A_1047 = vector.shape_cast %get3A_1046 : vector<1x1x1x16xf32> to vector<16xf32>
        %get3A_1048 = arith.constant 0 : i32
        %get3A_1049 = arith.constant 1 : i32
        %get3A_1050 = arith.index_cast %get3A_1048 : i32 to index
        %get3A_1051 = arith.index_cast %get3A_1049 : i32 to index
        %get3A_1052 = arith.index_cast %scan3A_772 : i32 to index
        %get3A_1053 = arith.constant 80 : index
        %get3A_1054 = tpu.vector_load %arg11[%get3A_1050, %get3A_1051, %get3A_1052, %get3A_1053] {strides = array<i32>} : memref<2x4x64x128xf32, #tpu.memory_space<vmem>>, vector<1x1x1x16xf32>,
        %get3A_1055 = vector.shape_cast %get3A_1054 : vector<1x1x1x16xf32> to vector<16xf32>
        %get3A_1056 = arith.constant 0 : i32
        %get3A_1057 = arith.constant 2 : i32
        %get3A_1058 = arith.index_cast %get3A_1056 : i32 to index
        %get3A_1059 = arith.index_cast %get3A_1057 : i32 to index
        %get3A_1060 = arith.index_cast %scan3A_772 : i32 to index
        %get3A_1061 = arith.constant 80 : index
        %get3A_1062 = tpu.vector_load %arg11[%get3A_1058, %get3A_1059, %get3A_1060, %get3A_1061] {strides = array<i32>} : memref<2x4x64x128xf32, #tpu.memory_space<vmem>>, vector<1x1x1x16xf32>,
        %get3A_1063 = vector.shape_cast %get3A_1062 : vector<1x1x1x16xf32> to vector<16xf32>
        %get3A_1064 = arith.constant 0 : i32
        %get3A_1065 = arith.constant 3 : i32
        %get3A_1066 = arith.index_cast %get3A_1064 : i32 to index
        %get3A_1067 = arith.index_cast %get3A_1065 : i32 to index
        %get3A_1068 = arith.index_cast %scan3A_772 : i32 to index
        %get3A_1069 = arith.constant 80 : index
        %get3A_1070 = tpu.vector_load %arg11[%get3A_1066, %get3A_1067, %get3A_1068, %get3A_1069] {strides = array<i32>} : memref<2x4x64x128xf32, #tpu.memory_space<vmem>>, vector<1x1x1x16xf32>,
        %get3A_1071 = vector.shape_cast %get3A_1070 : vector<1x1x1x16xf32> to vector<16xf32>
        %sub3A_1072 = arith.subf %get3A_1055, %get3A_1047 : vector<16xf32>
        %mul3A_1073 = vector.broadcast %squeeze3A : f32 to vector<16xf32>
        %mul3A_1074 = arith.mulf %mul3A_1073, %sub3A_1072 : vector<16xf32>
        %add3A_1075 = arith.addf %get3A_1047, %mul3A_1074 : vector<16xf32>
        %sub3A_1076 = arith.subf %get3A_1071, %get3A_1063 : vector<16xf32>
        %mul3A_1077 = vector.broadcast %squeeze3A : f32 to vector<16xf32>
        %mul3A_1078 = arith.mulf %mul3A_1077, %sub3A_1076 : vector<16xf32>
        %add3A_1079 = arith.addf %get3A_1063, %mul3A_1078 : vector<16xf32>
        %sub3A_1080 = arith.subf %add3A_1079, %add3A_1075 : vector<16xf32>
        %mul3A_1081 = vector.broadcast %squeeze3A_784 : f32 to vector<16xf32>
        %mul3A_1082 = arith.mulf %mul3A_1081, %sub3A_1080 : vector<16xf32>
        %add3A_1083 = arith.addf %add3A_1075, %mul3A_1082 : vector<16xf32>
        %swap3A_1084 = arith.constant 0 : i32
        %swap3A_1085 = arith.index_cast %swap3A_1084 : i32 to index
        %swap3A_1086 = arith.index_cast %scan3A_772 : i32 to index
        %swap3A_1087 = arith.constant 80 : index
        %swap3A_1088 = tpu.vector_load %arg12[%swap3A_1085, %swap3A_1086, %swap3A_1087] {strides = array<i32>} : memref<2x64x96xf32, #tpu.memory_space<vmem>>, vector<1x1x16xf32>,
        %swap3A_1089 = vector.shape_cast %swap3A_1088 : vector<1x1x16xf32> to vector<16xf32>
        %swap3A_1090 = vector.shape_cast %add3A_1083 : vector<16xf32> to vector<1x1x16xf32>
        tpu.vector_store %arg12[%swap3A_1085, %swap3A_1086, %swap3A_1087], %swap3A_1090 {strides = array<i32>} : memref<2x64x96xf32, #tpu.memory_space<vmem>>, vector<1x1x16xf32>,
      }
      %scan3A_657 = arith.constant 64 : i32
      %dma_start3A_658 = arith.constant 0 : i32
      %dma_start3A_659 = arith.constant 0 : i32
      %dma_start3A_660 = arith.constant 0 : i32
      %dma_start3A_661 = tpu.memref_slice %arg12[%dma_start3A_658, %dma_start3A_659, %dma_start3A_660] : memref<2x64x96xf32, #tpu.memory_space<vmem>> -> memref<1x64x96xf32, #tpu.memory_space<vmem>>
      %dma_start3A_662 = tpu.memref_squeeze %dma_start3A_661 : memref<1x64x96xf32, #tpu.memory_space<vmem>> -> memref<64x96xf32, #tpu.memory_space<vmem>>
      %dma_start3A_663 = arith.constant 0 : i32
      %dma_start3A_664 = tpu.memref_slice %arg5[%add3A_651, %dma_start3A_663] : memref<524288x96xf32, #tpu.memory_space<hbm>> -> memref<64x96xf32, #tpu.memory_space<hbm>>
      %dma_start3A_665 = arith.constant 0 : i32
      %dma_start3A_666 = tpu.memref_slice %arg5[%add3A_651, %dma_start3A_665] : memref<524288x96xf32, #tpu.memory_space<hbm>> -> memref<64x96xf32, #tpu.memory_space<hbm>>
      %dma_start3A_667 = arith.constant 0 : i32
      %dma_start3A_668 = arith.constant 0 : i32
      %dma_start3A_669 = tpu.memref_slice %arg12[%dma_start3A_658, %dma_start3A_667, %dma_start3A_668] : memref<2x64x96xf32, #tpu.memory_space<vmem>> -> memref<1x64x96xf32, #tpu.memory_space<vmem>>
      %dma_start3A_670 = tpu.memref_squeeze %dma_start3A_669 : memref<1x64x96xf32, #tpu.memory_space<vmem>> -> memref<64x96xf32, #tpu.memory_space<vmem>>
      tpu.enqueue_dma source(%dma_start3A_670 : memref<64x96xf32, #tpu.memory_space<vmem>>) target(%dma_start3A_666 : memref<64x96xf32, #tpu.memory_space<hbm>>) target_semaphore(%arg15 : memref<!tpu.dma_semaphore, #tpu.memory_space<semaphore_mem>>)
      %mul3A_671 = arith.constant 2 : i32
      %mul3A_672 = arith.muli %scan3A_572, %mul3A_671 : i32
      %add3A_673 = arith.constant 1 : i32
      %add3A_674 = arith.addi %mul3A_672, %add3A_673 : i32
      %add3A_675 = arith.constant 2 : i32
      %add3A_676 = arith.addi %add3A_674, %add3A_675 : i32
      %lt3A_677 = arith.constant 256 : i32
      %lt3A_678 = arith.cmpi slt, %add3A_676, %lt3A_677 : i32
      %convert_element_type3A_679 = arith.extui %lt3A_678 : i1 to i32
      %cond3A_680 = arith.constant 0 : i32
      %cond3A_681 = arith.cmpi ne, %convert_element_type3A_679, %cond3A_680 : i32
      scf.if %cond3A_681 {
        %add3A_772 = arith.constant 2 : i32
        %add3A_773 = arith.addi %add3A_674, %add3A_772 : i32
        %mul3A_774 = arith.constant 64 : i32
        %mul3A_775 = arith.muli %add3A_773, %mul3A_774 : i32
        %add3A_776 = arith.addi %mul3A_2, %mul3A_775 : i32
        %dma_start3A_777 = arith.constant 1 : i32
        %dma_start3A_778 = arith.constant 0 : i32
        %dma_start3A_779 = tpu.memref_slice %arg6[%dma_start3A_777, %dma_start3A_778] : memref<2x64xf32, #tpu.memory_space<vmem>> -> memref<1x64xf32, #tpu.memory_space<vmem>>
        %dma_start3A_780 = tpu.memref_squeeze %dma_start3A_779 : memref<1x64xf32, #tpu.memory_space<vmem>> -> memref<64xf32, #tpu.memory_space<vmem>>
        %dma_start3A_781 = tpu.memref_slice %arg3[%add3A_776] : memref<524288xf32, #tpu.memory_space<hbm>> -> memref<64xf32, #tpu.memory_space<hbm>>
        %dma_start3A_782 = arith.constant 0 : i32
        %dma_start3A_783 = tpu.memref_slice %arg6[%dma_start3A_777, %dma_start3A_782] : memref<2x64xf32, #tpu.memory_space<vmem>> -> memref<1x64xf32, #tpu.memory_space<vmem>>
        %dma_start3A_784 = tpu.memref_squeeze %dma_start3A_783 : memref<1x64xf32, #tpu.memory_space<vmem>> -> memref<64xf32, #tpu.memory_space<vmem>>
        %dma_start3A_785 = tpu.memref_slice %arg3[%add3A_776] : memref<524288xf32, #tpu.memory_space<hbm>> -> memref<64xf32, #tpu.memory_space<hbm>>
        tpu.enqueue_dma source(%dma_start3A_785 : memref<64xf32, #tpu.memory_space<hbm>>) target(%dma_start3A_784 : memref<64xf32, #tpu.memory_space<vmem>>) target_semaphore(%arg18 : memref<!tpu.dma_semaphore, #tpu.memory_space<semaphore_mem>>)
        %dma_start3A_786 = arith.constant 1 : i32
        %dma_start3A_787 = arith.constant 0 : i32
        %dma_start3A_788 = tpu.memref_slice %arg7[%dma_start3A_786, %dma_start3A_787] : memref<2x64xf32, #tpu.memory_space<vmem>> -> memref<1x64xf32, #tpu.memory_space<vmem>>
        %dma_start3A_789 = tpu.memref_squeeze %dma_start3A_788 : memref<1x64xf32, #tpu.memory_space<vmem>> -> memref<64xf32, #tpu.memory_space<vmem>>
        %dma_start3A_790 = tpu.memref_slice %arg4[%add3A_776] : memref<524288xf32, #tpu.memory_space<hbm>> -> memref<64xf32, #tpu.memory_space<hbm>>
        %dma_start3A_791 = arith.constant 0 : i32
        %dma_start3A_792 = tpu.memref_slice %arg7[%dma_start3A_786, %dma_start3A_791] : memref<2x64xf32, #tpu.memory_space<vmem>> -> memref<1x64xf32, #tpu.memory_space<vmem>>
        %dma_start3A_793 = tpu.memref_squeeze %dma_start3A_792 : memref<1x64xf32, #tpu.memory_space<vmem>> -> memref<64xf32, #tpu.memory_space<vmem>>
        %dma_start3A_794 = tpu.memref_slice %arg4[%add3A_776] : memref<524288xf32, #tpu.memory_space<hbm>> -> memref<64xf32, #tpu.memory_space<hbm>>
        tpu.enqueue_dma source(%dma_start3A_794 : memref<64xf32, #tpu.memory_space<hbm>>) target(%dma_start3A_793 : memref<64xf32, #tpu.memory_space<vmem>>) target_semaphore(%arg18 : memref<!tpu.dma_semaphore, #tpu.memory_space<semaphore_mem>>)
      } else {
      }
      %add3A_682 = arith.constant 1 : i32
      %add3A_683 = arith.addi %add3A_674, %add3A_682 : i32
      %lt3A_684 = arith.constant 256 : i32
      %lt3A_685 = arith.cmpi slt, %add3A_683, %lt3A_684 : i32
      %convert_element_type3A_686 = arith.extui %lt3A_685 : i1 to i32
      %cond3A_687 = arith.constant 0 : i32
      %cond3A_688 = arith.cmpi ne, %convert_element_type3A_686, %cond3A_687 : i32
      scf.if %cond3A_688 {
        %add3A_772 = arith.constant 1 : i32
        %add3A_773 = arith.addi %add3A_674, %add3A_772 : i32
        %mul3A_774 = arith.constant 64 : i32
        %mul3A_775 = arith.muli %add3A_773, %mul3A_774 : i32
        %add3A_776 = arith.addi %mul3A_2, %mul3A_775 : i32
        %shift_right_logical3A_777 = arith.constant 9 : i32
        %shift_right_logical3A_778 = arith.shrui %add3A_776, %shift_right_logical3A_777 : i32
        %and3A_779 = arith.constant 511 : i32
        %and3A_780 = arith.andi %shift_right_logical3A_778, %and3A_779 : i32
        %shift_right_logical3A_781 = arith.constant 9 : i32
        %shift_right_logical3A_782 = arith.shrui %shift_right_logical3A_778, %shift_right_logical3A_781 : i32
        %shift_left3A_783 = arith.constant 18 : i32
        %shift_left3A_784 = arith.shli %shift_right_logical3A_782, %shift_left3A_783 : i32
        %and3A_785 = arith.constant 511 : i32
        %and3A_786 = arith.andi %add3A_776, %and3A_785 : i32
        %dma_wait3A_787 = arith.constant 0 : i32
        %dma_wait3A_788 = arith.constant 0 : i32
        %dma_wait3A_789 = tpu.memref_slice %arg6[%dma_wait3A_787, %dma_wait3A_788] : memref<2x64xf32, #tpu.memory_space<vmem>> -> memref<1x64xf32, #tpu.memory_space<vmem>>
        %dma_wait3A_790 = tpu.memref_squeeze %dma_wait3A_789 : memref<1x64xf32, #tpu.memory_space<vmem>> -> memref<64xf32, #tpu.memory_space<vmem>>
        %dma_wait3A_791 = tpu.memref_slice %arg3[%add3A_776] : memref<524288xf32, #tpu.memory_space<hbm>> -> memref<64xf32, #tpu.memory_space<hbm>>
        %dma_wait3A_792 = arith.constant 0 : i32
        %dma_wait3A_793 = tpu.memref_slice %arg6[%dma_wait3A_787, %dma_wait3A_792] : memref<2x64xf32, #tpu.memory_space<vmem>> -> memref<1x64xf32, #tpu.memory_space<vmem>>
        %dma_wait3A_794 = tpu.memref_squeeze %dma_wait3A_793 : memref<1x64xf32, #tpu.memory_space<vmem>> -> memref<64xf32, #tpu.memory_space<vmem>>
        %dma_wait3A_795 = tpu.memref_slice %arg3[%add3A_776] : memref<524288xf32, #tpu.memory_space<hbm>> -> memref<64xf32, #tpu.memory_space<hbm>>
        tpu.wait_dma2 semaphore(%arg17 : memref<!tpu.dma_semaphore, #tpu.memory_space<semaphore_mem>>) src(%dma_wait3A_795 : memref<64xf32, #tpu.memory_space<hbm>>) dst(%dma_wait3A_794 : memref<64xf32, #tpu.memory_space<vmem>>)
        %dma_wait3A_796 = arith.constant 0 : i32
        %dma_wait3A_797 = arith.constant 0 : i32
        %dma_wait3A_798 = tpu.memref_slice %arg7[%dma_wait3A_796, %dma_wait3A_797] : memref<2x64xf32, #tpu.memory_space<vmem>> -> memref<1x64xf32, #tpu.memory_space<vmem>>
        %dma_wait3A_799 = tpu.memref_squeeze %dma_wait3A_798 : memref<1x64xf32, #tpu.memory_space<vmem>> -> memref<64xf32, #tpu.memory_space<vmem>>
        %dma_wait3A_800 = tpu.memref_slice %arg4[%add3A_776] : memref<524288xf32, #tpu.memory_space<hbm>> -> memref<64xf32, #tpu.memory_space<hbm>>
        %dma_wait3A_801 = arith.constant 0 : i32
        %dma_wait3A_802 = tpu.memref_slice %arg7[%dma_wait3A_796, %dma_wait3A_801] : memref<2x64xf32, #tpu.memory_space<vmem>> -> memref<1x64xf32, #tpu.memory_space<vmem>>
        %dma_wait3A_803 = tpu.memref_squeeze %dma_wait3A_802 : memref<1x64xf32, #tpu.memory_space<vmem>> -> memref<64xf32, #tpu.memory_space<vmem>>
        %dma_wait3A_804 = tpu.memref_slice %arg4[%add3A_776] : memref<524288xf32, #tpu.memory_space<hbm>> -> memref<64xf32, #tpu.memory_space<hbm>>
        tpu.wait_dma2 semaphore(%arg17 : memref<!tpu.dma_semaphore, #tpu.memory_space<semaphore_mem>>) src(%dma_wait3A_804 : memref<64xf32, #tpu.memory_space<hbm>>) dst(%dma_wait3A_803 : memref<64xf32, #tpu.memory_space<vmem>>)
        %convert_element_type3A_805 = arith.sitofp %and3A_780 : i32 to f32
        %get3A_806 = arith.constant 0 : i32
        %get3A_807 = arith.index_cast %get3A_806 : i32 to index
        %get3A_808 = arith.constant 0 : index
        %get3A_809 = tpu.vector_load %arg6[%get3A_807, %get3A_808] {strides = array<i32>} : memref<2x64xf32, #tpu.memory_space<vmem>>, vector<1x16xf32>,
        %get3A_810 = vector.shape_cast %get3A_809 : vector<1x16xf32> to vector<16xf32>
        %sub3A_811 = vector.broadcast %convert_element_type3A_805 : f32 to vector<16xf32>
        %sub3A_812 = arith.subf %sub3A_811, %get3A_810 : vector<16xf32>
        %jit3A_813 = arith.constant 0.000000e+00 : f32
        %jit3A_814 = arith.constant 5.110000e+02 : f32
        %max3A_815 = vector.broadcast %jit3A_813 : f32 to vector<16xf32>
        %max3A_816 = arith.maximumf %max3A_815, %sub3A_812 : vector<16xf32>
        %min3A_817 = vector.broadcast %jit3A_814 : f32 to vector<16xf32>
        %min3A_818 = arith.minimumf %min3A_817, %max3A_816 : vector<16xf32>
        %convert_element_type3A_819 = arith.fptosi %min3A_818 : vector<16xf32> to vector<16xi32>
        %min3A_820 = arith.constant 510 : i32
        %min3A_821 = vector.broadcast %min3A_820 : i32 to vector<16xi32>
        %min3A_822 = arith.minsi %convert_element_type3A_819, %min3A_821 : vector<16xi32>
        %convert_element_type3A_823 = arith.sitofp %min3A_822 : vector<16xi32> to vector<16xf32>
        %sub3A_824 = arith.subf %min3A_818, %convert_element_type3A_823 : vector<16xf32>
        %add3A_825 = arith.constant 0 : i32
        %add3A_826 = arith.addi %and3A_786, %add3A_825 : i32
        %convert_element_type3A_827 = arith.sitofp %add3A_826 : i32 to f32
        %iota3A_828 = tpu.iota {dimensions = array<i32: 0>} : vector<16xi32>
        %convert_element_type3A_829 = arith.sitofp %iota3A_828 : vector<16xi32> to vector<16xf32>
        %add3A_830 = vector.broadcast %convert_element_type3A_827 : f32 to vector<16xf32>
        %add3A_831 = arith.addf %add3A_830, %convert_element_type3A_829 : vector<16xf32>
        %get3A_832 = arith.constant 0 : i32
        %get3A_833 = arith.index_cast %get3A_832 : i32 to index
        %get3A_834 = arith.constant 0 : index
        %get3A_835 = tpu.vector_load %arg7[%get3A_833, %get3A_834] {strides = array<i32>} : memref<2x64xf32, #tpu.memory_space<vmem>>, vector<1x16xf32>,
        %get3A_836 = vector.shape_cast %get3A_835 : vector<1x16xf32> to vector<16xf32>
        %sub3A_837 = arith.subf %add3A_831, %get3A_836 : vector<16xf32>
        %jit3A_838 = arith.constant 0.000000e+00 : f32
        %jit3A_839 = arith.constant 5.110000e+02 : f32
        %max3A_840 = vector.broadcast %jit3A_838 : f32 to vector<16xf32>
        %max3A_841 = arith.maximumf %max3A_840, %sub3A_837 : vector<16xf32>
        %min3A_842 = vector.broadcast %jit3A_839 : f32 to vector<16xf32>
        %min3A_843 = arith.minimumf %min3A_842, %max3A_841 : vector<16xf32>
        %convert_element_type3A_844 = arith.fptosi %min3A_843 : vector<16xf32> to vector<16xi32>
        %min3A_845 = arith.constant 510 : i32
        %min3A_846 = vector.broadcast %min3A_845 : i32 to vector<16xi32>
        %min3A_847 = arith.minsi %convert_element_type3A_844, %min3A_846 : vector<16xi32>
        %convert_element_type3A_848 = arith.sitofp %min3A_847 : vector<16xi32> to vector<16xf32>
        %sub3A_849 = arith.subf %min3A_843, %convert_element_type3A_848 : vector<16xf32>
        %shift_left3A_850 = arith.constant 9 : i32
        %shift_left3A_851 = vector.broadcast %shift_left3A_850 : i32 to vector<16xi32>
        %shift_left3A_852 = arith.shli %min3A_822, %shift_left3A_851 : vector<16xi32>
        %add3A_853 = vector.broadcast %shift_left3A_784 : i32 to vector<16xi32>
        %add3A_854 = arith.addi %add3A_853, %shift_left3A_852 : vector<16xi32>
        %add3A_855 = arith.addi %add3A_854, %min3A_847 : vector<16xi32>
        %swap3A_856 = arith.constant 0 : i32
        %swap3A_857 = arith.index_cast %swap3A_856 : i32 to index
        %swap3A_858 = arith.constant 0 : index
        %swap3A_859 = tpu.vector_load %arg9[%swap3A_857, %swap3A_858] {strides = array<i32>} : memref<2x80xf32, #tpu.memory_space<vmem>>, vector<1x16xf32>,
        %swap3A_860 = vector.shape_cast %swap3A_859 : vector<1x16xf32> to vector<16xf32>
        %swap3A_861 = vector.shape_cast %sub3A_824 : vector<16xf32> to vector<1x16xf32>
        tpu.vector_store %arg9[%swap3A_857, %swap3A_858], %swap3A_861 {strides = array<i32>} : memref<2x80xf32, #tpu.memory_space<vmem>>, vector<1x16xf32>,
        %swap3A_862 = arith.constant 0 : i32
        %swap3A_863 = arith.index_cast %swap3A_862 : i32 to index
        %swap3A_864 = arith.constant 0 : index
        %swap3A_865 = tpu.vector_load %arg8[%swap3A_863, %swap3A_864] {strides = array<i32>} : memref<2x80xf32, #tpu.memory_space<vmem>>, vector<1x16xf32>,
        %swap3A_866 = vector.shape_cast %swap3A_865 : vector<1x16xf32> to vector<16xf32>
        %swap3A_867 = vector.shape_cast %sub3A_849 : vector<16xf32> to vector<1x16xf32>
        tpu.vector_store %arg8[%swap3A_863, %swap3A_864], %swap3A_867 {strides = array<i32>} : memref<2x80xf32, #tpu.memory_space<vmem>>, vector<1x16xf32>,
        %swap3A_868 = arith.constant 0 : i32
        %swap3A_869 = arith.constant 0 : i32
        %swap3A_870 = arith.index_cast %swap3A_868 : i32 to index
        %swap3A_871 = arith.index_cast %swap3A_869 : i32 to index
        %swap3A_872 = arith.constant 0 : index
        %swap3A_873 = tpu.vector_load %arg10[%swap3A_870, %swap3A_871, %swap3A_872] {strides = array<i32>} : memref<2x4x64xi32, #tpu.memory_space<vmem>>, vector<1x1x16xi32>,
        %swap3A_874 = vector.shape_cast %swap3A_873 : vector<1x1x16xi32> to vector<16xi32>
        %swap3A_875 = vector.shape_cast %add3A_855 : vector<16xi32> to vector<1x1x16xi32>
        tpu.vector_store %arg10[%swap3A_870, %swap3A_871, %swap3A_872], %swap3A_875 {strides = array<i32>} : memref<2x4x64xi32, #tpu.memory_space<vmem>>, vector<1x1x16xi32>,
        %add3A_876 = arith.constant 1 : i32
        %add3A_877 = vector.broadcast %add3A_876 : i32 to vector<16xi32>
        %add3A_878 = arith.addi %add3A_855, %add3A_877 : vector<16xi32>
        %swap3A_879 = arith.constant 0 : i32
        %swap3A_880 = arith.constant 1 : i32
        %swap3A_881 = arith.index_cast %swap3A_879 : i32 to index
        %swap3A_882 = arith.index_cast %swap3A_880 : i32 to index
        %swap3A_883 = arith.constant 0 : index
        %swap3A_884 = tpu.vector_load %arg10[%swap3A_881, %swap3A_882, %swap3A_883] {strides = array<i32>} : memref<2x4x64xi32, #tpu.memory_space<vmem>>, vector<1x1x16xi32>,
        %swap3A_885 = vector.shape_cast %swap3A_884 : vector<1x1x16xi32> to vector<16xi32>
        %swap3A_886 = vector.shape_cast %add3A_878 : vector<16xi32> to vector<1x1x16xi32>
        tpu.vector_store %arg10[%swap3A_881, %swap3A_882, %swap3A_883], %swap3A_886 {strides = array<i32>} : memref<2x4x64xi32, #tpu.memory_space<vmem>>, vector<1x1x16xi32>,
        %add3A_887 = arith.constant 512 : i32
        %add3A_888 = vector.broadcast %add3A_887 : i32 to vector<16xi32>
        %add3A_889 = arith.addi %add3A_855, %add3A_888 : vector<16xi32>
        %swap3A_890 = arith.constant 0 : i32
        %swap3A_891 = arith.constant 2 : i32
        %swap3A_892 = arith.index_cast %swap3A_890 : i32 to index
        %swap3A_893 = arith.index_cast %swap3A_891 : i32 to index
        %swap3A_894 = arith.constant 0 : index
        %swap3A_895 = tpu.vector_load %arg10[%swap3A_892, %swap3A_893, %swap3A_894] {strides = array<i32>} : memref<2x4x64xi32, #tpu.memory_space<vmem>>, vector<1x1x16xi32>,
        %swap3A_896 = vector.shape_cast %swap3A_895 : vector<1x1x16xi32> to vector<16xi32>
        %swap3A_897 = vector.shape_cast %add3A_889 : vector<16xi32> to vector<1x1x16xi32>
        tpu.vector_store %arg10[%swap3A_892, %swap3A_893, %swap3A_894], %swap3A_897 {strides = array<i32>} : memref<2x4x64xi32, #tpu.memory_space<vmem>>, vector<1x1x16xi32>,
        %add3A_898 = arith.constant 512 : i32
        %add3A_899 = vector.broadcast %add3A_898 : i32 to vector<16xi32>
        %add3A_900 = arith.addi %add3A_855, %add3A_899 : vector<16xi32>
        %add3A_901 = arith.constant 1 : i32
        %add3A_902 = vector.broadcast %add3A_901 : i32 to vector<16xi32>
        %add3A_903 = arith.addi %add3A_900, %add3A_902 : vector<16xi32>
        %swap3A_904 = arith.constant 0 : i32
        %swap3A_905 = arith.constant 3 : i32
        %swap3A_906 = arith.index_cast %swap3A_904 : i32 to index
        %swap3A_907 = arith.index_cast %swap3A_905 : i32 to index
        %swap3A_908 = arith.constant 0 : index
        %swap3A_909 = tpu.vector_load %arg10[%swap3A_906, %swap3A_907, %swap3A_908] {strides = array<i32>} : memref<2x4x64xi32, #tpu.memory_space<vmem>>, vector<1x1x16xi32>,
        %swap3A_910 = vector.shape_cast %swap3A_909 : vector<1x1x16xi32> to vector<16xi32>
        %swap3A_911 = vector.shape_cast %add3A_903 : vector<16xi32> to vector<1x1x16xi32>
        tpu.vector_store %arg10[%swap3A_906, %swap3A_907, %swap3A_908], %swap3A_911 {strides = array<i32>} : memref<2x4x64xi32, #tpu.memory_space<vmem>>, vector<1x1x16xi32>,
        %get3A_912 = arith.constant 0 : i32
        %get3A_913 = arith.index_cast %get3A_912 : i32 to index
        %get3A_914 = arith.constant 16 : index
        %get3A_915 = tpu.vector_load %arg6[%get3A_913, %get3A_914] {strides = array<i32>} : memref<2x64xf32, #tpu.memory_space<vmem>>, vector<1x16xf32>,
        %get3A_916 = vector.shape_cast %get3A_915 : vector<1x16xf32> to vector<16xf32>
        %sub3A_917 = vector.broadcast %convert_element_type3A_805 : f32 to vector<16xf32>
        %sub3A_918 = arith.subf %sub3A_917, %get3A_916 : vector<16xf32>
        %jit3A_919 = arith.constant 0.000000e+00 : f32
        %jit3A_920 = arith.constant 5.110000e+02 : f32
        %max3A_921 = vector.broadcast %jit3A_919 : f32 to vector<16xf32>
        %max3A_922 = arith.maximumf %max3A_921, %sub3A_918 : vector<16xf32>
        %min3A_923 = vector.broadcast %jit3A_920 : f32 to vector<16xf32>
        %min3A_924 = arith.minimumf %min3A_923, %max3A_922 : vector<16xf32>
        %convert_element_type3A_925 = arith.fptosi %min3A_924 : vector<16xf32> to vector<16xi32>
        %min3A_926 = arith.constant 510 : i32
        %min3A_927 = vector.broadcast %min3A_926 : i32 to vector<16xi32>
        %min3A_928 = arith.minsi %convert_element_type3A_925, %min3A_927 : vector<16xi32>
        %convert_element_type3A_929 = arith.sitofp %min3A_928 : vector<16xi32> to vector<16xf32>
        %sub3A_930 = arith.subf %min3A_924, %convert_element_type3A_929 : vector<16xf32>
        %add3A_931 = arith.constant 16 : i32
        %add3A_932 = arith.addi %and3A_786, %add3A_931 : i32
        %convert_element_type3A_933 = arith.sitofp %add3A_932 : i32 to f32
        %iota3A_934 = tpu.iota {dimensions = array<i32: 0>} : vector<16xi32>
        %convert_element_type3A_935 = arith.sitofp %iota3A_934 : vector<16xi32> to vector<16xf32>
        %add3A_936 = vector.broadcast %convert_element_type3A_933 : f32 to vector<16xf32>
        %add3A_937 = arith.addf %add3A_936, %convert_element_type3A_935 : vector<16xf32>
        %get3A_938 = arith.constant 0 : i32
        %get3A_939 = arith.index_cast %get3A_938 : i32 to index
        %get3A_940 = arith.constant 16 : index
        %get3A_941 = tpu.vector_load %arg7[%get3A_939, %get3A_940] {strides = array<i32>} : memref<2x64xf32, #tpu.memory_space<vmem>>, vector<1x16xf32>,
        %get3A_942 = vector.shape_cast %get3A_941 : vector<1x16xf32> to vector<16xf32>
        %sub3A_943 = arith.subf %add3A_937, %get3A_942 : vector<16xf32>
        %jit3A_944 = arith.constant 0.000000e+00 : f32
        %jit3A_945 = arith.constant 5.110000e+02 : f32
        %max3A_946 = vector.broadcast %jit3A_944 : f32 to vector<16xf32>
        %max3A_947 = arith.maximumf %max3A_946, %sub3A_943 : vector<16xf32>
        %min3A_948 = vector.broadcast %jit3A_945 : f32 to vector<16xf32>
        %min3A_949 = arith.minimumf %min3A_948, %max3A_947 : vector<16xf32>
        %convert_element_type3A_950 = arith.fptosi %min3A_949 : vector<16xf32> to vector<16xi32>
        %min3A_951 = arith.constant 510 : i32
        %min3A_952 = vector.broadcast %min3A_951 : i32 to vector<16xi32>
        %min3A_953 = arith.minsi %convert_element_type3A_950, %min3A_952 : vector<16xi32>
        %convert_element_type3A_954 = arith.sitofp %min3A_953 : vector<16xi32> to vector<16xf32>
        %sub3A_955 = arith.subf %min3A_949, %convert_element_type3A_954 : vector<16xf32>
        %shift_left3A_956 = arith.constant 9 : i32
        %shift_left3A_957 = vector.broadcast %shift_left3A_956 : i32 to vector<16xi32>
        %shift_left3A_958 = arith.shli %min3A_928, %shift_left3A_957 : vector<16xi32>
        %add3A_959 = vector.broadcast %shift_left3A_784 : i32 to vector<16xi32>
        %add3A_960 = arith.addi %add3A_959, %shift_left3A_958 : vector<16xi32>
        %add3A_961 = arith.addi %add3A_960, %min3A_953 : vector<16xi32>
        %swap3A_962 = arith.constant 0 : i32
        %swap3A_963 = arith.index_cast %swap3A_962 : i32 to index
        %swap3A_964 = arith.constant 16 : index
        %swap3A_965 = tpu.vector_load %arg9[%swap3A_963, %swap3A_964] {strides = array<i32>} : memref<2x80xf32, #tpu.memory_space<vmem>>, vector<1x16xf32>,
        %swap3A_966 = vector.shape_cast %swap3A_965 : vector<1x16xf32> to vector<16xf32>
        %swap3A_967 = vector.shape_cast %sub3A_930 : vector<16xf32> to vector<1x16xf32>
        tpu.vector_store %arg9[%swap3A_963, %swap3A_964], %swap3A_967 {strides = array<i32>} : memref<2x80xf32, #tpu.memory_space<vmem>>, vector<1x16xf32>,
        %swap3A_968 = arith.constant 0 : i32
        %swap3A_969 = arith.index_cast %swap3A_968 : i32 to index
        %swap3A_970 = arith.constant 16 : index
        %swap3A_971 = tpu.vector_load %arg8[%swap3A_969, %swap3A_970] {strides = array<i32>} : memref<2x80xf32, #tpu.memory_space<vmem>>, vector<1x16xf32>,
        %swap3A_972 = vector.shape_cast %swap3A_971 : vector<1x16xf32> to vector<16xf32>
        %swap3A_973 = vector.shape_cast %sub3A_955 : vector<16xf32> to vector<1x16xf32>
        tpu.vector_store %arg8[%swap3A_969, %swap3A_970], %swap3A_973 {strides = array<i32>} : memref<2x80xf32, #tpu.memory_space<vmem>>, vector<1x16xf32>,
        %swap3A_974 = arith.constant 0 : i32
        %swap3A_975 = arith.constant 0 : i32
        %swap3A_976 = arith.index_cast %swap3A_974 : i32 to index
        %swap3A_977 = arith.index_cast %swap3A_975 : i32 to index
        %swap3A_978 = arith.constant 16 : index
        %swap3A_979 = tpu.vector_load %arg10[%swap3A_976, %swap3A_977, %swap3A_978] {strides = array<i32>} : memref<2x4x64xi32, #tpu.memory_space<vmem>>, vector<1x1x16xi32>,
        %swap3A_980 = vector.shape_cast %swap3A_979 : vector<1x1x16xi32> to vector<16xi32>
        %swap3A_981 = vector.shape_cast %add3A_961 : vector<16xi32> to vector<1x1x16xi32>
        tpu.vector_store %arg10[%swap3A_976, %swap3A_977, %swap3A_978], %swap3A_981 {strides = array<i32>} : memref<2x4x64xi32, #tpu.memory_space<vmem>>, vector<1x1x16xi32>,
        %add3A_982 = arith.constant 1 : i32
        %add3A_983 = vector.broadcast %add3A_982 : i32 to vector<16xi32>
        %add3A_984 = arith.addi %add3A_961, %add3A_983 : vector<16xi32>
        %swap3A_985 = arith.constant 0 : i32
        %swap3A_986 = arith.constant 1 : i32
        %swap3A_987 = arith.index_cast %swap3A_985 : i32 to index
        %swap3A_988 = arith.index_cast %swap3A_986 : i32 to index
        %swap3A_989 = arith.constant 16 : index
        %swap3A_990 = tpu.vector_load %arg10[%swap3A_987, %swap3A_988, %swap3A_989] {strides = array<i32>} : memref<2x4x64xi32, #tpu.memory_space<vmem>>, vector<1x1x16xi32>,
        %swap3A_991 = vector.shape_cast %swap3A_990 : vector<1x1x16xi32> to vector<16xi32>
        %swap3A_992 = vector.shape_cast %add3A_984 : vector<16xi32> to vector<1x1x16xi32>
        tpu.vector_store %arg10[%swap3A_987, %swap3A_988, %swap3A_989], %swap3A_992 {strides = array<i32>} : memref<2x4x64xi32, #tpu.memory_space<vmem>>, vector<1x1x16xi32>,
        %add3A_993 = arith.constant 512 : i32
        %add3A_994 = vector.broadcast %add3A_993 : i32 to vector<16xi32>
        %add3A_995 = arith.addi %add3A_961, %add3A_994 : vector<16xi32>
        %swap3A_996 = arith.constant 0 : i32
        %swap3A_997 = arith.constant 2 : i32
        %swap3A_998 = arith.index_cast %swap3A_996 : i32 to index
        %swap3A_999 = arith.index_cast %swap3A_997 : i32 to index
        %swap3A_1000 = arith.constant 16 : index
        %swap3A_1001 = tpu.vector_load %arg10[%swap3A_998, %swap3A_999, %swap3A_1000] {strides = array<i32>} : memref<2x4x64xi32, #tpu.memory_space<vmem>>, vector<1x1x16xi32>,
        %swap3A_1002 = vector.shape_cast %swap3A_1001 : vector<1x1x16xi32> to vector<16xi32>
        %swap3A_1003 = vector.shape_cast %add3A_995 : vector<16xi32> to vector<1x1x16xi32>
        tpu.vector_store %arg10[%swap3A_998, %swap3A_999, %swap3A_1000], %swap3A_1003 {strides = array<i32>} : memref<2x4x64xi32, #tpu.memory_space<vmem>>, vector<1x1x16xi32>,
        %add3A_1004 = arith.constant 512 : i32
        %add3A_1005 = vector.broadcast %add3A_1004 : i32 to vector<16xi32>
        %add3A_1006 = arith.addi %add3A_961, %add3A_1005 : vector<16xi32>
        %add3A_1007 = arith.constant 1 : i32
        %add3A_1008 = vector.broadcast %add3A_1007 : i32 to vector<16xi32>
        %add3A_1009 = arith.addi %add3A_1006, %add3A_1008 : vector<16xi32>
        %swap3A_1010 = arith.constant 0 : i32
        %swap3A_1011 = arith.constant 3 : i32
        %swap3A_1012 = arith.index_cast %swap3A_1010 : i32 to index
        %swap3A_1013 = arith.index_cast %swap3A_1011 : i32 to index
        %swap3A_1014 = arith.constant 16 : index
        %swap3A_1015 = tpu.vector_load %arg10[%swap3A_1012, %swap3A_1013, %swap3A_1014] {strides = array<i32>} : memref<2x4x64xi32, #tpu.memory_space<vmem>>, vector<1x1x16xi32>,
        %swap3A_1016 = vector.shape_cast %swap3A_1015 : vector<1x1x16xi32> to vector<16xi32>
        %swap3A_1017 = vector.shape_cast %add3A_1009 : vector<16xi32> to vector<1x1x16xi32>
        tpu.vector_store %arg10[%swap3A_1012, %swap3A_1013, %swap3A_1014], %swap3A_1017 {strides = array<i32>} : memref<2x4x64xi32, #tpu.memory_space<vmem>>, vector<1x1x16xi32>,
        %get3A_1018 = arith.constant 0 : i32
        %get3A_1019 = arith.index_cast %get3A_1018 : i32 to index
        %get3A_1020 = arith.constant 32 : index
        %get3A_1021 = tpu.vector_load %arg6[%get3A_1019, %get3A_1020] {strides = array<i32>} : memref<2x64xf32, #tpu.memory_space<vmem>>, vector<1x16xf32>,
        %get3A_1022 = vector.shape_cast %get3A_1021 : vector<1x16xf32> to vector<16xf32>
        %sub3A_1023 = vector.broadcast %convert_element_type3A_805 : f32 to vector<16xf32>
        %sub3A_1024 = arith.subf %sub3A_1023, %get3A_1022 : vector<16xf32>
        %jit3A_1025 = arith.constant 0.000000e+00 : f32
        %jit3A_1026 = arith.constant 5.110000e+02 : f32
        %max3A_1027 = vector.broadcast %jit3A_1025 : f32 to vector<16xf32>
        %max3A_1028 = arith.maximumf %max3A_1027, %sub3A_1024 : vector<16xf32>
        %min3A_1029 = vector.broadcast %jit3A_1026 : f32 to vector<16xf32>
        %min3A_1030 = arith.minimumf %min3A_1029, %max3A_1028 : vector<16xf32>
        %convert_element_type3A_1031 = arith.fptosi %min3A_1030 : vector<16xf32> to vector<16xi32>
        %min3A_1032 = arith.constant 510 : i32
        %min3A_1033 = vector.broadcast %min3A_1032 : i32 to vector<16xi32>
        %min3A_1034 = arith.minsi %convert_element_type3A_1031, %min3A_1033 : vector<16xi32>
        %convert_element_type3A_1035 = arith.sitofp %min3A_1034 : vector<16xi32> to vector<16xf32>
        %sub3A_1036 = arith.subf %min3A_1030, %convert_element_type3A_1035 : vector<16xf32>
        %add3A_1037 = arith.constant 32 : i32
        %add3A_1038 = arith.addi %and3A_786, %add3A_1037 : i32
        %convert_element_type3A_1039 = arith.sitofp %add3A_1038 : i32 to f32
        %iota3A_1040 = tpu.iota {dimensions = array<i32: 0>} : vector<16xi32>
        %convert_element_type3A_1041 = arith.sitofp %iota3A_1040 : vector<16xi32> to vector<16xf32>
        %add3A_1042 = vector.broadcast %convert_element_type3A_1039 : f32 to vector<16xf32>
        %add3A_1043 = arith.addf %add3A_1042, %convert_element_type3A_1041 : vector<16xf32>
        %get3A_1044 = arith.constant 0 : i32
        %get3A_1045 = arith.index_cast %get3A_1044 : i32 to index
        %get3A_1046 = arith.constant 32 : index
        %get3A_1047 = tpu.vector_load %arg7[%get3A_1045, %get3A_1046] {strides = array<i32>} : memref<2x64xf32, #tpu.memory_space<vmem>>, vector<1x16xf32>,
        %get3A_1048 = vector.shape_cast %get3A_1047 : vector<1x16xf32> to vector<16xf32>
        %sub3A_1049 = arith.subf %add3A_1043, %get3A_1048 : vector<16xf32>
        %jit3A_1050 = arith.constant 0.000000e+00 : f32
        %jit3A_1051 = arith.constant 5.110000e+02 : f32
        %max3A_1052 = vector.broadcast %jit3A_1050 : f32 to vector<16xf32>
        %max3A_1053 = arith.maximumf %max3A_1052, %sub3A_1049 : vector<16xf32>
        %min3A_1054 = vector.broadcast %jit3A_1051 : f32 to vector<16xf32>
        %min3A_1055 = arith.minimumf %min3A_1054, %max3A_1053 : vector<16xf32>
        %convert_element_type3A_1056 = arith.fptosi %min3A_1055 : vector<16xf32> to vector<16xi32>
        %min3A_1057 = arith.constant 510 : i32
        %min3A_1058 = vector.broadcast %min3A_1057 : i32 to vector<16xi32>
        %min3A_1059 = arith.minsi %convert_element_type3A_1056, %min3A_1058 : vector<16xi32>
        %convert_element_type3A_1060 = arith.sitofp %min3A_1059 : vector<16xi32> to vector<16xf32>
        %sub3A_1061 = arith.subf %min3A_1055, %convert_element_type3A_1060 : vector<16xf32>
        %shift_left3A_1062 = arith.constant 9 : i32
        %shift_left3A_1063 = vector.broadcast %shift_left3A_1062 : i32 to vector<16xi32>
        %shift_left3A_1064 = arith.shli %min3A_1034, %shift_left3A_1063 : vector<16xi32>
        %add3A_1065 = vector.broadcast %shift_left3A_784 : i32 to vector<16xi32>
        %add3A_1066 = arith.addi %add3A_1065, %shift_left3A_1064 : vector<16xi32>
        %add3A_1067 = arith.addi %add3A_1066, %min3A_1059 : vector<16xi32>
        %swap3A_1068 = arith.constant 0 : i32
        %swap3A_1069 = arith.index_cast %swap3A_1068 : i32 to index
        %swap3A_1070 = arith.constant 32 : index
        %swap3A_1071 = tpu.vector_load %arg9[%swap3A_1069, %swap3A_1070] {strides = array<i32>} : memref<2x80xf32, #tpu.memory_space<vmem>>, vector<1x16xf32>,
        %swap3A_1072 = vector.shape_cast %swap3A_1071 : vector<1x16xf32> to vector<16xf32>
        %swap3A_1073 = vector.shape_cast %sub3A_1036 : vector<16xf32> to vector<1x16xf32>
        tpu.vector_store %arg9[%swap3A_1069, %swap3A_1070], %swap3A_1073 {strides = array<i32>} : memref<2x80xf32, #tpu.memory_space<vmem>>, vector<1x16xf32>,
        %swap3A_1074 = arith.constant 0 : i32
        %swap3A_1075 = arith.index_cast %swap3A_1074 : i32 to index
        %swap3A_1076 = arith.constant 32 : index
        %swap3A_1077 = tpu.vector_load %arg8[%swap3A_1075, %swap3A_1076] {strides = array<i32>} : memref<2x80xf32, #tpu.memory_space<vmem>>, vector<1x16xf32>,
        %swap3A_1078 = vector.shape_cast %swap3A_1077 : vector<1x16xf32> to vector<16xf32>
        %swap3A_1079 = vector.shape_cast %sub3A_1061 : vector<16xf32> to vector<1x16xf32>
        tpu.vector_store %arg8[%swap3A_1075, %swap3A_1076], %swap3A_1079 {strides = array<i32>} : memref<2x80xf32, #tpu.memory_space<vmem>>, vector<1x16xf32>,
        %swap3A_1080 = arith.constant 0 : i32
        %swap3A_1081 = arith.constant 0 : i32
        %swap3A_1082 = arith.index_cast %swap3A_1080 : i32 to index
        %swap3A_1083 = arith.index_cast %swap3A_1081 : i32 to index
        %swap3A_1084 = arith.constant 32 : index
        %swap3A_1085 = tpu.vector_load %arg10[%swap3A_1082, %swap3A_1083, %swap3A_1084] {strides = array<i32>} : memref<2x4x64xi32, #tpu.memory_space<vmem>>, vector<1x1x16xi32>,
        %swap3A_1086 = vector.shape_cast %swap3A_1085 : vector<1x1x16xi32> to vector<16xi32>
        %swap3A_1087 = vector.shape_cast %add3A_1067 : vector<16xi32> to vector<1x1x16xi32>
        tpu.vector_store %arg10[%swap3A_1082, %swap3A_1083, %swap3A_1084], %swap3A_1087 {strides = array<i32>} : memref<2x4x64xi32, #tpu.memory_space<vmem>>, vector<1x1x16xi32>,
        %add3A_1088 = arith.constant 1 : i32
        %add3A_1089 = vector.broadcast %add3A_1088 : i32 to vector<16xi32>
        %add3A_1090 = arith.addi %add3A_1067, %add3A_1089 : vector<16xi32>
        %swap3A_1091 = arith.constant 0 : i32
        %swap3A_1092 = arith.constant 1 : i32
        %swap3A_1093 = arith.index_cast %swap3A_1091 : i32 to index
        %swap3A_1094 = arith.index_cast %swap3A_1092 : i32 to index
        %swap3A_1095 = arith.constant 32 : index
        %swap3A_1096 = tpu.vector_load %arg10[%swap3A_1093, %swap3A_1094, %swap3A_1095] {strides = array<i32>} : memref<2x4x64xi32, #tpu.memory_space<vmem>>, vector<1x1x16xi32>,
        %swap3A_1097 = vector.shape_cast %swap3A_1096 : vector<1x1x16xi32> to vector<16xi32>
        %swap3A_1098 = vector.shape_cast %add3A_1090 : vector<16xi32> to vector<1x1x16xi32>
        tpu.vector_store %arg10[%swap3A_1093, %swap3A_1094, %swap3A_1095], %swap3A_1098 {strides = array<i32>} : memref<2x4x64xi32, #tpu.memory_space<vmem>>, vector<1x1x16xi32>,
        %add3A_1099 = arith.constant 512 : i32
        %add3A_1100 = vector.broadcast %add3A_1099 : i32 to vector<16xi32>
        %add3A_1101 = arith.addi %add3A_1067, %add3A_1100 : vector<16xi32>
        %swap3A_1102 = arith.constant 0 : i32
        %swap3A_1103 = arith.constant 2 : i32
        %swap3A_1104 = arith.index_cast %swap3A_1102 : i32 to index
        %swap3A_1105 = arith.index_cast %swap3A_1103 : i32 to index
        %swap3A_1106 = arith.constant 32 : index
        %swap3A_1107 = tpu.vector_load %arg10[%swap3A_1104, %swap3A_1105, %swap3A_1106] {strides = array<i32>} : memref<2x4x64xi32, #tpu.memory_space<vmem>>, vector<1x1x16xi32>,
        %swap3A_1108 = vector.shape_cast %swap3A_1107 : vector<1x1x16xi32> to vector<16xi32>
        %swap3A_1109 = vector.shape_cast %add3A_1101 : vector<16xi32> to vector<1x1x16xi32>
        tpu.vector_store %arg10[%swap3A_1104, %swap3A_1105, %swap3A_1106], %swap3A_1109 {strides = array<i32>} : memref<2x4x64xi32, #tpu.memory_space<vmem>>, vector<1x1x16xi32>,
        %add3A_1110 = arith.constant 512 : i32
        %add3A_1111 = vector.broadcast %add3A_1110 : i32 to vector<16xi32>
        %add3A_1112 = arith.addi %add3A_1067, %add3A_1111 : vector<16xi32>
        %add3A_1113 = arith.constant 1 : i32
        %add3A_1114 = vector.broadcast %add3A_1113 : i32 to vector<16xi32>
        %add3A_1115 = arith.addi %add3A_1112, %add3A_1114 : vector<16xi32>
        %swap3A_1116 = arith.constant 0 : i32
        %swap3A_1117 = arith.constant 3 : i32
        %swap3A_1118 = arith.index_cast %swap3A_1116 : i32 to index
        %swap3A_1119 = arith.index_cast %swap3A_1117 : i32 to index
        %swap3A_1120 = arith.constant 32 : index
        %swap3A_1121 = tpu.vector_load %arg10[%swap3A_1118, %swap3A_1119, %swap3A_1120] {strides = array<i32>} : memref<2x4x64xi32, #tpu.memory_space<vmem>>, vector<1x1x16xi32>,
        %swap3A_1122 = vector.shape_cast %swap3A_1121 : vector<1x1x16xi32> to vector<16xi32>
        %swap3A_1123 = vector.shape_cast %add3A_1115 : vector<16xi32> to vector<1x1x16xi32>
        tpu.vector_store %arg10[%swap3A_1118, %swap3A_1119, %swap3A_1120], %swap3A_1123 {strides = array<i32>} : memref<2x4x64xi32, #tpu.memory_space<vmem>>, vector<1x1x16xi32>,
        %get3A_1124 = arith.constant 0 : i32
        %get3A_1125 = arith.index_cast %get3A_1124 : i32 to index
        %get3A_1126 = arith.constant 48 : index
        %get3A_1127 = tpu.vector_load %arg6[%get3A_1125, %get3A_1126] {strides = array<i32>} : memref<2x64xf32, #tpu.memory_space<vmem>>, vector<1x16xf32>,
        %get3A_1128 = vector.shape_cast %get3A_1127 : vector<1x16xf32> to vector<16xf32>
        %sub3A_1129 = vector.broadcast %convert_element_type3A_805 : f32 to vector<16xf32>
        %sub3A_1130 = arith.subf %sub3A_1129, %get3A_1128 : vector<16xf32>
        %jit3A_1131 = arith.constant 0.000000e+00 : f32
        %jit3A_1132 = arith.constant 5.110000e+02 : f32
        %max3A_1133 = vector.broadcast %jit3A_1131 : f32 to vector<16xf32>
        %max3A_1134 = arith.maximumf %max3A_1133, %sub3A_1130 : vector<16xf32>
        %min3A_1135 = vector.broadcast %jit3A_1132 : f32 to vector<16xf32>
        %min3A_1136 = arith.minimumf %min3A_1135, %max3A_1134 : vector<16xf32>
        %convert_element_type3A_1137 = arith.fptosi %min3A_1136 : vector<16xf32> to vector<16xi32>
        %min3A_1138 = arith.constant 510 : i32
        %min3A_1139 = vector.broadcast %min3A_1138 : i32 to vector<16xi32>
        %min3A_1140 = arith.minsi %convert_element_type3A_1137, %min3A_1139 : vector<16xi32>
        %convert_element_type3A_1141 = arith.sitofp %min3A_1140 : vector<16xi32> to vector<16xf32>
        %sub3A_1142 = arith.subf %min3A_1136, %convert_element_type3A_1141 : vector<16xf32>
        %add3A_1143 = arith.constant 48 : i32
        %add3A_1144 = arith.addi %and3A_786, %add3A_1143 : i32
        %convert_element_type3A_1145 = arith.sitofp %add3A_1144 : i32 to f32
        %iota3A_1146 = tpu.iota {dimensions = array<i32: 0>} : vector<16xi32>
        %convert_element_type3A_1147 = arith.sitofp %iota3A_1146 : vector<16xi32> to vector<16xf32>
        %add3A_1148 = vector.broadcast %convert_element_type3A_1145 : f32 to vector<16xf32>
        %add3A_1149 = arith.addf %add3A_1148, %convert_element_type3A_1147 : vector<16xf32>
        %get3A_1150 = arith.constant 0 : i32
        %get3A_1151 = arith.index_cast %get3A_1150 : i32 to index
        %get3A_1152 = arith.constant 48 : index
        %get3A_1153 = tpu.vector_load %arg7[%get3A_1151, %get3A_1152] {strides = array<i32>} : memref<2x64xf32, #tpu.memory_space<vmem>>, vector<1x16xf32>,
        %get3A_1154 = vector.shape_cast %get3A_1153 : vector<1x16xf32> to vector<16xf32>
        %sub3A_1155 = arith.subf %add3A_1149, %get3A_1154 : vector<16xf32>
        %jit3A_1156 = arith.constant 0.000000e+00 : f32
        %jit3A_1157 = arith.constant 5.110000e+02 : f32
        %max3A_1158 = vector.broadcast %jit3A_1156 : f32 to vector<16xf32>
        %max3A_1159 = arith.maximumf %max3A_1158, %sub3A_1155 : vector<16xf32>
        %min3A_1160 = vector.broadcast %jit3A_1157 : f32 to vector<16xf32>
        %min3A_1161 = arith.minimumf %min3A_1160, %max3A_1159 : vector<16xf32>
        %convert_element_type3A_1162 = arith.fptosi %min3A_1161 : vector<16xf32> to vector<16xi32>
        %min3A_1163 = arith.constant 510 : i32
        %min3A_1164 = vector.broadcast %min3A_1163 : i32 to vector<16xi32>
        %min3A_1165 = arith.minsi %convert_element_type3A_1162, %min3A_1164 : vector<16xi32>
        %convert_element_type3A_1166 = arith.sitofp %min3A_1165 : vector<16xi32> to vector<16xf32>
        %sub3A_1167 = arith.subf %min3A_1161, %convert_element_type3A_1166 : vector<16xf32>
        %shift_left3A_1168 = arith.constant 9 : i32
        %shift_left3A_1169 = vector.broadcast %shift_left3A_1168 : i32 to vector<16xi32>
        %shift_left3A_1170 = arith.shli %min3A_1140, %shift_left3A_1169 : vector<16xi32>
        %add3A_1171 = vector.broadcast %shift_left3A_784 : i32 to vector<16xi32>
        %add3A_1172 = arith.addi %add3A_1171, %shift_left3A_1170 : vector<16xi32>
        %add3A_1173 = arith.addi %add3A_1172, %min3A_1165 : vector<16xi32>
        %swap3A_1174 = arith.constant 0 : i32
        %swap3A_1175 = arith.index_cast %swap3A_1174 : i32 to index
        %swap3A_1176 = arith.constant 48 : index
        %swap3A_1177 = tpu.vector_load %arg9[%swap3A_1175, %swap3A_1176] {strides = array<i32>} : memref<2x80xf32, #tpu.memory_space<vmem>>, vector<1x16xf32>,
        %swap3A_1178 = vector.shape_cast %swap3A_1177 : vector<1x16xf32> to vector<16xf32>
        %swap3A_1179 = vector.shape_cast %sub3A_1142 : vector<16xf32> to vector<1x16xf32>
        tpu.vector_store %arg9[%swap3A_1175, %swap3A_1176], %swap3A_1179 {strides = array<i32>} : memref<2x80xf32, #tpu.memory_space<vmem>>, vector<1x16xf32>,
        %swap3A_1180 = arith.constant 0 : i32
        %swap3A_1181 = arith.index_cast %swap3A_1180 : i32 to index
        %swap3A_1182 = arith.constant 48 : index
        %swap3A_1183 = tpu.vector_load %arg8[%swap3A_1181, %swap3A_1182] {strides = array<i32>} : memref<2x80xf32, #tpu.memory_space<vmem>>, vector<1x16xf32>,
        %swap3A_1184 = vector.shape_cast %swap3A_1183 : vector<1x16xf32> to vector<16xf32>
        %swap3A_1185 = vector.shape_cast %sub3A_1167 : vector<16xf32> to vector<1x16xf32>
        tpu.vector_store %arg8[%swap3A_1181, %swap3A_1182], %swap3A_1185 {strides = array<i32>} : memref<2x80xf32, #tpu.memory_space<vmem>>, vector<1x16xf32>,
        %swap3A_1186 = arith.constant 0 : i32
        %swap3A_1187 = arith.constant 0 : i32
        %swap3A_1188 = arith.index_cast %swap3A_1186 : i32 to index
        %swap3A_1189 = arith.index_cast %swap3A_1187 : i32 to index
        %swap3A_1190 = arith.constant 48 : index
        %swap3A_1191 = tpu.vector_load %arg10[%swap3A_1188, %swap3A_1189, %swap3A_1190] {strides = array<i32>} : memref<2x4x64xi32, #tpu.memory_space<vmem>>, vector<1x1x16xi32>,
        %swap3A_1192 = vector.shape_cast %swap3A_1191 : vector<1x1x16xi32> to vector<16xi32>
        %swap3A_1193 = vector.shape_cast %add3A_1173 : vector<16xi32> to vector<1x1x16xi32>
        tpu.vector_store %arg10[%swap3A_1188, %swap3A_1189, %swap3A_1190], %swap3A_1193 {strides = array<i32>} : memref<2x4x64xi32, #tpu.memory_space<vmem>>, vector<1x1x16xi32>,
        %add3A_1194 = arith.constant 1 : i32
        %add3A_1195 = vector.broadcast %add3A_1194 : i32 to vector<16xi32>
        %add3A_1196 = arith.addi %add3A_1173, %add3A_1195 : vector<16xi32>
        %swap3A_1197 = arith.constant 0 : i32
        %swap3A_1198 = arith.constant 1 : i32
        %swap3A_1199 = arith.index_cast %swap3A_1197 : i32 to index
        %swap3A_1200 = arith.index_cast %swap3A_1198 : i32 to index
        %swap3A_1201 = arith.constant 48 : index
        %swap3A_1202 = tpu.vector_load %arg10[%swap3A_1199, %swap3A_1200, %swap3A_1201] {strides = array<i32>} : memref<2x4x64xi32, #tpu.memory_space<vmem>>, vector<1x1x16xi32>,
        %swap3A_1203 = vector.shape_cast %swap3A_1202 : vector<1x1x16xi32> to vector<16xi32>
        %swap3A_1204 = vector.shape_cast %add3A_1196 : vector<16xi32> to vector<1x1x16xi32>
        tpu.vector_store %arg10[%swap3A_1199, %swap3A_1200, %swap3A_1201], %swap3A_1204 {strides = array<i32>} : memref<2x4x64xi32, #tpu.memory_space<vmem>>, vector<1x1x16xi32>,
        %add3A_1205 = arith.constant 512 : i32
        %add3A_1206 = vector.broadcast %add3A_1205 : i32 to vector<16xi32>
        %add3A_1207 = arith.addi %add3A_1173, %add3A_1206 : vector<16xi32>
        %swap3A_1208 = arith.constant 0 : i32
        %swap3A_1209 = arith.constant 2 : i32
        %swap3A_1210 = arith.index_cast %swap3A_1208 : i32 to index
        %swap3A_1211 = arith.index_cast %swap3A_1209 : i32 to index
        %swap3A_1212 = arith.constant 48 : index
        %swap3A_1213 = tpu.vector_load %arg10[%swap3A_1210, %swap3A_1211, %swap3A_1212] {strides = array<i32>} : memref<2x4x64xi32, #tpu.memory_space<vmem>>, vector<1x1x16xi32>,
        %swap3A_1214 = vector.shape_cast %swap3A_1213 : vector<1x1x16xi32> to vector<16xi32>
        %swap3A_1215 = vector.shape_cast %add3A_1207 : vector<16xi32> to vector<1x1x16xi32>
        tpu.vector_store %arg10[%swap3A_1210, %swap3A_1211, %swap3A_1212], %swap3A_1215 {strides = array<i32>} : memref<2x4x64xi32, #tpu.memory_space<vmem>>, vector<1x1x16xi32>,
        %add3A_1216 = arith.constant 512 : i32
        %add3A_1217 = vector.broadcast %add3A_1216 : i32 to vector<16xi32>
        %add3A_1218 = arith.addi %add3A_1173, %add3A_1217 : vector<16xi32>
        %add3A_1219 = arith.constant 1 : i32
        %add3A_1220 = vector.broadcast %add3A_1219 : i32 to vector<16xi32>
        %add3A_1221 = arith.addi %add3A_1218, %add3A_1220 : vector<16xi32>
        %swap3A_1222 = arith.constant 0 : i32
        %swap3A_1223 = arith.constant 3 : i32
        %swap3A_1224 = arith.index_cast %swap3A_1222 : i32 to index
        %swap3A_1225 = arith.index_cast %swap3A_1223 : i32 to index
        %swap3A_1226 = arith.constant 48 : index
        %swap3A_1227 = tpu.vector_load %arg10[%swap3A_1224, %swap3A_1225, %swap3A_1226] {strides = array<i32>} : memref<2x4x64xi32, #tpu.memory_space<vmem>>, vector<1x1x16xi32>,
        %swap3A_1228 = vector.shape_cast %swap3A_1227 : vector<1x1x16xi32> to vector<16xi32>
        %swap3A_1229 = vector.shape_cast %add3A_1221 : vector<16xi32> to vector<1x1x16xi32>
        tpu.vector_store %arg10[%swap3A_1224, %swap3A_1225, %swap3A_1226], %swap3A_1229 {strides = array<i32>} : memref<2x4x64xi32, #tpu.memory_space<vmem>>, vector<1x1x16xi32>,
        %dma_start3A_1230 = arith.constant 0 : i32
        %dma_start3A_1231 = arith.constant 0 : i32
        %dma_start3A_1232 = arith.constant 0 : i32
        %dma_start3A_1233 = arith.constant 0 : i32
        %dma_start3A_1234 = arith.constant 0 : i32
        %dma_start3A_1235 = arith.constant 0 : i32
        %dma_start3A_1236 = tpu.memref_slice %arg11[%dma_start3A_1232, %dma_start3A_1233, %dma_start3A_1234, %dma_start3A_1235] : memref<2x4x64x128xf32, #tpu.memory_space<vmem>> -> memref<1x1x64x128xf32, #tpu.memory_space<vmem>>
        %dma_start3A_1237 = tpu.memref_squeeze %dma_start3A_1236 : memref<1x1x64x128xf32, #tpu.memory_space<vmem>> -> memref<64x128xf32, #tpu.memory_space<vmem>>
        %dma_start3A_1238 = arith.constant 0 : i32
        %dma_start3A_1239 = tpu.memref_slice %arg10[%dma_start3A_1230, %dma_start3A_1231, %dma_start3A_1238] : memref<2x4x64xi32, #tpu.memory_space<vmem>> -> memref<1x1x64xi32, #tpu.memory_space<vmem>>
        %dma_start3A_1240 = tpu.memref_squeeze %dma_start3A_1239 : memref<1x1x64xi32, #tpu.memory_space<vmem>> -> memref<64xi32, #tpu.memory_space<vmem>>
        %dma_start3A_1241 = arith.constant 0 : i32
        %dma_start3A_1242 = arith.constant 0 : i32
        %dma_start3A_1243 = tpu.memref_slice %arg2[%dma_start3A_1241, %dma_start3A_1242] : memref<524288x128xf32, #tpu.memory_space<hbm>> -> memref<524288x128xf32, #tpu.memory_space<hbm>>
        tpu.enqueue_indirect_dma source(%dma_start3A_1243 : memref<524288x128xf32, #tpu.memory_space<hbm>>) target(%dma_start3A_1237 : memref<64x128xf32, #tpu.memory_space<vmem>>) offsets(%dma_start3A_1240 : memref<64xi32, #tpu.memory_space<vmem>>) semaphore(%arg13 : memref<!tpu.dma_semaphore, #tpu.memory_space<semaphore_mem>>)
        %dma_start3A_1244 = arith.constant 0 : i32
        %dma_start3A_1245 = arith.constant 1 : i32
        %dma_start3A_1246 = arith.constant 0 : i32
        %dma_start3A_1247 = arith.constant 1 : i32
        %dma_start3A_1248 = arith.constant 0 : i32
        %dma_start3A_1249 = arith.constant 0 : i32
        %dma_start3A_1250 = tpu.memref_slice %arg11[%dma_start3A_1246, %dma_start3A_1247, %dma_start3A_1248, %dma_start3A_1249] : memref<2x4x64x128xf32, #tpu.memory_space<vmem>> -> memref<1x1x64x128xf32, #tpu.memory_space<vmem>>
        %dma_start3A_1251 = tpu.memref_squeeze %dma_start3A_1250 : memref<1x1x64x128xf32, #tpu.memory_space<vmem>> -> memref<64x128xf32, #tpu.memory_space<vmem>>
        %dma_start3A_1252 = arith.constant 0 : i32
        %dma_start3A_1253 = tpu.memref_slice %arg10[%dma_start3A_1244, %dma_start3A_1245, %dma_start3A_1252] : memref<2x4x64xi32, #tpu.memory_space<vmem>> -> memref<1x1x64xi32, #tpu.memory_space<vmem>>
        %dma_start3A_1254 = tpu.memref_squeeze %dma_start3A_1253 : memref<1x1x64xi32, #tpu.memory_space<vmem>> -> memref<64xi32, #tpu.memory_space<vmem>>
        %dma_start3A_1255 = arith.constant 0 : i32
        %dma_start3A_1256 = arith.constant 0 : i32
        %dma_start3A_1257 = tpu.memref_slice %arg2[%dma_start3A_1255, %dma_start3A_1256] : memref<524288x128xf32, #tpu.memory_space<hbm>> -> memref<524288x128xf32, #tpu.memory_space<hbm>>
        tpu.enqueue_indirect_dma source(%dma_start3A_1257 : memref<524288x128xf32, #tpu.memory_space<hbm>>) target(%dma_start3A_1251 : memref<64x128xf32, #tpu.memory_space<vmem>>) offsets(%dma_start3A_1254 : memref<64xi32, #tpu.memory_space<vmem>>) semaphore(%arg13 : memref<!tpu.dma_semaphore, #tpu.memory_space<semaphore_mem>>)
        %dma_start3A_1258 = arith.constant 0 : i32
        %dma_start3A_1259 = arith.constant 2 : i32
        %dma_start3A_1260 = arith.constant 0 : i32
        %dma_start3A_1261 = arith.constant 2 : i32
        %dma_start3A_1262 = arith.constant 0 : i32
        %dma_start3A_1263 = arith.constant 0 : i32
        %dma_start3A_1264 = tpu.memref_slice %arg11[%dma_start3A_1260, %dma_start3A_1261, %dma_start3A_1262, %dma_start3A_1263] : memref<2x4x64x128xf32, #tpu.memory_space<vmem>> -> memref<1x1x64x128xf32, #tpu.memory_space<vmem>>
        %dma_start3A_1265 = tpu.memref_squeeze %dma_start3A_1264 : memref<1x1x64x128xf32, #tpu.memory_space<vmem>> -> memref<64x128xf32, #tpu.memory_space<vmem>>
        %dma_start3A_1266 = arith.constant 0 : i32
        %dma_start3A_1267 = tpu.memref_slice %arg10[%dma_start3A_1258, %dma_start3A_1259, %dma_start3A_1266] : memref<2x4x64xi32, #tpu.memory_space<vmem>> -> memref<1x1x64xi32, #tpu.memory_space<vmem>>
        %dma_start3A_1268 = tpu.memref_squeeze %dma_start3A_1267 : memref<1x1x64xi32, #tpu.memory_space<vmem>> -> memref<64xi32, #tpu.memory_space<vmem>>
        %dma_start3A_1269 = arith.constant 0 : i32
        %dma_start3A_1270 = arith.constant 0 : i32
        %dma_start3A_1271 = tpu.memref_slice %arg2[%dma_start3A_1269, %dma_start3A_1270] : memref<524288x128xf32, #tpu.memory_space<hbm>> -> memref<524288x128xf32, #tpu.memory_space<hbm>>
        tpu.enqueue_indirect_dma source(%dma_start3A_1271 : memref<524288x128xf32, #tpu.memory_space<hbm>>) target(%dma_start3A_1265 : memref<64x128xf32, #tpu.memory_space<vmem>>) offsets(%dma_start3A_1268 : memref<64xi32, #tpu.memory_space<vmem>>) semaphore(%arg13 : memref<!tpu.dma_semaphore, #tpu.memory_space<semaphore_mem>>)
        %dma_start3A_1272 = arith.constant 0 : i32
        %dma_start3A_1273 = arith.constant 3 : i32
        %dma_start3A_1274 = arith.constant 0 : i32
        %dma_start3A_1275 = arith.constant 3 : i32
        %dma_start3A_1276 = arith.constant 0 : i32
        %dma_start3A_1277 = arith.constant 0 : i32
        %dma_start3A_1278 = tpu.memref_slice %arg11[%dma_start3A_1274, %dma_start3A_1275, %dma_start3A_1276, %dma_start3A_1277] : memref<2x4x64x128xf32, #tpu.memory_space<vmem>> -> memref<1x1x64x128xf32, #tpu.memory_space<vmem>>
        %dma_start3A_1279 = tpu.memref_squeeze %dma_start3A_1278 : memref<1x1x64x128xf32, #tpu.memory_space<vmem>> -> memref<64x128xf32, #tpu.memory_space<vmem>>
        %dma_start3A_1280 = arith.constant 0 : i32
        %dma_start3A_1281 = tpu.memref_slice %arg10[%dma_start3A_1272, %dma_start3A_1273, %dma_start3A_1280] : memref<2x4x64xi32, #tpu.memory_space<vmem>> -> memref<1x1x64xi32, #tpu.memory_space<vmem>>
        %dma_start3A_1282 = tpu.memref_squeeze %dma_start3A_1281 : memref<1x1x64xi32, #tpu.memory_space<vmem>> -> memref<64xi32, #tpu.memory_space<vmem>>
        %dma_start3A_1283 = arith.constant 0 : i32
        %dma_start3A_1284 = arith.constant 0 : i32
        %dma_start3A_1285 = tpu.memref_slice %arg2[%dma_start3A_1283, %dma_start3A_1284] : memref<524288x128xf32, #tpu.memory_space<hbm>> -> memref<524288x128xf32, #tpu.memory_space<hbm>>
        tpu.enqueue_indirect_dma source(%dma_start3A_1285 : memref<524288x128xf32, #tpu.memory_space<hbm>>) target(%dma_start3A_1279 : memref<64x128xf32, #tpu.memory_space<vmem>>) offsets(%dma_start3A_1282 : memref<64xi32, #tpu.memory_space<vmem>>) semaphore(%arg13 : memref<!tpu.dma_semaphore, #tpu.memory_space<semaphore_mem>>)
      } else {
      }
      %dma_wait3A_689 = arith.constant 1 : i32
      %dma_wait3A_690 = arith.constant 0 : i32
      %dma_wait3A_691 = arith.constant 1 : i32
      %dma_wait3A_692 = arith.constant 0 : i32
      %dma_wait3A_693 = arith.constant 0 : i32
      %dma_wait3A_694 = arith.constant 0 : i32
      %dma_wait3A_695 = tpu.memref_slice %arg11[%dma_wait3A_691, %dma_wait3A_692, %dma_wait3A_693, %dma_wait3A_694] : memref<2x4x64x128xf32, #tpu.memory_space<vmem>> -> memref<1x1x64x128xf32, #tpu.memory_space<vmem>>
      %dma_wait3A_696 = tpu.memref_squeeze %dma_wait3A_695 : memref<1x1x64x128xf32, #tpu.memory_space<vmem>> -> memref<64x128xf32, #tpu.memory_space<vmem>>
      %dma_wait3A_697 = arith.constant 0 : i32
      %dma_wait3A_698 = tpu.memref_slice %arg10[%dma_wait3A_689, %dma_wait3A_690, %dma_wait3A_697] : memref<2x4x64xi32, #tpu.memory_space<vmem>> -> memref<1x1x64xi32, #tpu.memory_space<vmem>>
      %dma_wait3A_699 = tpu.memref_squeeze %dma_wait3A_698 : memref<1x1x64xi32, #tpu.memory_space<vmem>> -> memref<64xi32, #tpu.memory_space<vmem>>
      %dma_wait3A_700 = arith.constant 0 : i32
      %dma_wait3A_701 = arith.constant 0 : i32
      %dma_wait3A_702 = tpu.memref_slice %arg2[%dma_wait3A_700, %dma_wait3A_701] : memref<524288x128xf32, #tpu.memory_space<hbm>> -> memref<524288x128xf32, #tpu.memory_space<hbm>>
      tpu.wait_indirect_dma semaphore(%arg14 : memref<!tpu.dma_semaphore, #tpu.memory_space<semaphore_mem>>) src(%dma_wait3A_702 : memref<524288x128xf32, #tpu.memory_space<hbm>>) dst(%dma_wait3A_696 : memref<64x128xf32, #tpu.memory_space<vmem>>)
      %dma_wait3A_703 = arith.constant 1 : i32
      %dma_wait3A_704 = arith.constant 1 : i32
      %dma_wait3A_705 = arith.constant 1 : i32
      %dma_wait3A_706 = arith.constant 1 : i32
      %dma_wait3A_707 = arith.constant 0 : i32
      %dma_wait3A_708 = arith.constant 0 : i32
      %dma_wait3A_709 = tpu.memref_slice %arg11[%dma_wait3A_705, %dma_wait3A_706, %dma_wait3A_707, %dma_wait3A_708] : memref<2x4x64x128xf32, #tpu.memory_space<vmem>> -> memref<1x1x64x128xf32, #tpu.memory_space<vmem>>
      %dma_wait3A_710 = tpu.memref_squeeze %dma_wait3A_709 : memref<1x1x64x128xf32, #tpu.memory_space<vmem>> -> memref<64x128xf32, #tpu.memory_space<vmem>>
      %dma_wait3A_711 = arith.constant 0 : i32
      %dma_wait3A_712 = tpu.memref_slice %arg10[%dma_wait3A_703, %dma_wait3A_704, %dma_wait3A_711] : memref<2x4x64xi32, #tpu.memory_space<vmem>> -> memref<1x1x64xi32, #tpu.memory_space<vmem>>
      %dma_wait3A_713 = tpu.memref_squeeze %dma_wait3A_712 : memref<1x1x64xi32, #tpu.memory_space<vmem>> -> memref<64xi32, #tpu.memory_space<vmem>>
      %dma_wait3A_714 = arith.constant 0 : i32
      %dma_wait3A_715 = arith.constant 0 : i32
      %dma_wait3A_716 = tpu.memref_slice %arg2[%dma_wait3A_714, %dma_wait3A_715] : memref<524288x128xf32, #tpu.memory_space<hbm>> -> memref<524288x128xf32, #tpu.memory_space<hbm>>
      tpu.wait_indirect_dma semaphore(%arg14 : memref<!tpu.dma_semaphore, #tpu.memory_space<semaphore_mem>>) src(%dma_wait3A_716 : memref<524288x128xf32, #tpu.memory_space<hbm>>) dst(%dma_wait3A_710 : memref<64x128xf32, #tpu.memory_space<vmem>>)
      %dma_wait3A_717 = arith.constant 1 : i32
      %dma_wait3A_718 = arith.constant 2 : i32
      %dma_wait3A_719 = arith.constant 1 : i32
      %dma_wait3A_720 = arith.constant 2 : i32
      %dma_wait3A_721 = arith.constant 0 : i32
      %dma_wait3A_722 = arith.constant 0 : i32
      %dma_wait3A_723 = tpu.memref_slice %arg11[%dma_wait3A_719, %dma_wait3A_720, %dma_wait3A_721, %dma_wait3A_722] : memref<2x4x64x128xf32, #tpu.memory_space<vmem>> -> memref<1x1x64x128xf32, #tpu.memory_space<vmem>>
      %dma_wait3A_724 = tpu.memref_squeeze %dma_wait3A_723 : memref<1x1x64x128xf32, #tpu.memory_space<vmem>> -> memref<64x128xf32, #tpu.memory_space<vmem>>
      %dma_wait3A_725 = arith.constant 0 : i32
      %dma_wait3A_726 = tpu.memref_slice %arg10[%dma_wait3A_717, %dma_wait3A_718, %dma_wait3A_725] : memref<2x4x64xi32, #tpu.memory_space<vmem>> -> memref<1x1x64xi32, #tpu.memory_space<vmem>>
      %dma_wait3A_727 = tpu.memref_squeeze %dma_wait3A_726 : memref<1x1x64xi32, #tpu.memory_space<vmem>> -> memref<64xi32, #tpu.memory_space<vmem>>
      %dma_wait3A_728 = arith.constant 0 : i32
      %dma_wait3A_729 = arith.constant 0 : i32
      %dma_wait3A_730 = tpu.memref_slice %arg2[%dma_wait3A_728, %dma_wait3A_729] : memref<524288x128xf32, #tpu.memory_space<hbm>> -> memref<524288x128xf32, #tpu.memory_space<hbm>>
      tpu.wait_indirect_dma semaphore(%arg14 : memref<!tpu.dma_semaphore, #tpu.memory_space<semaphore_mem>>) src(%dma_wait3A_730 : memref<524288x128xf32, #tpu.memory_space<hbm>>) dst(%dma_wait3A_724 : memref<64x128xf32, #tpu.memory_space<vmem>>)
      %dma_wait3A_731 = arith.constant 1 : i32
      %dma_wait3A_732 = arith.constant 3 : i32
      %dma_wait3A_733 = arith.constant 1 : i32
      %dma_wait3A_734 = arith.constant 3 : i32
      %dma_wait3A_735 = arith.constant 0 : i32
      %dma_wait3A_736 = arith.constant 0 : i32
      %dma_wait3A_737 = tpu.memref_slice %arg11[%dma_wait3A_733, %dma_wait3A_734, %dma_wait3A_735, %dma_wait3A_736] : memref<2x4x64x128xf32, #tpu.memory_space<vmem>> -> memref<1x1x64x128xf32, #tpu.memory_space<vmem>>
      %dma_wait3A_738 = tpu.memref_squeeze %dma_wait3A_737 : memref<1x1x64x128xf32, #tpu.memory_space<vmem>> -> memref<64x128xf32, #tpu.memory_space<vmem>>
      %dma_wait3A_739 = arith.constant 0 : i32
      %dma_wait3A_740 = tpu.memref_slice %arg10[%dma_wait3A_731, %dma_wait3A_732, %dma_wait3A_739] : memref<2x4x64xi32, #tpu.memory_space<vmem>> -> memref<1x1x64xi32, #tpu.memory_space<vmem>>
      %dma_wait3A_741 = tpu.memref_squeeze %dma_wait3A_740 : memref<1x1x64xi32, #tpu.memory_space<vmem>> -> memref<64xi32, #tpu.memory_space<vmem>>
      %dma_wait3A_742 = arith.constant 0 : i32
      %dma_wait3A_743 = arith.constant 0 : i32
      %dma_wait3A_744 = tpu.memref_slice %arg2[%dma_wait3A_742, %dma_wait3A_743] : memref<524288x128xf32, #tpu.memory_space<hbm>> -> memref<524288x128xf32, #tpu.memory_space<hbm>>
      tpu.wait_indirect_dma semaphore(%arg14 : memref<!tpu.dma_semaphore, #tpu.memory_space<semaphore_mem>>) src(%dma_wait3A_744 : memref<524288x128xf32, #tpu.memory_space<hbm>>) dst(%dma_wait3A_738 : memref<64x128xf32, #tpu.memory_space<vmem>>)
      %ge3A_745 = arith.constant 2 : i32
      %ge3A_746 = arith.cmpi sge, %add3A_674, %ge3A_745 : i32
      %convert_element_type3A_747 = arith.extui %ge3A_746 : i1 to i32
      %cond3A_748 = arith.constant 0 : i32
      %cond3A_749 = arith.cmpi ne, %convert_element_type3A_747, %cond3A_748 : i32
      scf.if %cond3A_749 {
        %dma_wait3A_772 = arith.constant 1 : i32
        %dma_wait3A_773 = arith.constant 0 : i32
        %dma_wait3A_774 = arith.constant 0 : i32
        %dma_wait3A_775 = tpu.memref_slice %arg12[%dma_wait3A_772, %dma_wait3A_773, %dma_wait3A_774] : memref<2x64x96xf32, #tpu.memory_space<vmem>> -> memref<1x64x96xf32, #tpu.memory_space<vmem>>
        %dma_wait3A_776 = tpu.memref_squeeze %dma_wait3A_775 : memref<1x64x96xf32, #tpu.memory_space<vmem>> -> memref<64x96xf32, #tpu.memory_space<vmem>>
        %dma_wait3A_777 = arith.constant 0 : i32
        %dma_wait3A_778 = tpu.memref_slice %arg5[%mul3A_2, %dma_wait3A_777] : memref<524288x96xf32, #tpu.memory_space<hbm>> -> memref<64x96xf32, #tpu.memory_space<hbm>>
        %dma_wait3A_779 = arith.constant 0 : i32
        %dma_wait3A_780 = tpu.memref_slice %arg5[%mul3A_2, %dma_wait3A_779] : memref<524288x96xf32, #tpu.memory_space<hbm>> -> memref<64x96xf32, #tpu.memory_space<hbm>>
        %dma_wait3A_781 = arith.constant 0 : i32
        %dma_wait3A_782 = arith.constant 0 : i32
        %dma_wait3A_783 = tpu.memref_slice %arg12[%dma_wait3A_772, %dma_wait3A_781, %dma_wait3A_782] : memref<2x64x96xf32, #tpu.memory_space<vmem>> -> memref<1x64x96xf32, #tpu.memory_space<vmem>>
        %dma_wait3A_784 = tpu.memref_squeeze %dma_wait3A_783 : memref<1x64x96xf32, #tpu.memory_space<vmem>> -> memref<64x96xf32, #tpu.memory_space<vmem>>
        tpu.wait_dma2 semaphore(%arg16 : memref<!tpu.dma_semaphore, #tpu.memory_space<semaphore_mem>>) src(%dma_wait3A_784 : memref<64x96xf32, #tpu.memory_space<vmem>>) dst(%dma_wait3A_780 : memref<64x96xf32, #tpu.memory_space<hbm>>)
      } else {
      }
      %mul3A_750 = arith.constant 64 : i32
      %mul3A_751 = arith.muli %add3A_674, %mul3A_750 : i32
      %add3A_752 = arith.addi %mul3A_2, %mul3A_751 : i32
      %scan3A_753 = arith.constant 0 : i32
      %scan3A_754 = arith.constant 0 : i32
      %scan3A_755 = arith.constant 64 : i32
      %scan3A_756 = arith.addi %scan3A_754, %scan3A_755 : i32
      %scan3A_757 = arith.constant 1 : i32
      scf.for %scan3A_772 = %scan3A_754 to %scan3A_756 step %scan3A_757  : i32 {
        %get3A_773 = arith.constant 1 : i32
        %get3A_774 = arith.index_cast %get3A_773 : i32 to index
        %get3A_775 = arith.index_cast %scan3A_772 : i32 to index
        %get3A_776 = tpu.vector_load %arg8[%get3A_774, %get3A_775] {strides = array<i32>} : memref<2x80xf32, #tpu.memory_space<vmem>>, vector<1x16xf32>,
        %get3A_777 = vector.shape_cast %get3A_776 : vector<1x16xf32> to vector<16xf32>
        %slice3A = vector.extract_strided_slice %get3A_777 {offsets = [0], sizes = [1], strides = [1]} : vector<16xf32> to vector<1xf32>
        %squeeze3A = vector.extract %slice3A[0] : f32 from vector<1xf32>
        %get3A_778 = arith.constant 1 : i32
        %get3A_779 = arith.index_cast %get3A_778 : i32 to index
        %get3A_780 = arith.index_cast %scan3A_772 : i32 to index
        %get3A_781 = tpu.vector_load %arg9[%get3A_779, %get3A_780] {strides = array<i32>} : memref<2x80xf32, #tpu.memory_space<vmem>>, vector<1x16xf32>,
        %get3A_782 = vector.shape_cast %get3A_781 : vector<1x16xf32> to vector<16xf32>
        %slice3A_783 = vector.extract_strided_slice %get3A_782 {offsets = [0], sizes = [1], strides = [1]} : vector<16xf32> to vector<1xf32>
        %squeeze3A_784 = vector.extract %slice3A_783[0] : f32 from vector<1xf32>
        %get3A_785 = arith.constant 1 : i32
        %get3A_786 = arith.constant 0 : i32
        %get3A_787 = arith.index_cast %get3A_785 : i32 to index
        %get3A_788 = arith.index_cast %get3A_786 : i32 to index
        %get3A_789 = arith.index_cast %scan3A_772 : i32 to index
        %get3A_790 = arith.constant 0 : index
        %get3A_791 = tpu.vector_load %arg11[%get3A_787, %get3A_788, %get3A_789, %get3A_790] {strides = array<i32>} : memref<2x4x64x128xf32, #tpu.memory_space<vmem>>, vector<1x1x1x16xf32>,
        %get3A_792 = vector.shape_cast %get3A_791 : vector<1x1x1x16xf32> to vector<16xf32>
        %get3A_793 = arith.constant 1 : i32
        %get3A_794 = arith.constant 1 : i32
        %get3A_795 = arith.index_cast %get3A_793 : i32 to index
        %get3A_796 = arith.index_cast %get3A_794 : i32 to index
        %get3A_797 = arith.index_cast %scan3A_772 : i32 to index
        %get3A_798 = arith.constant 0 : index
        %get3A_799 = tpu.vector_load %arg11[%get3A_795, %get3A_796, %get3A_797, %get3A_798] {strides = array<i32>} : memref<2x4x64x128xf32, #tpu.memory_space<vmem>>, vector<1x1x1x16xf32>,
        %get3A_800 = vector.shape_cast %get3A_799 : vector<1x1x1x16xf32> to vector<16xf32>
        %get3A_801 = arith.constant 1 : i32
        %get3A_802 = arith.constant 2 : i32
        %get3A_803 = arith.index_cast %get3A_801 : i32 to index
        %get3A_804 = arith.index_cast %get3A_802 : i32 to index
        %get3A_805 = arith.index_cast %scan3A_772 : i32 to index
        %get3A_806 = arith.constant 0 : index
        %get3A_807 = tpu.vector_load %arg11[%get3A_803, %get3A_804, %get3A_805, %get3A_806] {strides = array<i32>} : memref<2x4x64x128xf32, #tpu.memory_space<vmem>>, vector<1x1x1x16xf32>,
        %get3A_808 = vector.shape_cast %get3A_807 : vector<1x1x1x16xf32> to vector<16xf32>
        %get3A_809 = arith.constant 1 : i32
        %get3A_810 = arith.constant 3 : i32
        %get3A_811 = arith.index_cast %get3A_809 : i32 to index
        %get3A_812 = arith.index_cast %get3A_810 : i32 to index
        %get3A_813 = arith.index_cast %scan3A_772 : i32 to index
        %get3A_814 = arith.constant 0 : index
        %get3A_815 = tpu.vector_load %arg11[%get3A_811, %get3A_812, %get3A_813, %get3A_814] {strides = array<i32>} : memref<2x4x64x128xf32, #tpu.memory_space<vmem>>, vector<1x1x1x16xf32>,
        %get3A_816 = vector.shape_cast %get3A_815 : vector<1x1x1x16xf32> to vector<16xf32>
        %sub3A_817 = arith.subf %get3A_800, %get3A_792 : vector<16xf32>
        %mul3A_818 = vector.broadcast %squeeze3A : f32 to vector<16xf32>
        %mul3A_819 = arith.mulf %mul3A_818, %sub3A_817 : vector<16xf32>
        %add3A_820 = arith.addf %get3A_792, %mul3A_819 : vector<16xf32>
        %sub3A_821 = arith.subf %get3A_816, %get3A_808 : vector<16xf32>
        %mul3A_822 = vector.broadcast %squeeze3A : f32 to vector<16xf32>
        %mul3A_823 = arith.mulf %mul3A_822, %sub3A_821 : vector<16xf32>
        %add3A_824 = arith.addf %get3A_808, %mul3A_823 : vector<16xf32>
        %sub3A_825 = arith.subf %add3A_824, %add3A_820 : vector<16xf32>
        %mul3A_826 = vector.broadcast %squeeze3A_784 : f32 to vector<16xf32>
        %mul3A_827 = arith.mulf %mul3A_826, %sub3A_825 : vector<16xf32>
        %add3A_828 = arith.addf %add3A_820, %mul3A_827 : vector<16xf32>
        %swap3A_829 = arith.constant 1 : i32
        %swap3A_830 = arith.index_cast %swap3A_829 : i32 to index
        %swap3A_831 = arith.index_cast %scan3A_772 : i32 to index
        %swap3A_832 = arith.constant 0 : index
        %swap3A_833 = tpu.vector_load %arg12[%swap3A_830, %swap3A_831, %swap3A_832] {strides = array<i32>} : memref<2x64x96xf32, #tpu.memory_space<vmem>>, vector<1x1x16xf32>,
        %swap3A_834 = vector.shape_cast %swap3A_833 : vector<1x1x16xf32> to vector<16xf32>
        %swap3A_835 = vector.shape_cast %add3A_828 : vector<16xf32> to vector<1x1x16xf32>
        tpu.vector_store %arg12[%swap3A_830, %swap3A_831, %swap3A_832], %swap3A_835 {strides = array<i32>} : memref<2x64x96xf32, #tpu.memory_space<vmem>>, vector<1x1x16xf32>,
        %get3A_836 = arith.constant 1 : i32
        %get3A_837 = arith.constant 0 : i32
        %get3A_838 = arith.index_cast %get3A_836 : i32 to index
        %get3A_839 = arith.index_cast %get3A_837 : i32 to index
        %get3A_840 = arith.index_cast %scan3A_772 : i32 to index
        %get3A_841 = arith.constant 16 : index
        %get3A_842 = tpu.vector_load %arg11[%get3A_838, %get3A_839, %get3A_840, %get3A_841] {strides = array<i32>} : memref<2x4x64x128xf32, #tpu.memory_space<vmem>>, vector<1x1x1x16xf32>,
        %get3A_843 = vector.shape_cast %get3A_842 : vector<1x1x1x16xf32> to vector<16xf32>
        %get3A_844 = arith.constant 1 : i32
        %get3A_845 = arith.constant 1 : i32
        %get3A_846 = arith.index_cast %get3A_844 : i32 to index
        %get3A_847 = arith.index_cast %get3A_845 : i32 to index
        %get3A_848 = arith.index_cast %scan3A_772 : i32 to index
        %get3A_849 = arith.constant 16 : index
        %get3A_850 = tpu.vector_load %arg11[%get3A_846, %get3A_847, %get3A_848, %get3A_849] {strides = array<i32>} : memref<2x4x64x128xf32, #tpu.memory_space<vmem>>, vector<1x1x1x16xf32>,
        %get3A_851 = vector.shape_cast %get3A_850 : vector<1x1x1x16xf32> to vector<16xf32>
        %get3A_852 = arith.constant 1 : i32
        %get3A_853 = arith.constant 2 : i32
        %get3A_854 = arith.index_cast %get3A_852 : i32 to index
        %get3A_855 = arith.index_cast %get3A_853 : i32 to index
        %get3A_856 = arith.index_cast %scan3A_772 : i32 to index
        %get3A_857 = arith.constant 16 : index
        %get3A_858 = tpu.vector_load %arg11[%get3A_854, %get3A_855, %get3A_856, %get3A_857] {strides = array<i32>} : memref<2x4x64x128xf32, #tpu.memory_space<vmem>>, vector<1x1x1x16xf32>,
        %get3A_859 = vector.shape_cast %get3A_858 : vector<1x1x1x16xf32> to vector<16xf32>
        %get3A_860 = arith.constant 1 : i32
        %get3A_861 = arith.constant 3 : i32
        %get3A_862 = arith.index_cast %get3A_860 : i32 to index
        %get3A_863 = arith.index_cast %get3A_861 : i32 to index
        %get3A_864 = arith.index_cast %scan3A_772 : i32 to index
        %get3A_865 = arith.constant 16 : index
        %get3A_866 = tpu.vector_load %arg11[%get3A_862, %get3A_863, %get3A_864, %get3A_865] {strides = array<i32>} : memref<2x4x64x128xf32, #tpu.memory_space<vmem>>, vector<1x1x1x16xf32>,
        %get3A_867 = vector.shape_cast %get3A_866 : vector<1x1x1x16xf32> to vector<16xf32>
        %sub3A_868 = arith.subf %get3A_851, %get3A_843 : vector<16xf32>
        %mul3A_869 = vector.broadcast %squeeze3A : f32 to vector<16xf32>
        %mul3A_870 = arith.mulf %mul3A_869, %sub3A_868 : vector<16xf32>
        %add3A_871 = arith.addf %get3A_843, %mul3A_870 : vector<16xf32>
        %sub3A_872 = arith.subf %get3A_867, %get3A_859 : vector<16xf32>
        %mul3A_873 = vector.broadcast %squeeze3A : f32 to vector<16xf32>
        %mul3A_874 = arith.mulf %mul3A_873, %sub3A_872 : vector<16xf32>
        %add3A_875 = arith.addf %get3A_859, %mul3A_874 : vector<16xf32>
        %sub3A_876 = arith.subf %add3A_875, %add3A_871 : vector<16xf32>
        %mul3A_877 = vector.broadcast %squeeze3A_784 : f32 to vector<16xf32>
        %mul3A_878 = arith.mulf %mul3A_877, %sub3A_876 : vector<16xf32>
        %add3A_879 = arith.addf %add3A_871, %mul3A_878 : vector<16xf32>
        %swap3A_880 = arith.constant 1 : i32
        %swap3A_881 = arith.index_cast %swap3A_880 : i32 to index
        %swap3A_882 = arith.index_cast %scan3A_772 : i32 to index
        %swap3A_883 = arith.constant 16 : index
        %swap3A_884 = tpu.vector_load %arg12[%swap3A_881, %swap3A_882, %swap3A_883] {strides = array<i32>} : memref<2x64x96xf32, #tpu.memory_space<vmem>>, vector<1x1x16xf32>,
        %swap3A_885 = vector.shape_cast %swap3A_884 : vector<1x1x16xf32> to vector<16xf32>
        %swap3A_886 = vector.shape_cast %add3A_879 : vector<16xf32> to vector<1x1x16xf32>
        tpu.vector_store %arg12[%swap3A_881, %swap3A_882, %swap3A_883], %swap3A_886 {strides = array<i32>} : memref<2x64x96xf32, #tpu.memory_space<vmem>>, vector<1x1x16xf32>,
        %get3A_887 = arith.constant 1 : i32
        %get3A_888 = arith.constant 0 : i32
        %get3A_889 = arith.index_cast %get3A_887 : i32 to index
        %get3A_890 = arith.index_cast %get3A_888 : i32 to index
        %get3A_891 = arith.index_cast %scan3A_772 : i32 to index
        %get3A_892 = arith.constant 32 : index
        %get3A_893 = tpu.vector_load %arg11[%get3A_889, %get3A_890, %get3A_891, %get3A_892] {strides = array<i32>} : memref<2x4x64x128xf32, #tpu.memory_space<vmem>>, vector<1x1x1x16xf32>,
        %get3A_894 = vector.shape_cast %get3A_893 : vector<1x1x1x16xf32> to vector<16xf32>
        %get3A_895 = arith.constant 1 : i32
        %get3A_896 = arith.constant 1 : i32
        %get3A_897 = arith.index_cast %get3A_895 : i32 to index
        %get3A_898 = arith.index_cast %get3A_896 : i32 to index
        %get3A_899 = arith.index_cast %scan3A_772 : i32 to index
        %get3A_900 = arith.constant 32 : index
        %get3A_901 = tpu.vector_load %arg11[%get3A_897, %get3A_898, %get3A_899, %get3A_900] {strides = array<i32>} : memref<2x4x64x128xf32, #tpu.memory_space<vmem>>, vector<1x1x1x16xf32>,
        %get3A_902 = vector.shape_cast %get3A_901 : vector<1x1x1x16xf32> to vector<16xf32>
        %get3A_903 = arith.constant 1 : i32
        %get3A_904 = arith.constant 2 : i32
        %get3A_905 = arith.index_cast %get3A_903 : i32 to index
        %get3A_906 = arith.index_cast %get3A_904 : i32 to index
        %get3A_907 = arith.index_cast %scan3A_772 : i32 to index
        %get3A_908 = arith.constant 32 : index
        %get3A_909 = tpu.vector_load %arg11[%get3A_905, %get3A_906, %get3A_907, %get3A_908] {strides = array<i32>} : memref<2x4x64x128xf32, #tpu.memory_space<vmem>>, vector<1x1x1x16xf32>,
        %get3A_910 = vector.shape_cast %get3A_909 : vector<1x1x1x16xf32> to vector<16xf32>
        %get3A_911 = arith.constant 1 : i32
        %get3A_912 = arith.constant 3 : i32
        %get3A_913 = arith.index_cast %get3A_911 : i32 to index
        %get3A_914 = arith.index_cast %get3A_912 : i32 to index
        %get3A_915 = arith.index_cast %scan3A_772 : i32 to index
        %get3A_916 = arith.constant 32 : index
        %get3A_917 = tpu.vector_load %arg11[%get3A_913, %get3A_914, %get3A_915, %get3A_916] {strides = array<i32>} : memref<2x4x64x128xf32, #tpu.memory_space<vmem>>, vector<1x1x1x16xf32>,
        %get3A_918 = vector.shape_cast %get3A_917 : vector<1x1x1x16xf32> to vector<16xf32>
        %sub3A_919 = arith.subf %get3A_902, %get3A_894 : vector<16xf32>
        %mul3A_920 = vector.broadcast %squeeze3A : f32 to vector<16xf32>
        %mul3A_921 = arith.mulf %mul3A_920, %sub3A_919 : vector<16xf32>
        %add3A_922 = arith.addf %get3A_894, %mul3A_921 : vector<16xf32>
        %sub3A_923 = arith.subf %get3A_918, %get3A_910 : vector<16xf32>
        %mul3A_924 = vector.broadcast %squeeze3A : f32 to vector<16xf32>
        %mul3A_925 = arith.mulf %mul3A_924, %sub3A_923 : vector<16xf32>
        %add3A_926 = arith.addf %get3A_910, %mul3A_925 : vector<16xf32>
        %sub3A_927 = arith.subf %add3A_926, %add3A_922 : vector<16xf32>
        %mul3A_928 = vector.broadcast %squeeze3A_784 : f32 to vector<16xf32>
        %mul3A_929 = arith.mulf %mul3A_928, %sub3A_927 : vector<16xf32>
        %add3A_930 = arith.addf %add3A_922, %mul3A_929 : vector<16xf32>
        %swap3A_931 = arith.constant 1 : i32
        %swap3A_932 = arith.index_cast %swap3A_931 : i32 to index
        %swap3A_933 = arith.index_cast %scan3A_772 : i32 to index
        %swap3A_934 = arith.constant 32 : index
        %swap3A_935 = tpu.vector_load %arg12[%swap3A_932, %swap3A_933, %swap3A_934] {strides = array<i32>} : memref<2x64x96xf32, #tpu.memory_space<vmem>>, vector<1x1x16xf32>,
        %swap3A_936 = vector.shape_cast %swap3A_935 : vector<1x1x16xf32> to vector<16xf32>
        %swap3A_937 = vector.shape_cast %add3A_930 : vector<16xf32> to vector<1x1x16xf32>
        tpu.vector_store %arg12[%swap3A_932, %swap3A_933, %swap3A_934], %swap3A_937 {strides = array<i32>} : memref<2x64x96xf32, #tpu.memory_space<vmem>>, vector<1x1x16xf32>,
        %get3A_938 = arith.constant 1 : i32
        %get3A_939 = arith.constant 0 : i32
        %get3A_940 = arith.index_cast %get3A_938 : i32 to index
        %get3A_941 = arith.index_cast %get3A_939 : i32 to index
        %get3A_942 = arith.index_cast %scan3A_772 : i32 to index
        %get3A_943 = arith.constant 48 : index
        %get3A_944 = tpu.vector_load %arg11[%get3A_940, %get3A_941, %get3A_942, %get3A_943] {strides = array<i32>} : memref<2x4x64x128xf32, #tpu.memory_space<vmem>>, vector<1x1x1x16xf32>,
        %get3A_945 = vector.shape_cast %get3A_944 : vector<1x1x1x16xf32> to vector<16xf32>
        %get3A_946 = arith.constant 1 : i32
        %get3A_947 = arith.constant 1 : i32
        %get3A_948 = arith.index_cast %get3A_946 : i32 to index
        %get3A_949 = arith.index_cast %get3A_947 : i32 to index
        %get3A_950 = arith.index_cast %scan3A_772 : i32 to index
        %get3A_951 = arith.constant 48 : index
        %get3A_952 = tpu.vector_load %arg11[%get3A_948, %get3A_949, %get3A_950, %get3A_951] {strides = array<i32>} : memref<2x4x64x128xf32, #tpu.memory_space<vmem>>, vector<1x1x1x16xf32>,
        %get3A_953 = vector.shape_cast %get3A_952 : vector<1x1x1x16xf32> to vector<16xf32>
        %get3A_954 = arith.constant 1 : i32
        %get3A_955 = arith.constant 2 : i32
        %get3A_956 = arith.index_cast %get3A_954 : i32 to index
        %get3A_957 = arith.index_cast %get3A_955 : i32 to index
        %get3A_958 = arith.index_cast %scan3A_772 : i32 to index
        %get3A_959 = arith.constant 48 : index
        %get3A_960 = tpu.vector_load %arg11[%get3A_956, %get3A_957, %get3A_958, %get3A_959] {strides = array<i32>} : memref<2x4x64x128xf32, #tpu.memory_space<vmem>>, vector<1x1x1x16xf32>,
        %get3A_961 = vector.shape_cast %get3A_960 : vector<1x1x1x16xf32> to vector<16xf32>
        %get3A_962 = arith.constant 1 : i32
        %get3A_963 = arith.constant 3 : i32
        %get3A_964 = arith.index_cast %get3A_962 : i32 to index
        %get3A_965 = arith.index_cast %get3A_963 : i32 to index
        %get3A_966 = arith.index_cast %scan3A_772 : i32 to index
        %get3A_967 = arith.constant 48 : index
        %get3A_968 = tpu.vector_load %arg11[%get3A_964, %get3A_965, %get3A_966, %get3A_967] {strides = array<i32>} : memref<2x4x64x128xf32, #tpu.memory_space<vmem>>, vector<1x1x1x16xf32>,
        %get3A_969 = vector.shape_cast %get3A_968 : vector<1x1x1x16xf32> to vector<16xf32>
        %sub3A_970 = arith.subf %get3A_953, %get3A_945 : vector<16xf32>
        %mul3A_971 = vector.broadcast %squeeze3A : f32 to vector<16xf32>
        %mul3A_972 = arith.mulf %mul3A_971, %sub3A_970 : vector<16xf32>
        %add3A_973 = arith.addf %get3A_945, %mul3A_972 : vector<16xf32>
        %sub3A_974 = arith.subf %get3A_969, %get3A_961 : vector<16xf32>
        %mul3A_975 = vector.broadcast %squeeze3A : f32 to vector<16xf32>
        %mul3A_976 = arith.mulf %mul3A_975, %sub3A_974 : vector<16xf32>
        %add3A_977 = arith.addf %get3A_961, %mul3A_976 : vector<16xf32>
        %sub3A_978 = arith.subf %add3A_977, %add3A_973 : vector<16xf32>
        %mul3A_979 = vector.broadcast %squeeze3A_784 : f32 to vector<16xf32>
        %mul3A_980 = arith.mulf %mul3A_979, %sub3A_978 : vector<16xf32>
        %add3A_981 = arith.addf %add3A_973, %mul3A_980 : vector<16xf32>
        %swap3A_982 = arith.constant 1 : i32
        %swap3A_983 = arith.index_cast %swap3A_982 : i32 to index
        %swap3A_984 = arith.index_cast %scan3A_772 : i32 to index
        %swap3A_985 = arith.constant 48 : index
        %swap3A_986 = tpu.vector_load %arg12[%swap3A_983, %swap3A_984, %swap3A_985] {strides = array<i32>} : memref<2x64x96xf32, #tpu.memory_space<vmem>>, vector<1x1x16xf32>,
        %swap3A_987 = vector.shape_cast %swap3A_986 : vector<1x1x16xf32> to vector<16xf32>
        %swap3A_988 = vector.shape_cast %add3A_981 : vector<16xf32> to vector<1x1x16xf32>
        tpu.vector_store %arg12[%swap3A_983, %swap3A_984, %swap3A_985], %swap3A_988 {strides = array<i32>} : memref<2x64x96xf32, #tpu.memory_space<vmem>>, vector<1x1x16xf32>,
        %get3A_989 = arith.constant 1 : i32
        %get3A_990 = arith.constant 0 : i32
        %get3A_991 = arith.index_cast %get3A_989 : i32 to index
        %get3A_992 = arith.index_cast %get3A_990 : i32 to index
        %get3A_993 = arith.index_cast %scan3A_772 : i32 to index
        %get3A_994 = arith.constant 64 : index
        %get3A_995 = tpu.vector_load %arg11[%get3A_991, %get3A_992, %get3A_993, %get3A_994] {strides = array<i32>} : memref<2x4x64x128xf32, #tpu.memory_space<vmem>>, vector<1x1x1x16xf32>,
        %get3A_996 = vector.shape_cast %get3A_995 : vector<1x1x1x16xf32> to vector<16xf32>
        %get3A_997 = arith.constant 1 : i32
        %get3A_998 = arith.constant 1 : i32
        %get3A_999 = arith.index_cast %get3A_997 : i32 to index
        %get3A_1000 = arith.index_cast %get3A_998 : i32 to index
        %get3A_1001 = arith.index_cast %scan3A_772 : i32 to index
        %get3A_1002 = arith.constant 64 : index
        %get3A_1003 = tpu.vector_load %arg11[%get3A_999, %get3A_1000, %get3A_1001, %get3A_1002] {strides = array<i32>} : memref<2x4x64x128xf32, #tpu.memory_space<vmem>>, vector<1x1x1x16xf32>,
        %get3A_1004 = vector.shape_cast %get3A_1003 : vector<1x1x1x16xf32> to vector<16xf32>
        %get3A_1005 = arith.constant 1 : i32
        %get3A_1006 = arith.constant 2 : i32
        %get3A_1007 = arith.index_cast %get3A_1005 : i32 to index
        %get3A_1008 = arith.index_cast %get3A_1006 : i32 to index
        %get3A_1009 = arith.index_cast %scan3A_772 : i32 to index
        %get3A_1010 = arith.constant 64 : index
        %get3A_1011 = tpu.vector_load %arg11[%get3A_1007, %get3A_1008, %get3A_1009, %get3A_1010] {strides = array<i32>} : memref<2x4x64x128xf32, #tpu.memory_space<vmem>>, vector<1x1x1x16xf32>,
        %get3A_1012 = vector.shape_cast %get3A_1011 : vector<1x1x1x16xf32> to vector<16xf32>
        %get3A_1013 = arith.constant 1 : i32
        %get3A_1014 = arith.constant 3 : i32
        %get3A_1015 = arith.index_cast %get3A_1013 : i32 to index
        %get3A_1016 = arith.index_cast %get3A_1014 : i32 to index
        %get3A_1017 = arith.index_cast %scan3A_772 : i32 to index
        %get3A_1018 = arith.constant 64 : index
        %get3A_1019 = tpu.vector_load %arg11[%get3A_1015, %get3A_1016, %get3A_1017, %get3A_1018] {strides = array<i32>} : memref<2x4x64x128xf32, #tpu.memory_space<vmem>>, vector<1x1x1x16xf32>,
        %get3A_1020 = vector.shape_cast %get3A_1019 : vector<1x1x1x16xf32> to vector<16xf32>
        %sub3A_1021 = arith.subf %get3A_1004, %get3A_996 : vector<16xf32>
        %mul3A_1022 = vector.broadcast %squeeze3A : f32 to vector<16xf32>
        %mul3A_1023 = arith.mulf %mul3A_1022, %sub3A_1021 : vector<16xf32>
        %add3A_1024 = arith.addf %get3A_996, %mul3A_1023 : vector<16xf32>
        %sub3A_1025 = arith.subf %get3A_1020, %get3A_1012 : vector<16xf32>
        %mul3A_1026 = vector.broadcast %squeeze3A : f32 to vector<16xf32>
        %mul3A_1027 = arith.mulf %mul3A_1026, %sub3A_1025 : vector<16xf32>
        %add3A_1028 = arith.addf %get3A_1012, %mul3A_1027 : vector<16xf32>
        %sub3A_1029 = arith.subf %add3A_1028, %add3A_1024 : vector<16xf32>
        %mul3A_1030 = vector.broadcast %squeeze3A_784 : f32 to vector<16xf32>
        %mul3A_1031 = arith.mulf %mul3A_1030, %sub3A_1029 : vector<16xf32>
        %add3A_1032 = arith.addf %add3A_1024, %mul3A_1031 : vector<16xf32>
        %swap3A_1033 = arith.constant 1 : i32
        %swap3A_1034 = arith.index_cast %swap3A_1033 : i32 to index
        %swap3A_1035 = arith.index_cast %scan3A_772 : i32 to index
        %swap3A_1036 = arith.constant 64 : index
        %swap3A_1037 = tpu.vector_load %arg12[%swap3A_1034, %swap3A_1035, %swap3A_1036] {strides = array<i32>} : memref<2x64x96xf32, #tpu.memory_space<vmem>>, vector<1x1x16xf32>,
        %swap3A_1038 = vector.shape_cast %swap3A_1037 : vector<1x1x16xf32> to vector<16xf32>
        %swap3A_1039 = vector.shape_cast %add3A_1032 : vector<16xf32> to vector<1x1x16xf32>
        tpu.vector_store %arg12[%swap3A_1034, %swap3A_1035, %swap3A_1036], %swap3A_1039 {strides = array<i32>} : memref<2x64x96xf32, #tpu.memory_space<vmem>>, vector<1x1x16xf32>,
        %get3A_1040 = arith.constant 1 : i32
        %get3A_1041 = arith.constant 0 : i32
        %get3A_1042 = arith.index_cast %get3A_1040 : i32 to index
        %get3A_1043 = arith.index_cast %get3A_1041 : i32 to index
        %get3A_1044 = arith.index_cast %scan3A_772 : i32 to index
        %get3A_1045 = arith.constant 80 : index
        %get3A_1046 = tpu.vector_load %arg11[%get3A_1042, %get3A_1043, %get3A_1044, %get3A_1045] {strides = array<i32>} : memref<2x4x64x128xf32, #tpu.memory_space<vmem>>, vector<1x1x1x16xf32>,
        %get3A_1047 = vector.shape_cast %get3A_1046 : vector<1x1x1x16xf32> to vector<16xf32>
        %get3A_1048 = arith.constant 1 : i32
        %get3A_1049 = arith.constant 1 : i32
        %get3A_1050 = arith.index_cast %get3A_1048 : i32 to index
        %get3A_1051 = arith.index_cast %get3A_1049 : i32 to index
        %get3A_1052 = arith.index_cast %scan3A_772 : i32 to index
        %get3A_1053 = arith.constant 80 : index
        %get3A_1054 = tpu.vector_load %arg11[%get3A_1050, %get3A_1051, %get3A_1052, %get3A_1053] {strides = array<i32>} : memref<2x4x64x128xf32, #tpu.memory_space<vmem>>, vector<1x1x1x16xf32>,
        %get3A_1055 = vector.shape_cast %get3A_1054 : vector<1x1x1x16xf32> to vector<16xf32>
        %get3A_1056 = arith.constant 1 : i32
        %get3A_1057 = arith.constant 2 : i32
        %get3A_1058 = arith.index_cast %get3A_1056 : i32 to index
        %get3A_1059 = arith.index_cast %get3A_1057 : i32 to index
        %get3A_1060 = arith.index_cast %scan3A_772 : i32 to index
        %get3A_1061 = arith.constant 80 : index
        %get3A_1062 = tpu.vector_load %arg11[%get3A_1058, %get3A_1059, %get3A_1060, %get3A_1061] {strides = array<i32>} : memref<2x4x64x128xf32, #tpu.memory_space<vmem>>, vector<1x1x1x16xf32>,
        %get3A_1063 = vector.shape_cast %get3A_1062 : vector<1x1x1x16xf32> to vector<16xf32>
        %get3A_1064 = arith.constant 1 : i32
        %get3A_1065 = arith.constant 3 : i32
        %get3A_1066 = arith.index_cast %get3A_1064 : i32 to index
        %get3A_1067 = arith.index_cast %get3A_1065 : i32 to index
        %get3A_1068 = arith.index_cast %scan3A_772 : i32 to index
        %get3A_1069 = arith.constant 80 : index
        %get3A_1070 = tpu.vector_load %arg11[%get3A_1066, %get3A_1067, %get3A_1068, %get3A_1069] {strides = array<i32>} : memref<2x4x64x128xf32, #tpu.memory_space<vmem>>, vector<1x1x1x16xf32>,
        %get3A_1071 = vector.shape_cast %get3A_1070 : vector<1x1x1x16xf32> to vector<16xf32>
        %sub3A_1072 = arith.subf %get3A_1055, %get3A_1047 : vector<16xf32>
        %mul3A_1073 = vector.broadcast %squeeze3A : f32 to vector<16xf32>
        %mul3A_1074 = arith.mulf %mul3A_1073, %sub3A_1072 : vector<16xf32>
        %add3A_1075 = arith.addf %get3A_1047, %mul3A_1074 : vector<16xf32>
        %sub3A_1076 = arith.subf %get3A_1071, %get3A_1063 : vector<16xf32>
        %mul3A_1077 = vector.broadcast %squeeze3A : f32 to vector<16xf32>
        %mul3A_1078 = arith.mulf %mul3A_1077, %sub3A_1076 : vector<16xf32>
        %add3A_1079 = arith.addf %get3A_1063, %mul3A_1078 : vector<16xf32>
        %sub3A_1080 = arith.subf %add3A_1079, %add3A_1075 : vector<16xf32>
        %mul3A_1081 = vector.broadcast %squeeze3A_784 : f32 to vector<16xf32>
        %mul3A_1082 = arith.mulf %mul3A_1081, %sub3A_1080 : vector<16xf32>
        %add3A_1083 = arith.addf %add3A_1075, %mul3A_1082 : vector<16xf32>
        %swap3A_1084 = arith.constant 1 : i32
        %swap3A_1085 = arith.index_cast %swap3A_1084 : i32 to index
        %swap3A_1086 = arith.index_cast %scan3A_772 : i32 to index
        %swap3A_1087 = arith.constant 80 : index
        %swap3A_1088 = tpu.vector_load %arg12[%swap3A_1085, %swap3A_1086, %swap3A_1087] {strides = array<i32>} : memref<2x64x96xf32, #tpu.memory_space<vmem>>, vector<1x1x16xf32>,
        %swap3A_1089 = vector.shape_cast %swap3A_1088 : vector<1x1x16xf32> to vector<16xf32>
        %swap3A_1090 = vector.shape_cast %add3A_1083 : vector<16xf32> to vector<1x1x16xf32>
        tpu.vector_store %arg12[%swap3A_1085, %swap3A_1086, %swap3A_1087], %swap3A_1090 {strides = array<i32>} : memref<2x64x96xf32, #tpu.memory_space<vmem>>, vector<1x1x16xf32>,
      }
      %scan3A_758 = arith.constant 64 : i32
      %dma_start3A_759 = arith.constant 1 : i32
      %dma_start3A_760 = arith.constant 0 : i32
      %dma_start3A_761 = arith.constant 0 : i32
      %dma_start3A_762 = tpu.memref_slice %arg12[%dma_start3A_759, %dma_start3A_760, %dma_start3A_761] : memref<2x64x96xf32, #tpu.memory_space<vmem>> -> memref<1x64x96xf32, #tpu.memory_space<vmem>>
      %dma_start3A_763 = tpu.memref_squeeze %dma_start3A_762 : memref<1x64x96xf32, #tpu.memory_space<vmem>> -> memref<64x96xf32, #tpu.memory_space<vmem>>
      %dma_start3A_764 = arith.constant 0 : i32
      %dma_start3A_765 = tpu.memref_slice %arg5[%add3A_752, %dma_start3A_764] : memref<524288x96xf32, #tpu.memory_space<hbm>> -> memref<64x96xf32, #tpu.memory_space<hbm>>
      %dma_start3A_766 = arith.constant 0 : i32
      %dma_start3A_767 = tpu.memref_slice %arg5[%add3A_752, %dma_start3A_766] : memref<524288x96xf32, #tpu.memory_space<hbm>> -> memref<64x96xf32, #tpu.memory_space<hbm>>
      %dma_start3A_768 = arith.constant 0 : i32
      %dma_start3A_769 = arith.constant 0 : i32
      %dma_start3A_770 = tpu.memref_slice %arg12[%dma_start3A_759, %dma_start3A_768, %dma_start3A_769] : memref<2x64x96xf32, #tpu.memory_space<vmem>> -> memref<1x64x96xf32, #tpu.memory_space<vmem>>
      %dma_start3A_771 = tpu.memref_squeeze %dma_start3A_770 : memref<1x64x96xf32, #tpu.memory_space<vmem>> -> memref<64x96xf32, #tpu.memory_space<vmem>>
      tpu.enqueue_dma source(%dma_start3A_771 : memref<64x96xf32, #tpu.memory_space<vmem>>) target(%dma_start3A_767 : memref<64x96xf32, #tpu.memory_space<hbm>>) target_semaphore(%arg16 : memref<!tpu.dma_semaphore, #tpu.memory_space<semaphore_mem>>)
    }
    %scan3A_545 = arith.constant 128 : i32
    %dma_wait3A_546 = arith.constant 0 : i32
    %dma_wait3A_547 = arith.constant 0 : i32
    %dma_wait3A_548 = arith.constant 0 : i32
    %dma_wait3A_549 = tpu.memref_slice %arg12[%dma_wait3A_546, %dma_wait3A_547, %dma_wait3A_548] : memref<2x64x96xf32, #tpu.memory_space<vmem>> -> memref<1x64x96xf32, #tpu.memory_space<vmem>>
    %dma_wait3A_550 = tpu.memref_squeeze %dma_wait3A_549 : memref<1x64x96xf32, #tpu.memory_space<vmem>> -> memref<64x96xf32, #tpu.memory_space<vmem>>
    %dma_wait3A_551 = arith.constant 0 : i32
    %dma_wait3A_552 = tpu.memref_slice %arg5[%mul3A_2, %dma_wait3A_551] : memref<524288x96xf32, #tpu.memory_space<hbm>> -> memref<64x96xf32, #tpu.memory_space<hbm>>
    %dma_wait3A_553 = arith.constant 0 : i32
    %dma_wait3A_554 = tpu.memref_slice %arg5[%mul3A_2, %dma_wait3A_553] : memref<524288x96xf32, #tpu.memory_space<hbm>> -> memref<64x96xf32, #tpu.memory_space<hbm>>
    %dma_wait3A_555 = arith.constant 0 : i32
    %dma_wait3A_556 = arith.constant 0 : i32
    %dma_wait3A_557 = tpu.memref_slice %arg12[%dma_wait3A_546, %dma_wait3A_555, %dma_wait3A_556] : memref<2x64x96xf32, #tpu.memory_space<vmem>> -> memref<1x64x96xf32, #tpu.memory_space<vmem>>
    %dma_wait3A_558 = tpu.memref_squeeze %dma_wait3A_557 : memref<1x64x96xf32, #tpu.memory_space<vmem>> -> memref<64x96xf32, #tpu.memory_space<vmem>>
    tpu.wait_dma2 semaphore(%arg15 : memref<!tpu.dma_semaphore, #tpu.memory_space<semaphore_mem>>) src(%dma_wait3A_558 : memref<64x96xf32, #tpu.memory_space<vmem>>) dst(%dma_wait3A_554 : memref<64x96xf32, #tpu.memory_space<hbm>>)
    %dma_wait3A_559 = arith.constant 1 : i32
    %dma_wait3A_560 = arith.constant 0 : i32
    %dma_wait3A_561 = arith.constant 0 : i32
    %dma_wait3A_562 = tpu.memref_slice %arg12[%dma_wait3A_559, %dma_wait3A_560, %dma_wait3A_561] : memref<2x64x96xf32, #tpu.memory_space<vmem>> -> memref<1x64x96xf32, #tpu.memory_space<vmem>>
    %dma_wait3A_563 = tpu.memref_squeeze %dma_wait3A_562 : memref<1x64x96xf32, #tpu.memory_space<vmem>> -> memref<64x96xf32, #tpu.memory_space<vmem>>
    %dma_wait3A_564 = arith.constant 0 : i32
    %dma_wait3A_565 = tpu.memref_slice %arg5[%mul3A_2, %dma_wait3A_564] : memref<524288x96xf32, #tpu.memory_space<hbm>> -> memref<64x96xf32, #tpu.memory_space<hbm>>
    %dma_wait3A_566 = arith.constant 0 : i32
    %dma_wait3A_567 = tpu.memref_slice %arg5[%mul3A_2, %dma_wait3A_566] : memref<524288x96xf32, #tpu.memory_space<hbm>> -> memref<64x96xf32, #tpu.memory_space<hbm>>
    %dma_wait3A_568 = arith.constant 0 : i32
    %dma_wait3A_569 = arith.constant 0 : i32
    %dma_wait3A_570 = tpu.memref_slice %arg12[%dma_wait3A_559, %dma_wait3A_568, %dma_wait3A_569] : memref<2x64x96xf32, #tpu.memory_space<vmem>> -> memref<1x64x96xf32, #tpu.memory_space<vmem>>
    %dma_wait3A_571 = tpu.memref_squeeze %dma_wait3A_570 : memref<1x64x96xf32, #tpu.memory_space<vmem>> -> memref<64x96xf32, #tpu.memory_space<vmem>>
    tpu.wait_dma2 semaphore(%arg16 : memref<!tpu.dma_semaphore, #tpu.memory_space<semaphore_mem>>) src(%dma_wait3A_571 : memref<64x96xf32, #tpu.memory_space<vmem>>) dst(%dma_wait3A_567 : memref<64x96xf32, #tpu.memory_space<hbm>>)
    return
  }
}

</mosaic_0001>

<sc_bundles>
// kernel: kernel.3.cloned.1.call-start
scs
__scs_entry_jumppad:
0x0: {  	(pc) =	sbr.rel $0x88, $3  }
0x1: {  	(tag) =	ssettag $0x0;
	lr =	simm.s32 $0x1  }
0x2: {  	[smem:$0x3F9F] =	sst lr;
	_ =	strace $0xD0000000  }
0x3: {  	_ = 	snop  }
0x4: {  	_ = 	snop  }
0x5: {  	_ = 	snop  }
0x6: {  	_ = 	snop  }
0x7: {  	_ = 	snop  }
__scs_overlays_trampoline_lowered:
0x8: {  	[smem:$0x3FAE] =	sst s0  }
0x9: {  	[smem:$0x3FAF] =	sst s1  }
0xa: {  	[smem:$0x3FB0] =	sst s2  }
0xb: {  	[smem:$0x3FB1] =	sst s3  }
0xc: {  	[smem:$0x3FB2] =	sst s4  }
0xd: {  	[smem:$0x3FB3] =	sst s5  }
0xe: {  	[smem:$0x3FB4] =	sst s6  }
0xf: {  	[smem:$0x3FB5] =	sst s7  }
0x10: {  	[smem:$0x3FB6] =	sst s8  }
0x11: {  	[smem:$0x3FB7] =	sst s9;
	s0 =	simm.s32 @!p0 $0x0  }
0x12: {  	s1 =	sld [smem:$0x3F9D];
	s0 =	simm.s32 @p0 $0x1  }
0x13: {  	[smem:$0x3FB8] =	sst s0;
	s0 =	simm.s32 @!p1 $0x0  }
0x14: {  	s2 =	sld [smem:$0x3F9C];
	s0 =	simm.s32 @p1 $0x1  }
0x15: {  	[smem:$0x3FB9] =	sst s0;
	s0 =	simm.s32 @!p2 $0x0  }
0x16: {  	s3 =	sld [smem:$0x3FDB];
	s0 =	simm.s32 @p2 $0x1  }
0x17: {  	s4 =	simm.s32 $0x1BF5;
	[smem:$0x3FBB] =	sst s0  }
0x18: {  	s0 =	sld [smem:$0x3F9E];
	_ =	swait.ge [sflag:s4], $0x0  }
0x19: {  	s7 =	sld [smem:$0x3F9F]  }
0x1a: {  	s8 =	sadd.s32 $0xFFFFE003, lr  }
0x1b: {  	s9 =	sadd.s32 $0xFFFFFEF7, lr;
	s5 =	simm.s32 $0xFFFFFFFF;
	p2 =	slt.u32 s8, $0xFFFFF086  }
0x1c: {  	p1 =	slt.u32 s9, $0xF7A;
	s5 =	simm.s32 @!p2 $0x0  }
0x1d: {  	s5 =	simm.s32 @p1 $0x1;
	p0 =	seq.s32 s7, s2  }
0x1e: {  	s7 =	smul.u32 @!p0 $0xF7A, s2;
	p2 =	seq.s32 @!p0 s5, $0x0  }
0x1f: {  	s9 =	smul.u32 $0xF7A, s1;
	s8 =	simm.s32 @!p0 $0x1BF5;
	p2 =	por !p2, p0  }
0x20: {  	[sflag:s8] =	ssyncset.s32 @!p0 $0xFFFFF086;
	s6 =	sadd.s32 @!p0 s3, s7;
	s7 =	simm.s32 @!p0 $0x108  }
0x21: {  	s3 =	sadd.s32 s3, s9;
	s6 =	sadd.s32 @!p0 $0x88, s6;
	s7 =	simm.s32 @p2 $0x1082  }
0x22: {  	[simem:s7], [sflag:s8] =	dma.local @!p0 [hbm:s6], $0xF7A  }
0x23: {  	s9 =	sor.u32 $0xD0000000, s2;
	s6 =	simm.s32 $0x108;
	_ =	swait.ge @!p0 [sflag:s8], $0x0  }
0x24: {  	s3 =	sadd.s32 $0x88, s3;
	s6 =	simm.s32 @!p1 $0x1082;
	[sflag:s4] =	ssyncset.s32 $0xFFFFF086  }
0x25: {  	[simem:s6], [sflag:s4] =	dma.local [hbm:s3], $0xF7A  }
0x26: {  	[smem:$0x3F9F] =	sst s1;
	(tag) =	ssettag s2;
	_ =	strace s9  }
0x27: {  	s1 =	sld [smem:$0x3FAF]  }
0x28: {  	s2 =	sld [smem:$0x3FB0]  }
0x29: {  	s4 =	sld [smem:$0x3FB2]  }
0x2a: {  	p0 =	seq.s32 s5, $0x0;
	s5 =	sld [smem:$0x3FB3]  }
0x2b: {  	s6 =	sld [smem:$0x3FB4]  }
0x2c: {  	s7 =	sld [smem:$0x3FB5]  }
0x2d: {  	s3 =	simm.s32 $0x108;
	s8 =	sld [smem:$0x3FB6]  }
0x2e: {  	s3 =	simm.s32 @!p0 $0x1082;
	s9 =	sld [smem:$0x3FB7]  }
0x2f: {  	lr =	sadd.s32 s0, s3;
	s0 =	sld [smem:$0x3FAE]  }
0x30: {  	s3 =	sld [smem:$0x3FB1]  }
0x31: {  	[smem:$0x3FBA] =	sst s10  }
0x32: {  	s10 =	sld [smem:$0x3FB8];
	_ =	sdelay $0x3  }
0x33: {  	p0 =	seq.s32 s10, $0x1;
	s10 =	sld [smem:$0x3FBA];
	_ =	sdelay $0x3  }
0x34: {  	[smem:$0x3FBA] =	sst s10  }
0x35: {  	s10 =	sld [smem:$0x3FB9];
	_ =	sdelay $0x3  }
0x36: {  	p1 =	seq.s32 s10, $0x1;
	s10 =	sld [smem:$0x3FBA];
	_ =	sdelay $0x3  }
0x37: {  	[smem:$0x3FBA] =	sst s10  }
0x38: {  	s10 =	sld [smem:$0x3FBB]  }
0x39: {  	_ = 	snop;
	(pc) =	sbr.ind lr, $3  }
0x3a: {  	_ = 	snop  }
0x3b: {  	_ = 	snop  }
0x3c: {  	p2 =	seq.s32 s10, $0x1;
	s10 =	sld [smem:$0x3FBA]  }
0x3d: {  	_ =	shalt  }
0x3e: {  	_ =	shalt  }
0x3f: {  	_ =	shalt  }
0x40: {  	_ =	shalt  }
0x41: {  	_ =	shalt  }
0x42: {  	_ =	shalt  }
0x43: {  	_ =	shalt  }
0x44: {  	_ =	shalt  }
0x45: {  	_ =	shalt  }
0x46: {  	_ =	shalt  }
0x47: {  	_ =	shalt  }
0x48: {  	_ =	shalt  }
0x49: {  	_ =	shalt  }
0x4a: {  	_ =	shalt  }
0x4b: {  	_ =	shalt  }
0x4c: {  	_ =	shalt  }
0x4d: {  	_ =	shalt  }
0x4e: {  	_ =	shalt  }
0x4f: {  	_ =	shalt  }
0x50: {  	_ =	shalt  }
0x51: {  	_ =	shalt  }
0x52: {  	_ =	shalt  }
0x53: {  	_ =	shalt  }
0x54: {  	_ =	shalt  }
0x55: {  	_ =	shalt  }
0x56: {  	_ =	shalt  }
0x57: {  	_ =	shalt  }
0x58: {  	_ =	shalt  }
0x59: {  	_ =	shalt  }
0x5a: {  	_ =	shalt  }
0x5b: {  	_ =	shalt  }
0x5c: {  	_ =	shalt  }
0x5d: {  	_ =	shalt  }
0x5e: {  	_ =	shalt  }
0x5f: {  	_ =	shalt  }
0x60: {  	_ =	shalt  }
0x61: {  	_ =	shalt  }
0x62: {  	_ =	shalt  }
0x63: {  	_ =	shalt  }
0x64: {  	_ =	shalt  }
0x65: {  	_ =	shalt  }
0x66: {  	_ =	shalt  }
0x67: {  	_ =	shalt  }
0x68: {  	_ =	shalt  }
0x69: {  	_ =	shalt  }
0x6a: {  	_ =	shalt  }
0x6b: {  	_ =	shalt  }
0x6c: {  	_ =	shalt  }
0x6d: {  	_ =	shalt  }
0x6e: {  	_ =	shalt  }
0x6f: {  	_ =	shalt  }
0x70: {  	_ =	shalt  }
0x71: {  	_ =	shalt  }
0x72: {  	_ =	shalt  }
0x73: {  	_ =	shalt  }
0x74: {  	_ =	shalt  }
0x75: {  	_ =	shalt  }
0x76: {  	_ =	shalt  }
0x77: {  	_ =	shalt  }
0x78: {  	_ =	shalt  }
0x79: {  	_ =	shalt  }
0x7a: {  	_ =	shalt  }
0x7b: {  	_ =	shalt  }
0x7c: {  	_ =	shalt  }
0x7d: {  	_ =	shalt  }
0x7e: {  	_ =	shalt  }
0x7f: {  	_ =	shalt  }
0x80: {  	_ =	shalt  }
0x81: {  	_ =	shalt  }
0x82: {  	_ =	shalt  }
0x83: {  	_ =	shalt  }
0x84: {  	_ =	shalt  }
0x85: {  	_ =	shalt  }
0x86: {  	_ =	shalt  }
0x87: {  	_ =	shalt  }
.Lfunc_end0:
.L_simem_size_0:
called_computation.1_lowered:
.L_overlay_start_0:
0x88: {  	s2 =	sld [smem:$0x3FD9]  }
0x89: {  	s3 =	sld [smem:$0x3FFE];
	_ =	sdelay $0x1  }
0x8a: {  	s1 =	srdreg.scid  }
0x8b: {  	s0 =	sand.u32 $0x1, s1  }
0x8c: {  	s17 =	sshll.u32 s0, $0xA;
	s2 =	sadd.s32 s3, s2  }
0x8d: {  	s2 =	sadd.s32 s2, s17  }
0x8e: {  	[smem:$0x3FC6] =	sst s2  }
0x8f: {  	_ = 	snop  }
0x90: {  	s2 =	sld [smem:$0x3FD0];
	(tm) =	ssettm $0x1  }
0x91: {  	s18 =	sld [smem:$0x3FFB];
	_ =	sdelay $0x3  }
0x92: {  	_ =	strace s18  }
0x93: {  	s3 =	sld [smem:$0x3FFC];
	_ =	sdelay $0x3  }
0x94: {  	_ =	strace s3  }
0x95: {  	s3 =	sld [smem:$0x3FFD];
	_ =	sdelay $0x3  }
0x96: {  	_ =	strace s3  }
0x97: {  	_ =	strace $0x8FFFFFFF  }
0x98: {  	s19 =	sld [smem:$0x3FDB];
	_ =	sdelay $0x1  }
0x99: {  	s4 =	simm.s32 $_scs_section_size  }
0x9a: {  	s5 =	simm.s32 $_size__tile_overlayer_lowered;
	s6 =	simm.s32 $_tile_overlayer_lowered  }
0x9b: {  	s22 =	simm.s32 $0x1BFF;
	s21 =	sshll.u32 s6, $0x1;
	s3 =	sadd.s32 s4, s19  }
0x9c: {  	s7 =	simm.s32 $0x0;
	s20 =	sshll.u32 s5, $0x1;
	s5 =	sadd.s32 s21, s3  }
0x9d: {  	[timem:s7], [sflag:s22] =	dma.local [hbm:s5], s20  }
0x9e: {  	_ =	swait.ge [sflag:s22], s20  }
0x9f: {  	s4 =	ssub.s32 $0x0, s20;
	[sflag:s22] =	ssyncset.done $0x0  }
0xa0: {  	[sflag:s22] =	ssyncadd.s32 s4;
	_ =	sdelay $0x1  }
0xa1: {  	s23 =	simm.s32 $0x1B8B  }
0xa2: {  	_ =	swait.ge [sflag:s23], $0x1  }
0xa3: {  	[sflag:s23] =	ssyncset.done $0x0  }
0xa4: {  	s25 =	simm.s32 $0x1B8E;
	s24 =	sld [smem:$0x3FFE];
	[sflag:s23] =	ssyncadd.s32 $0xFFFFFFFF  }
0xa5: {  	s26 =	simm.s32 $execute0_lowered;
	[smem:$0x3FD2] =	sst s25  }
0xa6: {  	s5 =	sshll.u32 s26, $0x1;
	_ =	strace $0x80000046;
	[dreg:$0x1] =	wrdreg $0xFFFFFFFF  }
0xa7: {  	s28 =	simm.s32 $_size_execute0_lowered;
	s3 =	sadd.s32 s3, s5;
	[dreg:$0x0] =	wrdreg $0x0  }
0xa8: {  	s5 =	sshll.u32 s28, $0x1;
	[dreg:$0x2] =	wrdreg s3  }
0xa9: {  	[dreg:$0x3] =	wrdreg s5  }
0xaa: {  	[dreg:$0x4] =	wrdreg $0xC0  }
0xab: {  	_ =	task [dreg:s7], $0x5FFFF  }
0xac: {  	[dreg:$0x1] =	wrdreg $0xFFFFFFFF  }
0xad: {  	[dreg:$0x0] =	wrdreg $0x60  }
0xae: {  	[dreg:$0x2] =	wrdreg s24  }
0xaf: {  	[dreg:$0x3] =	wrdreg s2  }
0xb0: {  	[dreg:$0x4] =	wrdreg $0x9  }
0xb1: {  	_ =	task.clear_ibuf [dreg:s7], $0x5FFFF;
	_ =	strace $0x90000046  }
0xb2: {  	s29 =	simm.s32 $0x9;
	_ =	strace $0x80000048  }
0xb3: {  	_ =	swait.ge [sflag:s29], $0x1  }
0xb4: {  	[sflag:s29] =	ssyncadd.s32 $0xFFFFFFFF  }
0xb5: {  	_ =	strace $0x90000048  }
0xb6: {  	_ =	sfence  }
0xb7: {  	s30 =	sld [smem:$0x0];
	_ =	sdelay $0x2  }
0xb8: {  	s31 =	sshll.u32 s1, $0xD;
	s1 =	sshrl.u32 s1, $0x2  }
0xb9: {  	s3 =	sand.u32 $0x4000, s31;
	s1 =	sadd.s32 s1, s30  }
0xba: {  	s0 =	sor.u32 s3, s0;
	s1 =	sshll.u32 s1, $0x11  }
0xbb: {  	s0 =	sor.u32 s1, s0  }
0xbc: {  	s0 =	sadd.s32 $0x8F2B, s0  }
0xbd: {  	[sflag:s0] =	ssyncadd.remote.s32 $0x1  }
0xbe: {  	_ =	sfence.sel $0xFFFF  }
0xbf: {  	[dreg:$0x0] =	wrdreg $0xFFFFFFFF;
	(pc) =	sbr.abs _section_cstart, $3  }
0xc0: {  	[dreg:$0x1] =	wrdreg $0xFFFFFFFF  }
0xc1: {  	_ =	task.clear_ibuf [dreg:s7], $0x2FFFF;
	_ =	strace $0x9FFFFFFF  }
0xc2: {  	(tm) =	ssettm $0x7FFFFFFF  }
0xc3: {  	_ =	shalt  }
tec
execute0_lowered:
.L_overlay_start_1:
0x0: {  	(tag) =	ssettag $0x1  }
0x1: {  	v0 =	vimm.f32 $1.500000000e+01;
	vm14 =	vcmask $0x300;
	vm13 =	vcmask $0x704  }
0x2: {  	vm12 =	vcmask $0xB08;
	vm11 =	vcmask $0xF0C;
	vm10 =	vcmask $0x1310  }
0x3: {  	vm9 =	vcmask $0x1714;
	vm8 =	vcmask $0x1B18;
	vm7 =	vcmask $0x1F1C  }
0x4: {  	vm6 =	vcmask $0x2320;
	vm5 =	vcmask $0x2724;
	vm4 =	vcmask $0x2B28  }
0x5: {  	vm3 =	vcmask $0x2F2C;
	vm2 =	vcmask $0x3330;
	vm1 =	vcmask $0x3734  }
0x6: {  	vm0 =	vcmask $0x3B38;
	v3 =	vimm.f32 $3.100000000e+01;
	v4 =	vimm.f32 $4.700000000e+01  }
0x7: {  	s0 =	srdreg.scid;
	v5 =	vimm.f32 $6.300000000e+01;
	v0 =	vsel vm14, $0x0, v0;
	v3 =	vsel vm14, $0x41800000, v3  }
0x8: {  	s1 =	stileid.u32;
	s0 =	sand.u32 $0x1, s0;
	v4 =	vsel vm14, $0x42000000, v4;
	v5 =	vsel vm14, $0x42400000, v5;
	v0 =	vsel vm13, $0x3F800000, v0  }
0x9: {  	s2 =	sshll.u32 s1, $0xF;
	s20 =	sshll.u32 s0, $0xE;
	v3 =	vsel vm13, $0x41880000, v3;
	v4 =	vsel vm13, $0x42040000, v4;
	v5 =	vsel vm13, $0x42440000, v5  }
0xa: {  	v0 =	vsel vm12, $0x40000000, v0;
	s1 =	sor.u32 s20, s2;
	s2 =	sand.u32 $0x40000, s2;
	v3 =	vsel vm12, $0x41900000, v3;
	v4 =	vsel vm12, $0x42080000, v4  }
0xb: {  	v5 =	vsel vm12, $0x42480000, v5;
	v0 =	vsel vm11, $0x40400000, v0;
	v1 =	vmov s2  }
0xc: {  	s7 =	rddreg [dreg:$0x0];
	v3 =	vsel vm11, $0x41980000, v3;
	v4 =	vsel vm11, $0x420C0000, v4;
	v5 =	vsel vm11, $0x424C0000, v5  }
0xd: {  	s17 =	simm.s32 $0x5;
	s18 =	simm.s32 $0x40;
	s28 =	simm.s32 $0x6;
	v0 =	vsel vm10, $0x40800000, v0;
	v3 =	vsel vm10, $0x41A00000, v3;
	v4 =	vsel vm10, $0x42100000, v4  }
0xe: {  	s29 =	simm.s32 $0x600;
	s30 =	simm.s32 $0x8800;
	s31 =	simm.s32 $0x680;
	v5 =	vsel vm10, $0x42500000, v5;
	v0 =	vsel vm9, $0x40A00000, v0;
	v3 =	vsel vm9, $0x41A80000, v3  }
0xf: {  	s14 =	simm.s32 $0xC800;
	s10 =	simm.s32 $0x10800;
	s13 =	simm.s32 $0x2;
	v4 =	vsel vm9, $0x42140000, v4;
	v5 =	vsel vm9, $0x42540000, v5;
	v0 =	vsel vm8, $0x40C00000, v0  }
0x10: {  	s15 =	simm.s32 $0x12800;
	s19 =	simm.s32 $0x0;
	s0 =	ssub.s32 $0x2, s0;
	v3 =	vsel vm8, $0x41B00000, v3;
	v4 =	vsel vm8, $0x42180000, v4;
	v5 =	vsel vm8, $0x42580000, v5  }
0x11: {  	s6 =	sadd.s32 $0xA00, s7;
	s8 =	sshrl.u32 s0, $0x1;
	s3 =	sshrl.u32 s1, $0x9;
	v0 =	vsel vm7, $0x40E00000, v0;
	v3 =	vsel vm7, $0x41B80000, v3;
	v4 =	vsel vm7, $0x421C0000, v4  }
0x12: {  	s21 =	sshll.u32 s1, $0x4;
	s9 =	sshrl.u32 s1, $0x3;
	s0 =	ssub.s32 s0, s8;
	v5 =	vsel vm7, $0x425C0000, v5;
	v0 =	vsel vm6, $0x41000000, v0;
	v3 =	vsel vm6, $0x41C00000, v3  }
0x13: {  	s26 =	sor.u32 $0xC0, s1;
	s8 =	simm.s32 $0xE800;
	s4 =	sand.u32 $0x1E0, s3;
	v4 =	vsel vm6, $0x42200000, v4;
	v5 =	vsel vm6, $0x42600000, v5;
	v0 =	vsel vm5, $0x41100000, v0  }
0x14: {  	s3 =	rddreg [dreg:$0x1];
	s5 =	scvt.s32.f32 s4;
	s4 =	simm.s32 $0x0;
	v3 =	vsel vm5, $0x41C80000, v3;
	v4 =	vsel vm5, $0x42240000, v4;
	v5 =	vsel vm5, $0x42640000, v5  }
0x15: {  	s22 =	sor.u32 $0x8, s9;
	s23 =	sadd.s32 s6, s9;
	[smem:$0x7FF] =	sst s4;
	v0 =	vsel vm4, $0x41200000, v0;
	v3 =	vsel vm4, $0x41D00000, v3;
	v4 =	vsel vm4, $0x42280000, v4  }
0x16: {  	s24 =	sadd.s32 s3, s9;
	_ =	strace $0x80000047;
	[dreg:$0x3] =	wrdreg s23;
	v5 =	vsel vm4, $0x42680000, v5;
	v0 =	vsel vm3, $0x41300000, v0;
	v3 =	vsel vm3, $0x41D80000, v3  }
0x17: {  	s2 =	sadd.s32 s21, s7;
	s25 =	sadd.s32 s6, s22;
	[dreg:$0x4] =	wrdreg s24;
	v4 =	vsel vm3, $0x422C0000, v4;
	v5 =	vsel vm3, $0x426C0000, v5;
	v0 =	vsel vm2, $0x41400000, v0  }
0x18: {  	s0 =	smax.u32 s0, $0x1;
	s11 =	sadd.s32 $0x10A00, s2;
	[dreg:$0x5] =	wrdreg s25;
	v3 =	vsel vm2, $0x41E00000, v3;
	v4 =	vsel vm2, $0x42300000, v4;
	v5 =	vsel vm2, $0x42700000, v5  }
0x19: {  	s2 =	simm.s32 $0xA800;
	s9 =	simm.s32 $0x1;
	[dreg:$0x7] =	wrdreg s26;
	v2 =	vsel vm1, $0x41500000, v0;
	v0 =	vmov s5;
	v3 =	vsel vm1, $0x41E80000, v3  }
0x1a: {  	[dreg:$0x8] =	wrdreg s0;
	s5 =	sadd.s32 $0x810A00, s7;
	s7 =	sadd.s32 s3, s22;
	v4 =	vsel vm1, $0x42340000, v4;
	v5 =	vsel vm1, $0x42740000, v5;
	v2 =	vsel vm0, $0x41600000, v2  }
0x1b: {  	s0 =	simm.s32 $0x700;
	[dreg:$0x6] =	wrdreg s7;
	s7 =	simm.s32 $0x780;
	v3 =	vsel vm0, $0x41F00000, v3;
	v4 =	vsel vm0, $0x42380000, v4;
	v5 =	vsel vm0, $0x42780000, v5  }
.LBB2_1:
0x1c: {  	[dreg:$0x9] =	wrdreg s19  }
0x1d: {  	s12 =	rddreg [dreg:$0x3]  }
0x1e: {  	[tilespmem:s4], [sflag:$0x5] =	stream.linear.gather [hbm4b:s12+s4], $0x40, $0x38;
	[tilespmem:$0x14800] =	vst v63  }
0x1f: {  	s22 =	rddreg [dreg:$0x4];
	s16 =	simm.s32 $0x100  }
0x20: {  	[tilespmem:s16], [sflag:$0x5] =	stream.linear.gather [hbm4b:s22+s4], $0x40, $0x38;
	[tilespmem:$0x14800] =	vst v63  }
0x21: {  	s23 =	rddreg [dreg:$0x5];
	s24 =	simm.s32 $0x80  }
0x22: {  	[tilespmem:s24], [sflag:$0x6] =	stream.linear.gather [hbm4b:s23+s4], $0x40, $0x38;
	[tilespmem:$0x14800] =	vst v63  }
0x23: {  	s25 =	rddreg [dreg:$0x6];
	s26 =	simm.s32 $0x180  }
0x24: {  	[tilespmem:s26], [sflag:$0x6] =	stream.linear.gather [hbm4b:s25+s4], $0x40, $0x38;
	[tilespmem:$0x14800] =	vst v63  }
0x25: {  	_ =	swait.ge [sflag:s17], $0x40  }
0x26: {  	[sflag:s17] =	ssyncset.done $0x0  }
0x27: {  	[sflag:s17] =	ssyncadd.s32 $0xFFFFFFC0  }
0x28: {  	_ =	swait.ge [sflag:s17], $0x40  }
0x29: {  	[sflag:s17] =	ssyncset.done $0x0  }
0x2a: {  	[sflag:s17] =	ssyncadd.s32 $0xFFFFFFC0  }
0x2b: {  	v6 =	vld [tilespmem:$0x0]  }
0x2c: {  	v7 =	vld [tilespmem:$0x100]  }
0x2d: {  	v8 =	vld [tilespmem:$0x10]  }
0x2e: {  	v9 =	vld [tilespmem:$0x110]  }
0x2f: {  	v12 =	vld [tilespmem:$0x20];
	_ =	sdelay $0x2  }
0x30: {  	v6 =	vsub.f32 v0, v6  }
0x31: {  	v7 =	vsub.f32 v2, v7;
	v8 =	vsub.f32 v0, v8  }
0x32: {  	v9 =	vsub.f32 v3, v9;
	v12 =	vsub.f32 v0, v12  }
0x33: {  	v6 =	vmax.f32 v6, $0.0e+00;
	v7 =	vmax.f32 v7, $0.0e+00  }
0x34: {  	v8 =	vmax.f32 v8, $0.0e+00;
	v9 =	vmax.f32 v9, $0.0e+00;
	v12 =	vmax.f32 v12, $0.0e+00  }
0x35: {  	v16 =	vld [tilespmem:$0x120];
	v6 =	vmin.f32 v6, $5.110000000e+02;
	v7 =	vmin.f32 v7, $5.110000000e+02;
	v8 =	vmin.f32 v8, $5.110000000e+02  }
0x36: {  	v9 =	vmin.f32 v9, $5.110000000e+02;
	v10 =	vtrunc.f32 v6;
	v11 =	vtrunc.f32 v7  }
0x37: {  	v12 =	vmin.f32 v12, $5.110000000e+02;
	v15 =	vtrunc.f32 v8;
	v41 =	vtrunc.f32 v9  }
0x38: {  	v17 =	vtrunc.f32 v12;
	v10 =	vcvt.f32.s32 v10  }
0x39: {  	v11 =	vcvt.f32.s32 v11;
	v40 =	vcvt.f32.s32 v15  }
0x3a: {  	v43 =	vsub.f32 v4, v16;
	v15 =	vcvt.f32.s32 v41;
	v17 =	vcvt.f32.s32 v17  }
0x3b: {  	vm0 =	vlt.s32 v10, $0x1FE;
	vm9 =	vlt.s32 v11, $0x1FE;
	vm10 =	vlt.s32 v40, $0x1FE  }
0x3c: {  	v47 =	vld [tilespmem:$0x130];
	vm11 =	vlt.s32 v15, $0x1FE;
	vm12 =	vlt.s32 v17, $0x1FE;
	v10 =	vnsel vm0, $0x1FE, v10  }
0x3d: {  	v44 =	vld [tilespmem:$0x30];
	v11 =	vnsel vm9, $0x1FE, v11;
	v13 =	vcvt.s32.f32 v10;
	v10 =	vshll.u32 v10, $0x9  }
0x3e: {  	v15 =	vnsel vm11, $0x1FE, v15;
	v14 =	vcvt.s32.f32 v11;
	v10 =	vadd.s32 v1, v10  }
0x3f: {  	v46 =	vnsel vm12, $0x1FE, v17;
	v6 =	vsub.f32 v6, v13;
	v10 =	vadd.s32 v11, v10  }
0x40: {  	v42 =	vcvt.s32.f32 v15;
	v13 =	vnsel vm10, $0x1FE, v40;
	v7 =	vsub.f32 v7, v14;
	[tilespmem:$0x400] =	vst v10  }
0x41: {  	v54 =	vsub.f32 v5, v47;
	v50 =	vcvt.s32.f32 v46;
	v18 =	vcvt.s32.f32 v13;
	[tilespmem:$0x300] =	vst v6  }
0x42: {  	v14 =	vsub.f32 v0, v44;
	v45 =	vadd.s32 $0x1, v10;
	v48 =	vadd.s32 $0x200, v10;
	[tilespmem:$0x200] =	vst v7  }
0x43: {  	v13 =	vshll.u32 v13, $0x9;
	[tilespmem:$0x480] =	vst v45;
	v6 =	vsub.f32 v8, v18;
	v8 =	vmax.f32 v43, $0.0e+00  }
0x44: {  	v10 =	vadd.s32 $0x201, v10;
	v7 =	vsub.f32 v9, v42;
	[tilespmem:$0x500] =	vst v48;
	v8 =	vmin.f32 v8, $5.110000000e+02  }
0x45: {  	v11 =	vshll.u32 v46, $0x9;
	v13 =	vadd.s32 v1, v13;
	[tilespmem:$0x580] =	vst v10;
	v51 =	vtrunc.f32 v8  }
0x46: {  	v14 =	vmax.f32 v14, $0.0e+00;
	v49 =	vadd.s32 v15, v13;
	[tilespmem:$0x210] =	vst v7;
	v15 =	vcvt.f32.s32 v51  }
0x47: {  	v14 =	vmin.f32 v14, $5.110000000e+02;
	v13 =	vmax.f32 v54, $0.0e+00;
	v52 =	vadd.s32 $0x1, v49;
	[tilespmem:$0x410] =	vst v49  }
0x48: {  	v53 =	vadd.s32 $0x200, v49;
	v7 =	vadd.s32 $0x201, v49;
	[tilespmem:$0x310] =	vst v6;
	vm13 =	vlt.s32 v15, $0x1FE  }
0x49: {  	v57 =	vtrunc.f32 v14;
	v13 =	vmin.f32 v13, $5.110000000e+02;
	[tilespmem:$0x490] =	vst v52;
	v55 =	vnsel vm13, $0x1FE, v15  }
0x4a: {  	v6 =	vsub.f32 v12, v50;
	[tilespmem:$0x510] =	vst v53;
	v59 =	vtrunc.f32 v13;
	v56 =	vcvt.s32.f32 v55  }
0x4b: {  	v60 =	vadd.s32 v1, v11;
	v58 =	vcvt.f32.s32 v57;
	[tilespmem:$0x590] =	vst v7;
	v61 =	vcvt.f32.s32 v59  }
0x4c: {  	[tilespmem:$0x320] =	vst v6;
	v7 =	vsub.f32 v8, v56;
	v8 =	vadd.s32 v55, v60  }
0x4d: {  	vm14 =	vlt.s32 v58, $0x1FE;
	vm15 =	vlt.s32 v61, $0x1FE;
	[tilespmem:$0x420] =	vst v8  }
0x4e: {  	v62 =	vnsel vm15, $0x1FE, v61;
	v6 =	vadd.s32 $0x1, v8;
	[tilespmem:$0x220] =	vst v7;
	v7 =	vnsel vm14, $0x1FE, v58  }
0x4f: {  	[tilespmem:$0x4A0] =	vst v6;
	v6 =	vadd.s32 $0x200, v8;
	v63 =	vcvt.s32.f32 v7;
	v7 =	vshll.u32 v7, $0x9  }
0x50: {  	v8 =	vadd.s32 $0x201, v8;
	[tilespmem:$0x520] =	vst v6;
	v6 =	vcvt.s32.f32 v62;
	v7 =	vadd.s32 v1, v7  }
0x51: {  	[tilespmem:$0x5A0] =	vst v8;
	v10 =	vsub.f32 v14, v63;
	v7 =	vadd.s32 v62, v7  }
0x52: {  	v6 =	vsub.f32 v13, v6;
	[tilespmem:$0x430] =	vst v7  }
0x53: {  	[tilespmem:$0x330] =	vst v10  }
0x54: {  	[tilespmem:$0x230] =	vst v6;
	v6 =	vadd.s32 $0x1, v7  }
0x55: {  	[tilespmem:$0x4B0] =	vst v6;
	v6 =	vadd.s32 $0x200, v7  }
0x56: {  	[tilespmem:$0x530] =	vst v6;
	v6 =	vadd.s32 $0x201, v7  }
0x57: {  	s19 =	simm.s32 $0x400;
	s20 =	simm.s32 $0x800;
	[tilespmem:$0x5B0] =	vst v6  }
0x58: {  	[tilespmem:s20], [sflag:$0x1] =	stream.indirect.gather [hbm4b:s5+s18], $0x80, s19, s18, $0xb8;
	[tilespmem:$0x14800] =	vst v63  }
0x59: {  	s21 =	simm.s32 $0x480;
	s22 =	simm.s32 $0x2800  }
0x5a: {  	[tilespmem:s22], [sflag:$0x1] =	stream.indirect.gather [hbm4b:s5+s18], $0x80, s21, s18, $0xb8;
	[tilespmem:$0x14800] =	vst v63  }
0x5b: {  	s23 =	simm.s32 $0x500;
	s24 =	simm.s32 $0x4800  }
0x5c: {  	[tilespmem:s24], [sflag:$0x1] =	stream.indirect.gather [hbm4b:s5+s18], $0x80, s23, s18, $0xb8;
	[tilespmem:$0x14800] =	vst v63  }
0x5d: {  	s16 =	simm.s32 $0x0;
	s25 =	simm.s32 $0x580;
	s26 =	simm.s32 $0x6800  }
0x5e: {  	[tilespmem:s26], [sflag:$0x1] =	stream.indirect.gather [hbm4b:s5+s18], $0x80, s25, s18, $0xb8;
	[tilespmem:$0x14800] =	vst v63  }
.LBB2_2:
0x5f: {  	s12 =	sshll.u32 s16, $0x1  }
0x60: {  	p1 =	seq.s32 s16, $0x7F;
	s20 =	sadd.s32 $0x2, s12  }
0x61: {  	s19 =	sshll.u32 @!p1 s20, $0x6  }
0x62: {  	s19 =	sadd.s32 @!p1 s1, s19  }
0x63: {  	s19 =	sshrl.u32 @!p1 s19, $0x3  }
0x64: {  	s22 =	simm.s32 @!p1 $0x0;
	s21 =	sadd.s32 @!p1 s6, s19  }
0x65: {  	[tilespmem:s22], [sflag:$0x5] =	stream.linear.gather @!p1 [hbm4b:s21+s22], $0x40, $0x38;
	[tilespmem:$0x14800] =	vst v63  }
0x66: {  	s19 =	sadd.s32 @!p1 s3, s19;
	s21 =	simm.s32 @!p1 $0x100  }
0x67: {  	[tilespmem:s21], [sflag:$0x5] =	stream.linear.gather @!p1 [hbm4b:s19+s22], $0x40, $0x38;
	[tilespmem:$0x14800] =	vst v63  }
0x68: {  	_ =	swait.ge [sflag:s28], $0x40  }
0x69: {  	[sflag:s28] =	ssyncset.done $0x0  }
0x6a: {  	[sflag:s28] =	ssyncadd.s32 $0xFFFFFFC0  }
0x6b: {  	_ =	swait.ge [sflag:s28], $0x40  }
0x6c: {  	s19 =	sor.u32 $0x1, s12;
	[sflag:s28] =	ssyncset.done $0x0  }
0x6d: {  	s12 =	sshll.u32 s19, $0x6;
	[sflag:s28] =	ssyncadd.s32 $0xFFFFFFC0  }
0x6e: {  	s22 =	sor.u32 s1, s12;
	v6 =	vld [tilespmem:$0x80]  }
0x6f: {  	s21 =	sshrl.u32 s22, $0x9  }
0x70: {  	s23 =	sand.u32 $0x1C0, s12;
	s21 =	sand.u32 $0x1FF, s21;
	v7 =	vld [tilespmem:$0x180]  }
0x71: {  	s12 =	scvt.s32.f32 s23;
	s21 =	scvt.s32.f32 s21  }
0x72: {  	_ = 	snop  }
0x73: {  	v8 =	vadd.f32 s12, v2;
	v10 =	vld [tilespmem:$0x90];
	v6 =	vsub.f32 s21, v6;
	_ =	sdelay $0x1  }
0x74: {  	v7 =	vsub.f32 v8, v7;
	v6 =	vmax.f32 v6, $0.0e+00  }
0x75: {  	s24 =	sor.u32 $0x10, s23;
	v8 =	vld [tilespmem:$0x190];
	v6 =	vmin.f32 v6, $5.110000000e+02  }
0x76: {  	s12 =	scvt.s32.f32 s24;
	v7 =	vmax.f32 v7, $0.0e+00;
	v9 =	vtrunc.f32 v6  }
0x77: {  	v10 =	vsub.f32 s21, v10;
	v7 =	vmin.f32 v7, $5.110000000e+02;
	v9 =	vcvt.f32.s32 v9  }
0x78: {  	v12 =	vadd.f32 s12, v2;
	v11 =	vtrunc.f32 v7  }
0x79: {  	v10 =	vmax.f32 v10, $0.0e+00;
	v11 =	vcvt.f32.s32 v11;
	vm0 =	vlt.s32 v9, $0x1FE  }
0x7a: {  	v10 =	vmin.f32 v10, $5.110000000e+02;
	v8 =	vsub.f32 v12, v8;
	v9 =	vnsel vm0, $0x1FE, v9  }
0x7b: {  	v12 =	vtrunc.f32 v10;
	vm9 =	vlt.s32 v11, $0x1FE;
	v13 =	vcvt.s32.f32 v9  }
0x7c: {  	v12 =	vcvt.f32.s32 v12;
	v8 =	vmax.f32 v8, $0.0e+00;
	v11 =	vnsel vm9, $0x1FE, v11  }
0x7d: {  	v8 =	vmin.f32 v8, $5.110000000e+02;
	v9 =	vshll.u32 v9, $0x9;
	v6 =	vsub.f32 v6, v13;
	v13 =	vld [tilespmem:$0xA0]  }
0x7e: {  	s25 =	sor.u32 $0x20, s23;
	vm10 =	vlt.s32 v12, $0x1FE;
	v15 =	vtrunc.f32 v8;
	v9 =	vadd.s32 v1, v9  }
0x7f: {  	s12 =	scvt.s32.f32 s25;
	v14 =	vcvt.s32.f32 v11;
	v9 =	vadd.s32 v11, v9;
	v11 =	vcvt.f32.s32 v15  }
0x80: {  	v12 =	vnsel vm10, $0x1FE, v12;
	v15 =	vld [tilespmem:$0x1A0]  }
0x81: {  	v18 =	vadd.f32 s12, v2;
	v17 =	vcvt.s32.f32 v12;
	vm11 =	vlt.s32 v11, $0x1FE  }
0x82: {  	v7 =	vsub.f32 v7, v14;
	v11 =	vnsel vm11, $0x1FE, v11;
	v13 =	vsub.f32 s21, v13  }
0x83: {  	v14 =	vadd.s32 $0x1, v9;
	v10 =	vsub.f32 v10, v17;
	v17 =	vcvt.s32.f32 v11  }
0x84: {  	v16 =	vadd.s32 $0x200, v9;
	[tilespmem:$0x380] =	vst v6;
	v6 =	vshll.u32 v12, $0x9;
	v12 =	vmax.f32 v13, $0.0e+00  }
0x85: {  	[tilespmem:$0x280] =	vst v7;
	v7 =	vsub.f32 v8, v17;
	v13 =	vsub.f32 v18, v15;
	v15 =	vld [tilespmem:$0xB0];
	v8 =	vmin.f32 v12, $5.110000000e+02  }
0x86: {  	s26 =	sor.u32 $0x30, s23;
	v19 =	vadd.s32 $0x201, v9;
	[tilespmem:$0x600] =	vst v9;
	v6 =	vadd.s32 v1, v6;
	v12 =	vld [tilespmem:$0x1B0];
	v9 =	vtrunc.f32 v8  }
0x87: {  	s12 =	scvt.s32.f32 s26;
	[tilespmem:$0x680] =	vst v14;
	v6 =	vadd.s32 v11, v6;
	v11 =	vmax.f32 v13, $0.0e+00;
	v9 =	vcvt.f32.s32 v9  }
0x88: {  	[tilespmem:$0x390] =	vst v10;
	v14 =	vadd.s32 $0x200, v6;
	v10 =	vadd.s32 $0x201, v6;
	v11 =	vmin.f32 v11, $5.110000000e+02  }
0x89: {  	[tilespmem:$0x700] =	vst v16;
	v17 =	vadd.f32 s12, v2;
	v16 =	vtrunc.f32 v11;
	vm12 =	vlt.s32 v9, $0x1FE  }
0x8a: {  	v16 =	vcvt.f32.s32 v16;
	v15 =	vsub.f32 s21, v15;
	v9 =	vnsel vm12, $0x1FE, v9  }
0x8b: {  	[tilespmem:$0x290] =	vst v7;
	v13 =	vadd.s32 $0x1, v6;
	v12 =	vsub.f32 v17, v12;
	v7 =	vcvt.s32.f32 v9  }
0x8c: {  	[tilespmem:$0x780] =	vst v19;
	vm13 =	vlt.s32 v16, $0x1FE;
	v15 =	vmax.f32 v15, $0.0e+00;
	v9 =	vshll.u32 v9, $0x9  }
0x8d: {  	[tilespmem:$0x610] =	vst v6;
	v6 =	vnsel vm13, $0x1FE, v16;
	v15 =	vmin.f32 v15, $5.110000000e+02;
	v12 =	vmax.f32 v12, $0.0e+00  }
0x8e: {  	[tilespmem:$0x690] =	vst v13;
	v9 =	vadd.s32 v1, v9;
	v13 =	vcvt.s32.f32 v6;
	v16 =	vtrunc.f32 v15  }
0x8f: {  	[tilespmem:$0x710] =	vst v14;
	v12 =	vmin.f32 v12, $5.110000000e+02;
	v7 =	vsub.f32 v8, v7;
	v8 =	vcvt.f32.s32 v16  }
0x90: {  	[tilespmem:$0x790] =	vst v10;
	v6 =	vadd.s32 v6, v9;
	v14 =	vtrunc.f32 v12  }
0x91: {  	[tilespmem:$0x620] =	vst v6;
	v10 =	vsub.f32 v11, v13;
	v11 =	vcvt.f32.s32 v14;
	vm14 =	vlt.s32 v8, $0x1FE  }
0x92: {  	[tilespmem:$0x3A0] =	vst v7;
	v7 =	vnsel vm14, $0x1FE, v8  }
0x93: {  	[tilespmem:$0x2A0] =	vst v10;
	vm15 =	vlt.s32 v11, $0x1FE;
	v8 =	vadd.s32 $0x1, v6;
	v9 =	vcvt.s32.f32 v7  }
0x94: {  	v10 =	vnsel vm15, $0x1FE, v11;
	[tilespmem:$0x6A0] =	vst v8;
	v8 =	vadd.s32 $0x200, v6;
	v7 =	vshll.u32 v7, $0x9  }
0x95: {  	v6 =	vadd.s32 $0x201, v6;
	v11 =	vcvt.s32.f32 v10;
	[tilespmem:$0x720] =	vst v8;
	v7 =	vadd.s32 v1, v7  }
0x96: {  	[tilespmem:$0x7A0] =	vst v6;
	v8 =	vsub.f32 v15, v9;
	v7 =	vadd.s32 v10, v7  }
0x97: {  	v6 =	vsub.f32 v12, v11;
	[tilespmem:$0x630] =	vst v7  }
0x98: {  	[tilespmem:$0x3B0] =	vst v8  }
0x99: {  	[tilespmem:$0x2B0] =	vst v6;
	v6 =	vadd.s32 $0x1, v7  }
0x9a: {  	[tilespmem:$0x6B0] =	vst v6;
	v6 =	vadd.s32 $0x200, v7  }
0x9b: {  	[tilespmem:$0x730] =	vst v6;
	v6 =	vadd.s32 $0x201, v7  }
0x9c: {  	[tilespmem:$0x7B0] =	vst v6  }
0x9d: {  	[tilespmem:s30], [sflag:$0x2] =	stream.indirect.gather [hbm4b:s5+s18], $0x80, s29, s18, $0xb8;
	[tilespmem:$0x14800] =	vst v63  }
0x9e: {  	_ = 	snop  }
0x9f: {  	[tilespmem:s2], [sflag:$0x2] =	stream.indirect.gather [hbm4b:s5+s18], $0x80, s31, s18, $0xb8;
	[tilespmem:$0x14800] =	vst v63  }
0xa0: {  	_ = 	snop  }
0xa1: {  	[tilespmem:s14], [sflag:$0x2] =	stream.indirect.gather [hbm4b:s5+s18], $0x80, s0, s18, $0xb8;
	[tilespmem:$0x14800] =	vst v63  }
0xa2: {  	_ = 	snop  }
0xa3: {  	[tilespmem:s8], [sflag:$0x2] =	stream.indirect.gather [hbm4b:s5+s18], $0x80, s7, s18, $0xb8;
	[tilespmem:$0x14800] =	vst v63  }
0xa4: {  	_ =	swait.ge [sflag:s9], $0x2000  }
0xa5: {  	[sflag:s9] =	ssyncset.done $0x0  }
0xa6: {  	[sflag:s9] =	ssyncadd.s32 $0xFFFFE000  }
0xa7: {  	_ =	swait.ge [sflag:s9], $0x2000  }
0xa8: {  	[sflag:s9] =	ssyncset.done $0x0  }
0xa9: {  	[sflag:s9] =	ssyncadd.s32 $0xFFFFE000  }
0xaa: {  	_ =	swait.ge [sflag:s9], $0x2000  }
0xab: {  	[sflag:s9] =	ssyncset.done $0x0  }
0xac: {  	[sflag:s9] =	ssyncadd.s32 $0xFFFFE000  }
0xad: {  	_ =	swait.ge [sflag:s9], $0x2000  }
0xae: {  	p0 =	seq.s32 s16, $0x0;
	[sflag:s9] =	ssyncset.done $0x0  }
0xaf: {  	s12 =	simm.s32 @!p0 $0x3;
	[sflag:s9] =	ssyncadd.s32 $0xFFFFE000  }
0xb0: {  	_ =	swait.ge @!p0 [sflag:s12], $0x2000  }
0xb1: {  	[sflag:s12] =	ssyncset.done @!p0 $0x0  }
0xb2: {  	s21 =	simm.s32 $0x0;
	[sflag:s12] =	ssyncadd.s32 @!p0 $0xFFFFE000  }
0xb3: {  	v23 =	vld [tilespmem:s21+$0x6820]  }
0xb4: {  	v6 =	vld [tilespmem:s21+$0x4820]  }
0xb5: {  	v13 =	vld [tilespmem:s21+$0x6840]  }
0xb6: {  	v11 =	vld [tilespmem:s21+$0x6850]  }
0xb7: {  	v9 =	vld [tilespmem:s21+$0x4830]  }
0xb8: {  	v28 =	vld [tilespmem:s21+$0x2830]  }
0xb9: {  	v18 =	vld [tilespmem:s21+$0x6830]  }
0xba: {  	v8 =	vld [tilespmem:s21+$0x830]  }
0xbb: {  	v10 =	vld [tilespmem:s21+$0x840]  }
0xbc: {  	v16 =	vld [tilespmem:s21+$0x2850]  }
0xbd: {  	v20 =	vld [tilespmem:s21+$0x2840]  }
0xbe: {  	v12 =	vld [tilespmem:s21+$0x850]  }
0xbf: {  	v7 =	vld [tilespmem:s21+$0x4840]  }
0xc0: {  	v24 =	vld [tilespmem:s21+$0x2820]  }
0xc1: {  	v19 =	vld [tilespmem:s21+$0x4810]  }
0xc2: {  	v15 =	vld [tilespmem:s21+$0x820]  }
0xc3: {  	v30 =	vld [tilespmem:s21+$0x6800]  }
0xc4: {  	v21 =	vld [tilespmem:s21+$0x810]  }
0xc5: {  	v25 =	vld [tilespmem:s21+$0x6810]  }
0xc6: {  	v17 =	vld [tilespmem:s21+$0x4800]  }
0xc7: {  	v27 =	vld [tilespmem:s21+$0x2810]  }
0xc8: {  	s23 =	simm.s32 $0x200;
	v14 =	vsub.f32 v13, v7;
	v22 =	vsub.f32 v18, v9;
	v13 =	vld [tilespmem:s21+$0x800]  }
0xc9: {  	v20 =	vsub.f32 v20, v10;
	v18 =	vld.msk [tilespmem:s23+$0x0 ss:$0x0], $0xffff;
	v23 =	vsub.f32 v23, v6  }
0xca: {  	v29 =	vsub.f32 v25, v19;
	v25 =	vld [tilespmem:s21+$0x4850];
	v26 =	vsub.f32 v24, v15  }
0xcb: {  	s22 =	simm.s32 $0x300;
	s24 =	simm.s32 $0x301;
	s25 =	simm.s32 $0x200;
	v24 =	vld [tilespmem:s21+$0x2800];
	v30 =	vsub.f32 v30, v17;
	v28 =	vsub.f32 v28, v8  }
.LBB2_3:
0xcc: {  	s26 =	sshra.s32 s25, $0x2;
	s12 =	smov.u32 s25  }
0xcd: {  	v31 =	vld.msk [tilespmem:s22+$0x0 ss:$0x0], $0xffff;
	v27 =	vsub.f32 v27, v21;
	s23 =	sadd.s32 $0x1, s23;
	s22 =	smov.u32 s24;
	s12 =	sadd.s32 $0x200, s25  }
0xce: {  	p2 =	sne.s32 s25, $0x7E00;
	v16 =	vsub.f32 v16, v12;
	v32 =	vld [tilespmem:s26+$0x6820]  }
0xcf: {  	v30 =	vmul.f32 v30, v18;
	v27 =	vmul.f32 v27, v18;
	v34 =	vsub.f32 v11, v25;
	v33 =	vld [tilespmem:s26+$0x4820]  }
0xd0: {  	v29 =	vmul.f32 v29, v18;
	v16 =	vmul.f32 v16, v18;
	v35 =	vld [tilespmem:s26+$0x6840]  }
0xd1: {  	v26 =	vmul.f32 v26, v18;
	v21 =	vadd.f32 v27, v21;
	v27 =	vmul.f32 v34, v18;
	v11 =	vld [tilespmem:s26+$0x6850]  }
0xd2: {  	v23 =	vmul.f32 v23, v18;
	v28 =	vmul.f32 v28, v18;
	v19 =	vadd.f32 v29, v19;
	v34 =	vld [tilespmem:s26+$0x4830]  }
0xd3: {  	v22 =	vmul.f32 v22, v18;
	v29 =	vadd.f32 v16, v12;
	v12 =	vadd.f32 v27, v25;
	v36 =	vld [tilespmem:s26+$0x2830]  }
0xd4: {  	v20 =	vmul.f32 v20, v18;
	v26 =	vadd.f32 v26, v15;
	v15 =	vadd.f32 v28, v8;
	v25 =	vld [tilespmem:s26+$0x6830]  }
0xd5: {  	v37 =	vadd.f32 v22, v9;
	v12 =	vsub.f32 v12, v29;
	v8 =	vld [tilespmem:s26+$0x830]  }
0xd6: {  	v17 =	vadd.f32 v30, v17;
	v24 =	vsub.f32 v24, v13;
	v22 =	vld [tilespmem:s26+$0x840]  }
0xd7: {  	v14 =	vmul.f32 v14, v18;
	v27 =	vsub.f32 v37, v15;
	v28 =	vmul.f32 v12, v31;
	v16 =	vld [tilespmem:s26+$0x2850];
	v9 =	vmovc v34  }
0xd8: {  	v20 =	vadd.f32 v20, v10;
	v18 =	vmul.f32 v24, v18;
	v19 =	vsub.f32 v19, v21;
	v30 =	vld [tilespmem:s26+$0x2840]  }
0xd9: {  	v14 =	vadd.f32 v14, v7;
	v34 =	vmul.f32 v27, v31;
	v24 =	vadd.f32 v28, v29;
	v12 =	vld [tilespmem:s26+$0x850]  }
0xda: {  	v23 =	vadd.f32 v23, v6;
	v13 =	vadd.f32 v18, v13;
	v18 =	vmul.f32 v19, v31;
	v6 =	vmovc v33;
	v7 =	vld [tilespmem:s26+$0x4840]  }
0xdb: {  	v14 =	vsub.f32 v14, v20;
	v27 =	vadd.f32 v34, v15;
	v28 =	vld [tilespmem:s26+$0x2820];
	[tilespmem:s21+$0x10850] =	vst v24;
	v10 =	vmov v22  }
0xdc: {  	v17 =	vsub.f32 v17, v13;
	v22 =	vsub.f32 v23, v26;
	v19 =	vld [tilespmem:s26+$0x4810]  }
0xdd: {  	v18 =	vadd.f32 v18, v21;
	v23 =	vmul.f32 v14, v31;
	v15 =	vld [tilespmem:s26+$0x820];
	[tilespmem:s21+$0x10830] =	vst v27  }
0xde: {  	v17 =	vmul.f32 v17, v31;
	v22 =	vmul.f32 v22, v31;
	v33 =	vld [tilespmem:s26+$0x6800]  }
0xdf: {  	v21 =	vld [tilespmem:s26+$0x810];
	v14 =	vsub.f32 v35, v7;
	[tilespmem:s21+$0x10810] =	vst v18;
	v18 =	vadd.f32 v23, v20  }
0xe0: {  	v13 =	vadd.f32 v17, v13;
	v23 =	vadd.f32 v22, v26;
	v24 =	vld [tilespmem:s26+$0x6810]  }
0xe1: {  	v27 =	vld [tilespmem:s26+$0x2810];
	[tilespmem:s21+$0x10840] =	vst v18  }
0xe2: {  	v22 =	vsub.f32 v25, v9;
	v17 =	vld [tilespmem:s26+$0x4800];
	[tilespmem:s21+$0x10800] =	vst v13  }
.Ltmp0:
0xe3: {  	v20 =	vsub.f32 v30, v10;
	v13 =	vld [tilespmem:s26+$0x800];
	[tilespmem:s21+$0x10820] =	vst v23;
	s21 =	smov.u32 s26;
	(pc) =	sbr.rel @p2 .LBB2_3-.Ltmp0, $4  }
0xe4: {  	v23 =	vsub.f32 v32, v6;
	v18 =	vld.msk [tilespmem:s23+$0x0 ss:$0x0], $0xffff  }
0xe5: {  	v29 =	vsub.f32 v24, v19;
	v25 =	vld [tilespmem:s21+$0x4850]  }
0xe6: {  	v26 =	vsub.f32 v28, v15  }
0xe7: {  	s24 =	sadd.s32 $0x1, s24;
	s25 =	smov.u32 s12;
	v28 =	vsub.f32 v36, v8;
	v24 =	vld [tilespmem:s21+$0x2800];
	v30 =	vsub.f32 v33, v17  }
0xe8: {  	_ = 	snop  }
0xe9: {  	v29 =	vmul.f32 v29, v18  }
0xea: {  	v27 =	vsub.f32 v27, v21;
	v26 =	vmul.f32 v26, v18;
	v51 =	vmul.f32 v28, v18  }
0xeb: {  	v16 =	vsub.f32 v16, v12;
	v22 =	vmul.f32 v22, v18;
	v54 =	vmul.f32 v30, v18  }
0xec: {  	v20 =	vmul.f32 v20, v18;
	v11 =	vsub.f32 v11, v25;
	v19 =	vadd.f32 v29, v19  }
0xed: {  	v14 =	vmul.f32 v14, v18;
	v15 =	vadd.f32 v26, v15;
	v8 =	vadd.f32 v51, v8  }
0xee: {  	v53 =	vld.msk [tilespmem:s22+$0x0 ss:$0x0], $0xffff;
	v56 =	vmul.f32 v23, v18;
	v9 =	vadd.f32 v22, v9;
	v17 =	vadd.f32 v54, v17  }
0xef: {  	v27 =	vmul.f32 v27, v18;
	v10 =	vadd.f32 v20, v10;
	v7 =	vadd.f32 v14, v7  }
0xf0: {  	v16 =	vmul.f32 v16, v18;
	v6 =	vadd.f32 v56, v6;
	v55 =	vsub.f32 v24, v13  }
0xf1: {  	v50 =	vadd.f32 v27, v21;
	v11 =	vmul.f32 v11, v18;
	v9 =	vsub.f32 v9, v8  }
0xf2: {  	v52 =	vadd.f32 v16, v12;
	v7 =	vsub.f32 v7, v10;
	v22 =	vmul.f32 v55, v18  }
0xf3: {  	v6 =	vsub.f32 v6, v15;
	v11 =	vadd.f32 v11, v25;
	v9 =	vmul.f32 v9, v53  }
0xf4: {  	v57 =	vsub.f32 v19, v50;
	v7 =	vmul.f32 v7, v53;
	v58 =	vadd.f32 v22, v13  }
0xf5: {  	v6 =	vmul.f32 v6, v53;
	v11 =	vsub.f32 v11, v52;
	v8 =	vadd.f32 v9, v8  }
0xf6: {  	v59 =	vmul.f32 v57, v53;
	v7 =	vadd.f32 v7, v10;
	v60 =	vsub.f32 v17, v58  }
0xf7: {  	v6 =	vadd.f32 v6, v15;
	v11 =	vmul.f32 v11, v53;
	[tilespmem:s21+$0x10830] =	vst v8  }
0xf8: {  	v61 =	vadd.f32 v59, v50;
	[tilespmem:s21+$0x10840] =	vst v7;
	v62 =	vmul.f32 v60, v53  }
.Ltmp1:
0xf9: {  	[tilespmem:s21+$0x10820] =	vst v6;
	v11 =	vadd.f32 v11, v52;
	(pc) =	sbr.rel @p1 .LBB2_6-.Ltmp1, $4  }
0xfa: {  	[tilespmem:s21+$0x10810] =	vst v61;
	v63 =	vadd.f32 v62, v58  }
0xfb: {  	s12 =	sshll.u32 s16, $0xB;
	[tilespmem:s21+$0x10850] =	vst v11  }
0xfc: {  	s12 =	sadd.s32 s12, s11;
	[tilespmem:s21+$0x10800] =	vst v63  }
0xfd: {  	[hbm4b:s12+s4] =	stream.linear.scatter [tilespmem:s10], [sflag:$0x3], $0x2000, $0x38;
	[tilespmem:$0x14800] =	vst v63  }
0xfe: {  	s12 =	sshll.u32 s16, $0x7;
	s21 =	rddreg [dreg:$0x7]  }
0xff: {  	s12 =	sadd.s32 s12, s21  }
0x100: {  	s12 =	sshrl.u32 s12, $0x3  }
0x101: {  	s22 =	simm.s32 $0x80;
	s26 =	sadd.s32 s6, s12  }
0x102: {  	[tilespmem:s22], [sflag:$0x6] =	stream.linear.gather [hbm4b:s26+s4], $0x40, $0x38;
	[tilespmem:$0x14800] =	vst v63  }
0x103: {  	s12 =	sadd.s32 s3, s12;
	s22 =	simm.s32 $0x180  }
0x104: {  	[tilespmem:s22], [sflag:$0x6] =	stream.linear.gather [hbm4b:s12+s4], $0x40, $0x38;
	[tilespmem:$0x14800] =	vst v63  }
0x105: {  	_ =	swait.ge [sflag:s17], $0x40  }
0x106: {  	[sflag:s17] =	ssyncset.done $0x0  }
0x107: {  	[sflag:s17] =	ssyncadd.s32 $0xFFFFFFC0  }
0x108: {  	s23 =	sshll.u32 s20, $0x6;
	_ =	swait.ge [sflag:s17], $0x40  }
0x109: {  	s25 =	sand.u32 $0x180, s23;
	[sflag:s17] =	ssyncset.done $0x0  }
0x10a: {  	s12 =	scvt.s32.f32 s25;
	[sflag:s17] =	ssyncadd.s32 $0xFFFFFFC0  }
0x10b: {  	s26 =	sor.u32 $0x10, s25;
	v6 =	vld [tilespmem:$0x0]  }
0x10c: {  	v8 =	vadd.f32 s12, v2;
	s12 =	scvt.s32.f32 s26;
	v7 =	vld [tilespmem:$0x100]  }
0x10d: {  	s20 =	sadd.s32 s1, s23;
	s23 =	sor.u32 $0x20, s25;
	v40 =	vld [tilespmem:$0x10]  }
0x10e: {  	s24 =	sshrl.u32 s20, $0x9;
	v12 =	vadd.f32 s12, v2;
	s12 =	scvt.s32.f32 s23;
	v10 =	vld [tilespmem:$0x110]  }
0x10f: {  	s21 =	sand.u32 $0x1FF, s24;
	s24 =	sor.u32 $0x30, s25;
	v13 =	vld [tilespmem:$0x20]  }
0x110: {  	v18 =	vadd.f32 s12, v2;
	s12 =	scvt.s32.f32 s24;
	v15 =	vld [tilespmem:$0x120]  }
0x111: {  	s21 =	scvt.s32.f32 s21;
	v45 =	vld [tilespmem:$0x30]  }
0x112: {  	v51 =	vadd.f32 s12, v2  }
0x113: {  	v6 =	vsub.f32 s21, v6;
	v7 =	vsub.f32 v8, v7  }
0x114: {  	v8 =	vsub.f32 s21, v40;
	v10 =	vsub.f32 v12, v10  }
0x115: {  	v13 =	vsub.f32 s21, v13;
	v15 =	vsub.f32 v18, v15  }
0x116: {  	v53 =	vsub.f32 s21, v45;
	v6 =	vmax.f32 v6, $0.0e+00;
	v7 =	vmax.f32 v7, $0.0e+00  }
0x117: {  	v8 =	vmax.f32 v8, $0.0e+00;
	v10 =	vmax.f32 v10, $0.0e+00;
	v13 =	vmax.f32 v13, $0.0e+00  }
0x118: {  	v6 =	vmin.f32 v6, $5.110000000e+02;
	v7 =	vmin.f32 v7, $5.110000000e+02;
	v10 =	vmin.f32 v10, $5.110000000e+02  }
0x119: {  	v13 =	vmin.f32 v13, $5.110000000e+02;
	v9 =	vtrunc.f32 v6;
	v11 =	vtrunc.f32 v7  }
0x11a: {  	v15 =	vmax.f32 v15, $0.0e+00;
	v43 =	vtrunc.f32 v10;
	v17 =	vtrunc.f32 v13  }
0x11b: {  	v8 =	vmin.f32 v8, $5.110000000e+02;
	v9 =	vcvt.f32.s32 v9;
	v11 =	vcvt.f32.s32 v11  }
0x11c: {  	v15 =	vmin.f32 v15, $5.110000000e+02;
	v12 =	vcvt.f32.s32 v43;
	v17 =	vcvt.f32.s32 v17  }
0x11d: {  	v42 =	vtrunc.f32 v8;
	vm0 =	vlt.s32 v9, $0x1FE;
	vm9 =	vlt.s32 v11, $0x1FE  }
0x11e: {  	vm11 =	vlt.s32 v12, $0x1FE;
	vm12 =	vlt.s32 v17, $0x1FE;
	v9 =	vnsel vm0, $0x1FE, v9  }
0x11f: {  	s20 =	sand.u32 $0xC0000, s20;
	v11 =	vnsel vm9, $0x1FE, v11;
	v14 =	vcvt.s32.f32 v9;
	v9 =	vshll.u32 v9, $0x9  }
0x120: {  	v47 =	vnsel vm12, $0x1FE, v17;
	v41 =	vcvt.s32.f32 v11;
	v9 =	vadd.s32 s20, v9  }
0x121: {  	v49 =	vcvt.s32.f32 v47;
	v6 =	vsub.f32 v6, v14;
	v9 =	vadd.s32 v11, v9  }
0x122: {  	v12 =	vnsel vm11, $0x1FE, v12;
	v14 =	vcvt.f32.s32 v42;
	v7 =	vsub.f32 v7, v41;
	[tilespmem:$0x400] =	vst v9  }
0x123: {  	v48 =	vld [tilespmem:$0x130];
	v50 =	vtrunc.f32 v15;
	v44 =	vcvt.s32.f32 v12;
	v52 =	vsub.f32 v13, v49;
	[tilespmem:$0x300] =	vst v6  }
0x124: {  	v13 =	vmax.f32 v53, $0.0e+00;
	v46 =	vadd.s32 $0x200, v9;
	vm10 =	vlt.s32 v14, $0x1FE;
	[tilespmem:$0x200] =	vst v7  }
0x125: {  	v6 =	vadd.s32 $0x1, v9;
	v7 =	vsub.f32 v10, v44;
	[tilespmem:$0x500] =	vst v46;
	v14 =	vnsel vm10, $0x1FE, v14  }
0x126: {  	v10 =	vcvt.f32.s32 v50;
	[tilespmem:$0x320] =	vst v52;
	v16 =	vcvt.s32.f32 v14;
	v14 =	vshll.u32 v14, $0x9  }
0x127: {  	v56 =	vmin.f32 v13, $5.110000000e+02;
	v9 =	vadd.s32 $0x201, v9;
	[tilespmem:$0x480] =	vst v6;
	v6 =	vadd.s32 s20, v14  }
0x128: {  	[tilespmem:$0x580] =	vst v9;
	vm13 =	vlt.s32 v10, $0x1FE;
	v6 =	vadd.s32 v12, v6;
	v12 =	vsub.f32 v51, v48  }
0x129: {  	[tilespmem:$0x210] =	vst v7;
	v8 =	vsub.f32 v8, v16;
	v54 =	vadd.s32 $0x1, v6;
	v55 =	vadd.s32 $0x200, v6  }
0x12a: {  	v7 =	vadd.s32 $0x201, v6;
	[tilespmem:$0x410] =	vst v6;
	v6 =	vnsel vm13, $0x1FE, v10;
	v12 =	vmax.f32 v12, $0.0e+00  }
0x12b: {  	v13 =	vtrunc.f32 v56;
	[tilespmem:$0x310] =	vst v8;
	v57 =	vcvt.s32.f32 v6;
	v12 =	vmin.f32 v12, $5.110000000e+02  }
0x12c: {  	v11 =	vshll.u32 v47, $0x9;
	v13 =	vcvt.f32.s32 v13;
	[tilespmem:$0x490] =	vst v54;
	v58 =	vtrunc.f32 v12  }
0x12d: {  	v59 =	vadd.s32 s20, v11;
	[tilespmem:$0x590] =	vst v7;
	v7 =	vsub.f32 v15, v57;
	v60 =	vcvt.f32.s32 v58  }
0x12e: {  	vm14 =	vlt.s32 v13, $0x1FE;
	[tilespmem:$0x510] =	vst v55;
	v6 =	vadd.s32 v6, v59  }
0x12f: {  	v61 =	vnsel vm14, $0x1FE, v13;
	[tilespmem:$0x220] =	vst v7;
	v7 =	vadd.s32 $0x1, v6;
	vm15 =	vlt.s32 v60, $0x1FE  }
0x130: {  	v63 =	vcvt.s32.f32 v61;
	[tilespmem:$0x4A0] =	vst v7;
	v7 =	vadd.s32 $0x200, v6;
	v62 =	vnsel vm15, $0x1FE, v60  }
0x131: {  	[tilespmem:$0x520] =	vst v7;
	v7 =	vcvt.s32.f32 v62  }
0x132: {  	v10 =	vsub.f32 v56, v63;
	[tilespmem:$0x420] =	vst v6;
	v6 =	vadd.s32 $0x201, v6  }
0x133: {  	[tilespmem:$0x5A0] =	vst v6;
	v6 =	vsub.f32 v12, v7;
	v7 =	vshll.u32 v61, $0x9  }
0x134: {  	[tilespmem:$0x330] =	vst v10;
	v7 =	vadd.s32 s20, v7  }
0x135: {  	v7 =	vadd.s32 v62, v7;
	[tilespmem:$0x230] =	vst v6  }
0x136: {  	[tilespmem:$0x430] =	vst v7;
	v6 =	vadd.s32 $0x1, v7  }
0x137: {  	[tilespmem:$0x4B0] =	vst v6;
	v6 =	vadd.s32 $0x200, v7  }
0x138: {  	[tilespmem:$0x530] =	vst v6;
	v6 =	vadd.s32 $0x201, v7  }
0x139: {  	s25 =	simm.s32 $0x400;
	s26 =	simm.s32 $0x800;
	[tilespmem:$0x5B0] =	vst v6  }
0x13a: {  	[tilespmem:s26], [sflag:$0x1] =	stream.indirect.gather [hbm4b:s5+s18], $0x80, s25, s18, $0xb8;
	[tilespmem:$0x14800] =	vst v63  }
0x13b: {  	s22 =	simm.s32 $0x2800;
	s21 =	simm.s32 $0x480  }
0x13c: {  	[tilespmem:s22], [sflag:$0x1] =	stream.indirect.gather [hbm4b:s5+s18], $0x80, s21, s18, $0xb8;
	[tilespmem:$0x14800] =	vst v63  }
0x13d: {  	s23 =	simm.s32 $0x500;
	s24 =	simm.s32 $0x4800  }
0x13e: {  	[tilespmem:s24], [sflag:$0x1] =	stream.indirect.gather [hbm4b:s5+s18], $0x80, s23, s18, $0xb8;
	[tilespmem:$0x14800] =	vst v63  }
0x13f: {  	s25 =	simm.s32 $0x580;
	s26 =	simm.s32 $0x6800  }
0x140: {  	[tilespmem:s26], [sflag:$0x1] =	stream.indirect.gather [hbm4b:s5+s18], $0x80, s25, s18, $0xb8;
	[tilespmem:$0x14800] =	vst v63  }
.LBB2_6:
0x141: {  	_ =	swait.ge [sflag:s13], $0x2000  }
0x142: {  	[sflag:s13] =	ssyncset.done $0x0  }
0x143: {  	[sflag:s13] =	ssyncadd.s32 $0xFFFFE000  }
0x144: {  	_ =	swait.ge [sflag:s13], $0x2000  }
0x145: {  	[sflag:s13] =	ssyncset.done $0x0  }
0x146: {  	[sflag:s13] =	ssyncadd.s32 $0xFFFFE000  }
0x147: {  	_ =	swait.ge [sflag:s13], $0x2000  }
0x148: {  	[sflag:s13] =	ssyncset.done $0x0  }
0x149: {  	[sflag:s13] =	ssyncadd.s32 $0xFFFFE000  }
0x14a: {  	_ =	swait.ge [sflag:s13], $0x2000  }
0x14b: {  	[sflag:s13] =	ssyncset.done $0x0  }
0x14c: {  	s12 =	simm.s32 @!p0 $0x4;
	[sflag:s13] =	ssyncadd.s32 $0xFFFFE000  }
0x14d: {  	_ =	swait.ge @!p0 [sflag:s12], $0x2000  }
0x14e: {  	[sflag:s12] =	ssyncset.done @!p0 $0x0  }
0x14f: {  	s20 =	simm.s32 $0x0;
	[sflag:s12] =	ssyncadd.s32 @!p0 $0xFFFFE000  }
0x150: {  	v23 =	vld [tilespmem:s20+$0xE820]  }
0x151: {  	v6 =	vld [tilespmem:s20+$0xC820]  }
0x152: {  	v13 =	vld [tilespmem:s20+$0xE840]  }
0x153: {  	v11 =	vld [tilespmem:s20+$0xE850]  }
0x154: {  	v9 =	vld [tilespmem:s20+$0xC830]  }
0x155: {  	v28 =	vld [tilespmem:s20+$0xA830]  }
0x156: {  	v18 =	vld [tilespmem:s20+$0xE830]  }
0x157: {  	v8 =	vld [tilespmem:s20+$0x8830]  }
0x158: {  	v10 =	vld [tilespmem:s20+$0x8840]  }
0x159: {  	v16 =	vld [tilespmem:s20+$0xA850]  }
0x15a: {  	v20 =	vld [tilespmem:s20+$0xA840]  }
0x15b: {  	v12 =	vld [tilespmem:s20+$0x8850]  }
0x15c: {  	v7 =	vld [tilespmem:s20+$0xC840]  }
0x15d: {  	v24 =	vld [tilespmem:s20+$0xA820]  }
0x15e: {  	v19 =	vld [tilespmem:s20+$0xC810]  }
0x15f: {  	v15 =	vld [tilespmem:s20+$0x8820]  }
0x160: {  	v30 =	vld [tilespmem:s20+$0xE800]  }
0x161: {  	v21 =	vld [tilespmem:s20+$0x8810]  }
0x162: {  	v25 =	vld [tilespmem:s20+$0xE810]  }
0x163: {  	v17 =	vld [tilespmem:s20+$0xC800]  }
0x164: {  	v26 =	vld [tilespmem:s20+$0xA810]  }
0x165: {  	s26 =	simm.s32 $0x280;
	v14 =	vsub.f32 v13, v7;
	v22 =	vsub.f32 v18, v9;
	v13 =	vld [tilespmem:s20+$0x8800]  }
0x166: {  	v20 =	vsub.f32 v20, v10;
	v18 =	vld.msk [tilespmem:s26+$0x0 ss:$0x0], $0xffff;
	v23 =	vsub.f32 v23, v6  }
0x167: {  	v29 =	vsub.f32 v25, v19;
	v25 =	vld [tilespmem:s20+$0xC850];
	v27 =	vsub.f32 v24, v15  }
0x168: {  	s21 =	simm.s32 $0x380;
	s22 =	simm.s32 $0x281;
	s12 =	simm.s32 $0x200;
	v24 =	vld [tilespmem:s20+$0xA800];
	v30 =	vsub.f32 v30, v17;
	v28 =	vsub.f32 v28, v8  }
.LBB2_7:
0x169: {  	s23 =	smov.u32 s12  }
0x16a: {  	s24 =	sshra.s32 s12, $0x2;
	v31 =	vld.msk [tilespmem:s21+$0x0 ss:$0x0], $0xffff;
	v26 =	vsub.f32 v26, v21;
	s21 =	sadd.s32 $0x1, s21;
	s23 =	sadd.s32 $0x200, s12  }
0x16b: {  	p0 =	sne.s32 s12, $0x7E00;
	v16 =	vsub.f32 v16, v12;
	v32 =	vld [tilespmem:s24+$0xE820]  }
0x16c: {  	v30 =	vmul.f32 v30, v18;
	v26 =	vmul.f32 v26, v18;
	v34 =	vsub.f32 v11, v25;
	v33 =	vld [tilespmem:s24+$0xC820]  }
0x16d: {  	v29 =	vmul.f32 v29, v18;
	v16 =	vmul.f32 v16, v18;
	v35 =	vld [tilespmem:s24+$0xE840]  }
0x16e: {  	v21 =	vadd.f32 v26, v21;
	v26 =	vmul.f32 v27, v18;
	v27 =	vmul.f32 v34, v18;
	v11 =	vld [tilespmem:s24+$0xE850]  }
0x16f: {  	v23 =	vmul.f32 v23, v18;
	v28 =	vmul.f32 v28, v18;
	v19 =	vadd.f32 v29, v19;
	v34 =	vld [tilespmem:s24+$0xC830]  }
0x170: {  	v22 =	vmul.f32 v22, v18;
	v29 =	vadd.f32 v16, v12;
	v12 =	vadd.f32 v27, v25;
	v36 =	vld [tilespmem:s24+$0xA830]  }
0x171: {  	v20 =	vmul.f32 v20, v18;
	v26 =	vadd.f32 v26, v15;
	v15 =	vadd.f32 v28, v8;
	v25 =	vld [tilespmem:s24+$0xE830]  }
0x172: {  	v37 =	vadd.f32 v22, v9;
	v12 =	vsub.f32 v12, v29;
	v8 =	vld [tilespmem:s24+$0x8830]  }
0x173: {  	v17 =	vadd.f32 v30, v17;
	v24 =	vsub.f32 v24, v13;
	v22 =	vld [tilespmem:s24+$0x8840]  }
0x174: {  	v14 =	vmul.f32 v14, v18;
	v27 =	vsub.f32 v37, v15;
	v28 =	vmul.f32 v12, v31;
	v16 =	vld [tilespmem:s24+$0xA850];
	v9 =	vmovc v34  }
0x175: {  	v20 =	vadd.f32 v20, v10;
	v18 =	vmul.f32 v24, v18;
	v19 =	vsub.f32 v19, v21;
	v30 =	vld [tilespmem:s24+$0xA840]  }
0x176: {  	v14 =	vadd.f32 v14, v7;
	v34 =	vmul.f32 v27, v31;
	v24 =	vadd.f32 v28, v29;
	v12 =	vld [tilespmem:s24+$0x8850]  }
0x177: {  	v23 =	vadd.f32 v23, v6;
	v13 =	vadd.f32 v18, v13;
	v18 =	vmul.f32 v19, v31;
	v6 =	vmovc v33;
	v7 =	vld [tilespmem:s24+$0xC840]  }
0x178: {  	v14 =	vsub.f32 v14, v20;
	v28 =	vadd.f32 v34, v15;
	v27 =	vld [tilespmem:s24+$0xA820];
	[tilespmem:s20+$0x12850] =	vst v24;
	v10 =	vmov v22  }
0x179: {  	v17 =	vsub.f32 v17, v13;
	v22 =	vsub.f32 v23, v26;
	v19 =	vld [tilespmem:s24+$0xC810]  }
0x17a: {  	v18 =	vadd.f32 v18, v21;
	v23 =	vmul.f32 v14, v31;
	v15 =	vld [tilespmem:s24+$0x8820];
	[tilespmem:s20+$0x12830] =	vst v28  }
0x17b: {  	v17 =	vmul.f32 v17, v31;
	v22 =	vmul.f32 v22, v31;
	v28 =	vld [tilespmem:s24+$0xE800]  }
0x17c: {  	v21 =	vld [tilespmem:s24+$0x8810];
	v14 =	vsub.f32 v35, v7;
	[tilespmem:s20+$0x12810] =	vst v18;
	v18 =	vadd.f32 v23, v20  }
0x17d: {  	v13 =	vadd.f32 v17, v13;
	v23 =	vadd.f32 v22, v26;
	v24 =	vld [tilespmem:s24+$0xE810]  }
0x17e: {  	v26 =	vld [tilespmem:s24+$0xA810];
	[tilespmem:s20+$0x12840] =	vst v18  }
0x17f: {  	v22 =	vsub.f32 v25, v9;
	v17 =	vld [tilespmem:s24+$0xC800];
	[tilespmem:s20+$0x12800] =	vst v13  }
.Ltmp2:
0x180: {  	v20 =	vsub.f32 v30, v10;
	v13 =	vld [tilespmem:s24+$0x8800];
	[tilespmem:s20+$0x12820] =	vst v23;
	s20 =	smov.u32 s24;
	(pc) =	sbr.rel @p0 .LBB2_7-.Ltmp2, $4  }
0x181: {  	v23 =	vsub.f32 v32, v6;
	v18 =	vld.msk [tilespmem:s22+$0x0 ss:$0x0], $0xffff  }
0x182: {  	v29 =	vsub.f32 v24, v19;
	v25 =	vld [tilespmem:s20+$0xC850]  }
0x183: {  	v27 =	vsub.f32 v27, v15  }
0x184: {  	s12 =	smov.u32 s23;
	s22 =	sadd.s32 $0x1, s22;
	v24 =	vld [tilespmem:s20+$0xA800];
	v30 =	vsub.f32 v28, v17;
	v28 =	vsub.f32 v36, v8  }
0x185: {  	_ = 	snop  }
0x186: {  	v29 =	vmul.f32 v29, v18  }
0x187: {  	v26 =	vsub.f32 v26, v21;
	v50 =	vmul.f32 v27, v18;
	v51 =	vmul.f32 v28, v18  }
0x188: {  	v16 =	vsub.f32 v16, v12;
	v22 =	vmul.f32 v22, v18;
	v54 =	vmul.f32 v30, v18  }
0x189: {  	v20 =	vmul.f32 v20, v18;
	v11 =	vsub.f32 v11, v25;
	v19 =	vadd.f32 v29, v19  }
0x18a: {  	v14 =	vmul.f32 v14, v18;
	v15 =	vadd.f32 v50, v15;
	v8 =	vadd.f32 v51, v8  }
0x18b: {  	v53 =	vld.msk [tilespmem:s21+$0x0 ss:$0x0], $0xffff;
	v56 =	vmul.f32 v23, v18;
	v9 =	vadd.f32 v22, v9;
	v17 =	vadd.f32 v54, v17  }
0x18c: {  	v26 =	vmul.f32 v26, v18;
	v10 =	vadd.f32 v20, v10;
	v7 =	vadd.f32 v14, v7  }
0x18d: {  	v16 =	vmul.f32 v16, v18;
	v6 =	vadd.f32 v56, v6;
	v55 =	vsub.f32 v24, v13  }
0x18e: {  	v49 =	vadd.f32 v26, v21;
	v11 =	vmul.f32 v11, v18;
	v9 =	vsub.f32 v9, v8  }
0x18f: {  	v52 =	vadd.f32 v16, v12;
	v7 =	vsub.f32 v7, v10;
	v22 =	vmul.f32 v55, v18  }
0x190: {  	v6 =	vsub.f32 v6, v15;
	v11 =	vadd.f32 v11, v25;
	v9 =	vmul.f32 v9, v53  }
0x191: {  	v57 =	vsub.f32 v19, v49;
	v7 =	vmul.f32 v7, v53;
	v58 =	vadd.f32 v22, v13  }
0x192: {  	v6 =	vmul.f32 v6, v53;
	v11 =	vsub.f32 v11, v52;
	v8 =	vadd.f32 v9, v8  }
0x193: {  	v59 =	vmul.f32 v57, v53;
	v7 =	vadd.f32 v7, v10;
	v60 =	vsub.f32 v17, v58  }
0x194: {  	s16 =	sadd.s32 $0x1, s16;
	v6 =	vadd.f32 v6, v15;
	v11 =	vmul.f32 v11, v53;
	[tilespmem:s20+$0x12830] =	vst v8  }
0x195: {  	p0 =	sne.s32 s16, $0x80;
	v61 =	vadd.f32 v59, v49;
	[tilespmem:s20+$0x12840] =	vst v7;
	v62 =	vmul.f32 v60, v53  }
.Ltmp3:
0x196: {  	[tilespmem:s20+$0x12820] =	vst v6;
	v11 =	vadd.f32 v11, v52;
	(pc) =	sbr.rel @p0 .LBB2_2-.Ltmp3, $4  }
0x197: {  	[tilespmem:s20+$0x12810] =	vst v61;
	v63 =	vadd.f32 v62, v58  }
0x198: {  	s12 =	sshll.u32 s19, $0xA;
	[tilespmem:s20+$0x12850] =	vst v11  }
0x199: {  	s12 =	sadd.s32 s12, s11;
	[tilespmem:s20+$0x12800] =	vst v63  }
0x19a: {  	[hbm4b:s12+s4] =	stream.linear.scatter [tilespmem:s15], [sflag:$0x4], $0x2000, $0x38;
	[tilespmem:$0x14800] =	vst v63  }
0x19b: {  	s12 =	simm.s32 $0x3  }
0x19c: {  	_ =	swait.ge [sflag:s12], $0x2000  }
0x19d: {  	[sflag:s12] =	ssyncset.done $0x0  }
0x19e: {  	s16 =	simm.s32 $0x4;
	[sflag:s12] =	ssyncadd.s32 $0xFFFFE000  }
0x19f: {  	_ =	swait.ge [sflag:s16], $0x2000  }
0x1a0: {  	s19 =	rddreg [dreg:$0x9]  }
0x1a1: {  	s26 =	rddreg [dreg:$0x8];
	s19 =	sadd.s32 $0x1, s19  }
0x1a2: {  	p0 =	sne.s32 s19, s26  }
.Ltmp4:
0x1a3: {  	_ = 	snop;
	(pc) =	sbr.rel @p0 .LBB2_1-.Ltmp4, $3  }
0x1a4: {  	_ =	sdelay $0x1  }
0x1a5: {  	[sflag:s16] =	ssyncset.done $0x0  }
0x1a6: {  	[sflag:s16] =	ssyncadd.s32 $0xFFFFE000  }
0x1a7: {  	_ =	sfence.sel $0x180000  }
0x1a8: {  	[bflag:$0x0] =	sbarrier.arrive $0xFFFF  }
0x1a9: {  	_ =	strace $0x90000047  }
0x1aa: {  	s0 =	stileid.u32;
	[bflag:$0x2] =	sbarrier.arrive $0xFFFF  }
0x1ab: {  	p0 =	sne.s32 s0, $0x0;
	s0 =	rddreg [dreg:$0x2]  }
0x1ac: {  	s0 =	sadd.s32 @!p0 $0x100000, s0  }
0x1ad: {  	[sflag:s0] =	ssyncadd.tile.s32 @!p0 $0x1;
	_ =	shalt  }
.Lfunc_end2:
_tile_overlayer_lowered:
.L_overlay_start_2:
0x1ae: {  	(tag) =	ssettag $0x2  }
0x1af: {  	s0 =	rddreg [dreg:$0x0];
	s2 =	stileid.u32  }
0x1b0: {  	s1 =	rddreg [dreg:$0x1];
	p0 =	sne.s32 s2, $0x0  }
0x1b1: {  	s3 =	rddreg [dreg:$0x2];
	[bflag:$0x3] =	sbarrier.arrive $0xFFFF;
	s2 =	simm.s32 @!p0 $0x1C07  }
0x1b2: {  	[timem:s3], [sflag:s2] =	dma.local @!p0 [hbm:s0], s1  }
0x1b3: {  	s0 =	simm.s32 @!p0 $0x7  }
0x1b4: {  	_ =	swait.ge @!p0 [sflag:s0], s1  }
0x1b5: {  	s1 =	ssub.s32 @!p0 $0x0, s1;
	[sflag:s0] =	ssyncset.done @!p0 $0x0  }
0x1b6: {  	[sflag:s0] =	ssyncadd.s32 @!p0 s1  }
0x1b7: {  	[bflag:$0x3] =	sbarrier.arrive $0xFFFF  }
0x1b8: {  	_ =	shalt  }

// kernel: sparse-core-data-format-call.cloned.1.call-start
scs
called_computation_lowered:
.L_overlay_start_0:
0x0: {  	s2 =	sld [smem:$0x3FD9]  }
0x1: {  	s3 =	sld [smem:$0x3FFE];
	_ =	sdelay $0x1  }
0x2: {  	s1 =	srdreg.scid  }
0x3: {  	s0 =	sand.u32 $0x1, s1  }
0x4: {  	s18 =	sshll.u32 s0, $0xA;
	s2 =	sadd.s32 s3, s2  }
0x5: {  	s2 =	sadd.s32 s2, s18  }
0x6: {  	[smem:$0x3FC6] =	sst s2  }
0x7: {  	_ = 	snop  }
0x8: {  	s2 =	sld [smem:$0x3FD0];
	(tm) =	ssettm $0x1  }
0x9: {  	s19 =	sld [smem:$0x3FFB];
	_ =	sdelay $0x3  }
0xa: {  	_ =	strace s19  }
0xb: {  	s3 =	sld [smem:$0x3FFC];
	_ =	sdelay $0x3  }
0xc: {  	_ =	strace s3  }
0xd: {  	s3 =	sld [smem:$0x3FFD];
	_ =	sdelay $0x3  }
0xe: {  	_ =	strace s3  }
0xf: {  	_ =	strace $0x8FFFFFFF  }
0x10: {  	s20 =	sld [smem:$0x3FDB];
	_ =	sdelay $0x1  }
0x11: {  	s4 =	simm.s32 $_scs_section_size  }
0x12: {  	s5 =	simm.s32 $_size__tile_overlayer_lowered;
	s6 =	simm.s32 $_tile_overlayer_lowered  }
0x13: {  	s23 =	simm.s32 $0x1BFF;
	s22 =	sshll.u32 s6, $0x1;
	s3 =	sadd.s32 s4, s20  }
0x14: {  	s7 =	simm.s32 $0x0;
	s21 =	sshll.u32 s5, $0x1;
	s5 =	sadd.s32 s22, s3  }
0x15: {  	[timem:s7], [sflag:s23] =	dma.local [hbm:s5], s21  }
0x16: {  	_ =	swait.ge [sflag:s23], s21  }
0x17: {  	s4 =	ssub.s32 $0x0, s21;
	[sflag:s23] =	ssyncset.done $0x0  }
0x18: {  	[sflag:s23] =	ssyncadd.s32 s4;
	_ =	sdelay $0x1  }
0x19: {  	s24 =	simm.s32 $0x1B8B  }
0x1a: {  	_ =	swait.ge [sflag:s24], $0x1  }
0x1b: {  	[sflag:s24] =	ssyncset.done $0x0  }
0x1c: {  	s26 =	simm.s32 $0x1B8E;
	s25 =	sld [smem:$0x3FFE];
	[sflag:s24] =	ssyncadd.s32 $0xFFFFFFFF  }
0x1d: {  	s27 =	simm.s32 $execute0_lowered;
	[smem:$0x3FD2] =	sst s26  }
0x1e: {  	s5 =	sshll.u32 s27, $0x1;
	_ =	strace $0x80000049;
	[dreg:$0x1] =	wrdreg $0xFFFFFFFF  }
0x1f: {  	s28 =	simm.s32 $_size_execute0_lowered;
	s3 =	sadd.s32 s3, s5;
	[dreg:$0x0] =	wrdreg $0x0  }
0x20: {  	s5 =	sshll.u32 s28, $0x1;
	[dreg:$0x2] =	wrdreg s3  }
0x21: {  	[dreg:$0x3] =	wrdreg s5  }
0x22: {  	[dreg:$0x4] =	wrdreg $0xC0  }
0x23: {  	_ =	task [dreg:s7], $0x5FFFF  }
0x24: {  	[dreg:$0x1] =	wrdreg $0xFFFFFFFF  }
0x25: {  	[dreg:$0x0] =	wrdreg $0x60  }
0x26: {  	[dreg:$0x2] =	wrdreg s25  }
0x27: {  	[dreg:$0x3] =	wrdreg s2  }
0x28: {  	[dreg:$0x4] =	wrdreg $0x9  }
0x29: {  	_ =	task.clear_ibuf [dreg:s7], $0x5FFFF;
	_ =	strace $0x90000049  }
0x2a: {  	s29 =	simm.s32 $0x9;
	_ =	strace $0x8000004B  }
0x2b: {  	_ =	swait.ge [sflag:s29], $0x1  }
0x2c: {  	[sflag:s29] =	ssyncadd.s32 $0xFFFFFFFF  }
0x2d: {  	_ =	strace $0x9000004B  }
0x2e: {  	_ =	sfence  }
0x2f: {  	s30 =	sld [smem:$0x0];
	_ =	sdelay $0x2  }
0x30: {  	s31 =	sshll.u32 s1, $0xD;
	s1 =	sshrl.u32 s1, $0x2  }
0x31: {  	s3 =	sand.u32 $0x4000, s31;
	s1 =	sadd.s32 s1, s30  }
0x32: {  	s0 =	sor.u32 s3, s0;
	s1 =	sshll.u32 s1, $0x11  }
0x33: {  	s0 =	sor.u32 s1, s0  }
0x34: {  	s0 =	sadd.s32 $0x8F2B, s0  }
0x35: {  	[sflag:s0] =	ssyncadd.remote.s32 $0x1  }
0x36: {  	_ =	sfence.sel $0xFFFF  }
0x37: {  	[dreg:$0x0] =	wrdreg $0xFFFFFFFF;
	(pc) =	sbr.abs _section_cstart, $3  }
0x38: {  	[dreg:$0x1] =	wrdreg $0xFFFFFFFF  }
0x39: {  	_ =	task.clear_ibuf [dreg:s7], $0x2FFFF;
	_ =	strace $0x9FFFFFFF  }
0x3a: {  	(tm) =	ssettm $0x7FFFFFFF  }
0x3b: {  	_ =	shalt  }
tec
execute0_lowered:
.L_overlay_start_1:
0x0: {  	(tag) =	ssettag $0x1  }
0x1: {  	s4 =	rddreg [dreg:$0x0]  }
0x2: {  	s2 =	rddreg [dreg:$0x1]  }
0x3: {  	s0 =	rddreg [dreg:$0x2]  }
0x4: {  	s1 =	stileid.u32;
	s3 =	srdreg.scid  }
0x5: {  	_ =	strace $0x8000004A;
	s31 =	simm.s32 $0x2;
	s17 =	simm.s32 $0x0  }
0x6: {  	p0 =	por $0x0, $0x0;
	s9 =	simm.s32 $0x1000;
	s18 =	simm.s32 $0x0  }
0x7: {  	s19 =	simm.s32 $0x0;
	s10 =	simm.s32 $0x0;
	s11 =	simm.s32 $0x0  }
0x8: {  	s12 =	simm.s32 $0x0;
	s13 =	simm.s32 $0x0;
	s16 =	simm.s32 $0x0  }
0x9: {  	s5 =	sshll.u32 s3, $0x4;
	s3 =	sand.u32 $0x1, s1;
	s4 =	sadd.s32 $0x10A00, s4  }
.Ltmp0:
0xa: {  	s5 =	sand.u32 $0x10, s5;
	s6 =	ssub.s32 $0x2, s3;
	(pc) =	sbr.rel .LBB1_1-.Ltmp0, $4  }
0xb: {  	s15 =	smov.u32 s3;
	s7 =	sshrl.u32 s6, $0x1;
	s8 =	sand.u32 $0x1, s6  }
0xc: {  	s5 =	sor.u32 s1, s5;
	s6 =	simm.s32 $0x1;
	s7 =	sadd.s32 s8, s7  }
0xd: {  	s5 =	sshrl.u32 s5, $0x1;
	[sflag:s6] =	ssyncpa.u1 $0x0;
	s7 =	sshll.u32 s7, $0x7  }
0xe: {  	[sflag:s31] =	ssyncpa.u1 $0x0;
	s14 =	smov.u32 s5;
	s8 =	sor.u32 $0x1, s7  }
.LBB1_4:
0xf: {  	s24 =	sshra.s32 s24, $0x2;
	s28 =	sshrl.u32 s10, $0x6  }
0x10: {  	p1 =	sgt.s32 s12, $0x1;
	s25 =	smov.u32 s12;
	s26 =	sshra.s32 s12, $0x1F  }
0x11: {  	s29 =	sshra.s32 s11, $0x1F;
	p2 =	sgt.s32 s10, $0x180;
	s31 =	sshra.s32 s10, $0x1F  }
0x12: {  	s23 =	sadd.s32 s24, s23;
	s24 =	sand.u32 $0x7FFFFE, s28;
	s25 =	simm.s32 @!p1 $0x1  }
0x13: {  	s26 =	sand.u32 s26, s12;
	p1 =	sgt.s32 s11, $0x1FF;
	s28 =	smov.u32 s11  }
0x14: {  	s29 =	sand.u32 s29, s11;
	s26 =	sxor.u32 $0xFFFFFFFF, s26;
	s28 =	simm.s32 @!p1 $0x1FF  }
0x15: {  	v5 =	vld [tilespmem:s21+$0xFFFFFFD0];
	[tilespmem:s22+$0x2040 ss:$0x81] =	vst.msk $0xffff, v4;
	s27 =	smulhi.u32 $0x2AAAAAB, s24;
	s25 =	sadd.s32 s26, s25;
	s26 =	ssub.s32 s28, s29  }
0x16: {  	v58 =	vld [tilespmem:s21+$0xFFFFFFE0];
	[tilespmem:s22+$0x2850 ss:$0x81] =	vst.msk $0xffff, v3;
	s28 =	smov.u32 s10;
	s29 =	sand.u32 s31, s10;
	s31 =	smul.u32 $0x300000, s12  }
0x17: {  	v59 =	vld [tilespmem:s21+$0xFFFFFFF0];
	[tilespmem:s22+$0x3060 ss:$0x81] =	vst.msk $0xffff, v2;
	p1 =	sgt.s32 s25, $0x0;
	s25 =	ssub.s32 $0x1, s25;
	s30 =	sadd.s32 $0xFFFFFE01, s26  }
0x18: {  	[tilespmem:s22+$0x0 ss:$0x81] =	vst.msk $0xffff, v1;
	v60 =	vld [tilespmem:s21+$0x0];
	s28 =	simm.s32 @!p2 $0x180;
	s22 =	smul.u32 $0x60, s27;
	s26 =	ssub.s32 $0x200, s26  }
0x19: {  	v61 =	vld [tilespmem:s21+$0x10];
	[tilespmem:s23+$0x3870 ss:$0x81] =	vst.msk $0xffff, v0;
	p2 =	sgt.s32 s30, $0x0;
	s25 =	smul.u32 $0x60, s25;
	s27 =	ssub.s32 s28, s29  }
0x1a: {  	v62 =	vld [tilespmem:s21+$0x20];
	[tilespmem:s23+$0x810 ss:$0x81] =	vst.msk $0xffff, v5;
	s28 =	sshrl.u32 s10, $0x3;
	s26 =	simm.s32 @p2 $0x0;
	s30 =	sadd.s32 $0xFFFFFE80, s27  }
0x1b: {  	v63 =	vld [tilespmem:s21+$0xFFFFFFC0];
	[tilespmem:s23+$0x1020 ss:$0x81] =	vst.msk $0xffff, v58;
	s21 =	ssub.s32 $0x200, s27;
	s27 =	smul.u32 $0x1800, s11;
	s25 =	simm.s32 @p1 $0x0  }
0x1c: {  	[tilespmem:s23+$0x1830 ss:$0x81] =	vst.msk $0xffff, v59;
	s29 =	sand.u32 $0x7, s10;
	p1 =	sgt.s32 s30, $0x7F;
	s25 =	smul.u32 s26, s25  }
0x1d: {  	[tilespmem:s23+$0x2040 ss:$0x81] =	vst.msk $0xffff, v60;
	s22 =	ssub.s32 s24, s22;
	s21 =	simm.s32 @p1 $0x0;
	s26 =	sadd.s32 s2, s31  }
0x1e: {  	[tilespmem:s23+$0x2850 ss:$0x81] =	vst.msk $0xffff, v61;
	s24 =	sadd.s32 s27, s26;
	s21 =	smul.u32 s21, s25;
	s25 =	sand.u32 $0xF, s28  }
0x1f: {  	[tilespmem:s23+$0x3060 ss:$0x81] =	vst.msk $0xffff, v62;
	s22 =	sshll.u32 s22, $0x6;
	s30 =	sshll.u32 s29, $0x12;
	s24 =	sadd.s32 s25, s24  }
0x20: {  	[tilespmem:s23+$0x0 ss:$0x81] =	vst.msk $0xffff, v63;
	s31 =	sor.u32 $0x400, s30;
	s21 =	sand.u32 $0x3FFFFFE0, s21;
	s22 =	sadd.s32 s22, s24  }
0x21: {  	[hbm4b:s22+s31] =	stream.strided.scatter [tilespmem:s20], [sflag:$0x2], s21, s9, s31, $0x20;
	[tilespmem:$0x10100] =	vst v63  }
.LBB1_5:
0x22: {  	p1 =	slt.u32 s16, $0x2;
	s21 =	smov.u32 s19  }
0x23: {  	p2 =	sgt.s32 @!p1 s19, $0x1;
	s20 =	sshra.s32 @!p1 s19, $0x1F;
	s22 =	sshra.s32 @!p1 s17, $0x1F  }
0x24: {  	p2 =	por !p2, p1;
	s19 =	sand.u32 @!p1 s20, s19;
	s20 =	smov.u32 s18  }
0x25: {  	s21 =	simm.s32 @p2 $0x1;
	s19 =	sxor.u32 @!p1 $0xFFFFFFFF, s19;
	p2 =	sgt.s32 @!p1 s18, $0x1FF  }
0x26: {  	s19 =	sadd.s32 @!p1 s19, s21;
	p3 =	por !p2, p1;
	s21 =	sshra.s32 @!p1 s18, $0x1F  }
0x27: {  	p2 =	sgt.s32 @!p1 s19, $0x0;
	s20 =	simm.s32 @p3 $0x1FF;
	s18 =	sand.u32 @!p1 s21, s18  }
0x28: {  	s19 =	ssub.s32 @!p1 $0x1, s19;
	p3 =	sgt.s32 @!p1 s17, $0x180;
	s21 =	smov.u32 s17  }
0x29: {  	s17 =	sand.u32 @!p1 s22, s17;
	s18 =	ssub.s32 @!p1 s20, s18;
	p3 =	por !p3, p1  }
0x2a: {  	s19 =	smul.u32 @!p1 $0x60, s19;
	s20 =	sadd.s32 @!p1 $0xFFFFFE01, s18;
	s21 =	simm.s32 @p3 $0x180  }
0x2b: {  	p2 =	por !p2, p1;
	p3 =	sgt.s32 @!p1 s20, $0x0;
	s17 =	ssub.s32 @!p1 s21, s17  }
0x2c: {  	s18 =	ssub.s32 @!p1 $0x200, s18;
	p3 =	por !p3, p1;
	s20 =	sadd.s32 @!p1 $0xFFFFFE80, s17  }
0x2d: {  	s19 =	simm.s32 @!p2 $0x0;
	s18 =	simm.s32 @!p3 $0x0;
	p3 =	sgt.s32 @!p1 s20, $0x7F  }
0x2e: {  	s17 =	ssub.s32 @!p1 $0x200, s17;
	p2 =	por !p3, p1;
	s18 =	smul.u32 @!p1 s18, s19  }
0x2f: {  	s21 =	smov.u32 s14;
	s20 =	sadd.s32 $0x80, s13;
	s17 =	simm.s32 @!p2 $0x0  }
0x30: {  	p2 =	sgt.s32 s20, $0x1FF;
	s17 =	smul.u32 @!p1 s17, s18;
	s18 =	sadd.s32 $0x10, s14  }
0x31: {  	s21 =	smov.u32 @p2 s18  }
0x32: {  	s23 =	smov.u32 s15;
	s18 =	sadd.s32 $0x2, s15;
	p3 =	sgt.s32 s21, $0x1FF  }
0x33: {  	p0 =	por !p0, !p0;
	s22 =	simm.s32 @!p1 $0x2;
	s23 =	smov.u32 @p3 s18  }
0x34: {  	s19 =	smov.u32 s12;
	s20 =	simm.s32 @p2 $0x0;
	p2 =	sgt.s32 s23, $0x1  }
0x35: {  	s17 =	sand.u32 @!p1 $0x3FFFFFE0, s17;
	s23 =	smov.u32 @p2 s3;
	p2 =	sne.s32 s16, s8  }
.Ltmp1:
0x36: {  	s12 =	smov.u32 s15;
	_ =	swait.ge @!p1 [sflag:s22], s17;
	(pc) =	sbr.rel @!p2 .LBB1_6-.Ltmp1, $4  }
0x37: {  	s24 =	ssub.s32 @!p1 $0x0, s17;
	s21 =	smov.u32 @p3 s5;
	s17 =	smov.u32 s10  }
0x38: {  	s18 =	smov.u32 s11;
	s10 =	smov.u32 s13;
	s11 =	smov.u32 s14  }
0x39: {  	s13 =	smov.u32 s20;
	[sflag:s22] =	ssyncset.done @!p1 $0x0;
	s14 =	smov.u32 s21  }
0x3a: {  	s16 =	sadd.s32 $0x1, s16;
	[sflag:s22] =	ssyncadd.s32 @!p1 s24;
	s15 =	smov.u32 s23  }
.LBB1_1:
0x3b: {  	p1 =	sge.u32 s16, s7  }
0x3c: {  	s31 =	sadd.s32 $0xFFFFFFFF, s16;
	s20 =	sxor.u32 @!p1 $0xFFFFFFFF, s16;
	s21 =	sshll.u32 @!p1 s15, $0x16  }
0x3d: {  	s22 =	sshll.u32 @!p1 s14, $0xD;
	s23 =	sshll.u32 @!p1 s13, $0x4;
	s21 =	sadd.s32 @!p1 s4, s21  }
0x3e: {  	s20 =	sshll.u32 @!p1 s20, $0xE;
	s23 =	sand.u32 @!p1 $0x1FF0, s23;
	s21 =	sadd.s32 @!p1 s22, s21  }
0x3f: {  	s20 =	sand.u32 @!p1 $0x4000, s20;
	s22 =	simm.s32 @!p1 $0x0;
	s21 =	sadd.s32 @!p1 s23, s21  }
0x40: {  	[tilespmem:s20], [sflag:$0x1] =	stream.linear.gather @!p1 [hbm4b:s21+s22], $0x4000, $0x38;
	[tilespmem:$0x10100] =	vst v63  }
0x41: {  	p1 =	sge.u32 s31, s7  }
.Ltmp2:
0x42: {  	_ = 	snop;
	(pc) =	sbr.rel @p1 .LBB1_5-.Ltmp2, $1  }
0x43: {  	_ =	sdelay $0x3  }
0x44: {  	s20 =	simm.s32 $0x1  }
0x45: {  	_ =	swait.ge [sflag:s6], $0x4000;
	s20 =	simm.s32 @!p0 $0x0  }
0x46: {  	[sflag:s6] =	ssyncset.done $0x0;
	s21 =	sshll.u32 s20, $0xE  }
0x47: {  	[sflag:s6] =	ssyncadd.s32 $0xFFFFC000;
	s21 =	sor.u32 $0x40, s21  }
0x48: {  	s20 =	smul.u32 $0x10200, s20;
	v0 =	vld [tilespmem:s21+$0x30]  }
0x49: {  	v1 =	vld [tilespmem:s21+$0xFFFFFFD0]  }
0x4a: {  	s20 =	sshrl.u32 s20, $0x2;
	v5 =	vld [tilespmem:s21+$0xFFFFFFE0]  }
0x4b: {  	v6 =	vld [tilespmem:s21+$0xFFFFFFF0];
	s23 =	sor.u32 $0x8000, s20  }
0x4c: {  	s31 =	sand.u32 $0x1, s16;
	v4 =	vld [tilespmem:s21+$0x0];
	s22 =	sadd.s32 $0x0, s23  }
0x4d: {  	v3 =	vld [tilespmem:s21+$0x10];
	s20 =	smul.u32 $0x10200, s31;
	[tilespmem:s22+$0x3870 ss:$0x81] =	vst.msk $0xffff, v0  }
0x4e: {  	v2 =	vld [tilespmem:s21+$0x20];
	[tilespmem:s22+$0x810 ss:$0x81] =	vst.msk $0xffff, v1  }
0x4f: {  	s20 =	sshrl.u32 s20, $0x2;
	v1 =	vld [tilespmem:s21+$0xFFFFFFC0];
	[tilespmem:s22+$0x1020 ss:$0x81] =	vst.msk $0xffff, v5;
	s21 =	sadd.s32 $0x80, s21  }
0x50: {  	s24 =	simm.s32 $0x4;
	s25 =	simm.s32 $0x8;
	s20 =	sor.u32 $0x8000, s20;
	[tilespmem:s22+$0x1830 ss:$0x81] =	vst.msk $0xffff, v6;
	v0 =	vld [tilespmem:s21+$0x30]  }
.LBB1_3:
0x51: {  	p1 =	sne.s32 s25, $0x1FC;
	v5 =	vld [tilespmem:s21+$0xFFFFFFD0];
	[tilespmem:s22+$0x2040 ss:$0x81] =	vst.msk $0xffff, v4  }
0x52: {  	v6 =	vld [tilespmem:s21+$0xFFFFFFE0];
	[tilespmem:s22+$0x2850 ss:$0x81] =	vst.msk $0xffff, v3  }
0x53: {  	s26 =	sshra.s32 s24, $0x2;
	s24 =	smov.u32 s25;
	v7 =	vld [tilespmem:s21+$0xFFFFFFF0];
	[tilespmem:s22+$0x3060 ss:$0x81] =	vst.msk $0xffff, v2  }
.Ltmp3:
0x54: {  	v4 =	vld [tilespmem:s21+$0x0];
	[tilespmem:s22+$0x0 ss:$0x81] =	vst.msk $0xffff, v1;
	s22 =	sadd.s32 s26, s23;
	(pc) =	sbr.rel @p1 .LBB1_3-.Ltmp3, $4  }
0x55: {  	v3 =	vld [tilespmem:s21+$0x10];
	[tilespmem:s22+$0x3870 ss:$0x81] =	vst.msk $0xffff, v0  }
0x56: {  	[tilespmem:s22+$0x810 ss:$0x81] =	vst.msk $0xffff, v5;
	v2 =	vld [tilespmem:s21+$0x20]  }
0x57: {  	v1 =	vld [tilespmem:s21+$0xFFFFFFC0];
	[tilespmem:s22+$0x1020 ss:$0x81] =	vst.msk $0xffff, v6;
	s21 =	sadd.s32 $0x80, s21  }
0x58: {  	s25 =	sadd.s32 $0x4, s25;
	v0 =	vld [tilespmem:s21+$0x30];
	[tilespmem:s22+$0x1830 ss:$0x81] =	vst.msk $0xffff, v7  }
.Ltmp4:
0x59: {  	_ = 	snop;
	(pc) =	sbr.rel .LBB1_4-.Ltmp4, $1  }
0x5a: {  	_ =	sdelay $0x3  }
.LBB1_6:
0x5b: {  	_ =	sfence.sel $0x180000  }
0x5c: {  	s2 =	simm.s32 $0x1;
	[bflag:$0x0] =	sbarrier.arrive $0xFFFF  }
0x5d: {  	s31 =	simm.s32 $0x2;
	[sflag:s2] =	ssyncpa.u1 $0x1  }
0x5e: {  	[sflag:s31] =	ssyncpa.u1 $0x1  }
0x5f: {  	p0 =	sne.s32 s1, $0x0;
	_ =	strace $0x9000004A  }
0x60: {  	s0 =	sadd.s32 @!p0 $0x100000, s0;
	[bflag:$0x2] =	sbarrier.arrive $0xFFFF  }
0x61: {  	[sflag:s0] =	ssyncadd.tile.s32 @!p0 $0x1;
	_ =	shalt  }
.Lfunc_end1:
_tile_overlayer_lowered:
.L_overlay_start_2:
0x62: {  	(tag) =	ssettag $0x2  }
0x63: {  	s0 =	rddreg [dreg:$0x0];
	s2 =	stileid.u32  }
0x64: {  	s1 =	rddreg [dreg:$0x1];
	p0 =	sne.s32 s2, $0x0  }
0x65: {  	s3 =	rddreg [dreg:$0x2];
	[bflag:$0x3] =	sbarrier.arrive $0xFFFF;
	s2 =	simm.s32 @!p0 $0x1C01  }
0x66: {  	[timem:s3], [sflag:s2] =	dma.local @!p0 [hbm:s0], s1  }
0x67: {  	s0 =	simm.s32 @!p0 $0x1  }
0x68: {  	_ =	swait.ge @!p0 [sflag:s0], s1  }
0x69: {  	s1 =	ssub.s32 @!p0 $0x0, s1;
	[sflag:s0] =	ssyncset.done @!p0 $0x0  }
0x6a: {  	[sflag:s0] =	ssyncadd.s32 @!p0 s1  }
0x6b: {  	[bflag:$0x3] =	sbarrier.arrive $0xFFFF  }
0x6c: {  	_ =	shalt  }

</sc_bundles>
